<compile_context>
chip_gen: v7x
topology: tpu7x:2x2x1
jax: 0.10.2.dev20260603
libtpu: 0.0.44.dev20260713+nightly
codegen_flags: <defaults>
</compile_context>

<pallas_src>
import functools

import jax
import jax.numpy as jnp
from jax import lax
from jax.experimental import pallas as pl
from jax.experimental.pallas import tpu as pltpu
from jax.experimental.pallas import tpu_sc as plsc

VOCAB = 1000
D = 2048
F = 8
B, S = 2, 2048
N = B * S

NC, NS, L = 2, 16, 16
NW = NC * NS
P_W = N // NW
C = 2
G = C * F
NCHUNK = P_W // C
NB = 3

_mesh = plsc.VectorSubcoreMesh(core_axis_name="c", subcore_axis_name="s")


@functools.partial(
    pl.kernel,
    mesh=_mesh,
    out_type=jax.ShapeDtypeStruct((N, D), jnp.float32),
    scratch_types=[
        pltpu.VMEM((NCHUNK, G), jnp.int32),
        pltpu.VMEM((G, D), jnp.float32),
        pltpu.VMEM((G, D), jnp.float32),
        pltpu.VMEM((G, D), jnp.float32),
        pltpu.VMEM((C, D), jnp.float32),
        pltpu.VMEM((C, D), jnp.float32),
        pltpu.VMEM((C, D), jnp.float32),
        pltpu.SemaphoreType.DMA,
        pltpu.SemaphoreType.DMA,
        pltpu.SemaphoreType.DMA,
        pltpu.SemaphoreType.DMA,
        pltpu.SemaphoreType.DMA,
        pltpu.SemaphoreType.DMA,
    ],
)
def _embed_sc(x_hbm, w_hbm, out_hbm, idx_v, rows0, rows1, rows2,
              acc0, acc1, acc2, sem0, sem1, sem2, wsem0, wsem1, wsem2):
    wid = lax.axis_index("s") * NC + lax.axis_index("c")
    row_base = wid * P_W
    bufs = (rows0, rows1, rows2)
    sems = (sem0, sem1, sem2)
    accs = (acc0, acc1, acc2)
    wsems = (wsem0, wsem1, wsem2)

    pltpu.sync_copy(x_hbm.at[wid], idx_v)
    offs = (lax.iota(jnp.int32, 16) % F) * VOCAB

    def _bias(c, carry):
        idx_v[c, pl.ds(0, L)] = idx_v[c, pl.ds(0, L)] + offs
        return carry

    lax.fori_loop(0, NCHUNK, _bias, 0)

    pltpu.async_copy(w_hbm.at[idx_v.at[0]], rows0, sem0)
    pltpu.async_copy(w_hbm.at[idx_v.at[1]], rows1, sem1)

    def _maybe(cond, fn):
        if isinstance(cond, bool):
            if cond:
                fn()
        else:
            pl.when(cond)(fn)

    def _chunk(k, b):
        nb2 = (b + 2) % NB

        def _prefetch():
            pltpu.async_copy(w_hbm.at[idx_v.at[k + 2]], bufs[nb2], sems[nb2])

        _maybe(k + 2 < NCHUNK, _prefetch)

        pltpu.make_async_copy(w_hbm.at[idx_v.at[k]], bufs[b], sems[b]).wait()
        rows_v = bufs[b]
        acc_v = accs[b]

        def _wb_wait():
            pltpu.make_async_copy(
                acc_v, out_hbm.at[pl.ds(row_base + (k - NB) * C, C)], wsems[b]
            ).wait()

        _maybe(k >= NB, _wb_wait)

        @plsc.parallel_loop(0, D // L, unroll=8)
        def _cols(j):
            col = j * L
            for c in range(C):
                t = [rows_v[c * F + f, pl.ds(col, L)] for f in range(F)]
                while len(t) > 1:
                    t = [a + b2 for a, b2 in zip(t[::2], t[1::2])]
                acc_v[c, pl.ds(col, L)] = t[0]

        pltpu.async_copy(
            acc_v, out_hbm.at[pl.ds(row_base + k * C, C)], wsems[b]
        )

    def _triple(k3, carry):
        for b in range(NB):
            _chunk(k3 * NB + b, b)
        return carry

    lax.fori_loop(0, NCHUNK // NB, _triple, 0)
    _chunk(NCHUNK - 1, (NCHUNK - 1) % NB)

    for k in range(NCHUNK - NB, NCHUNK):
        b = k % NB
        pltpu.make_async_copy(
            accs[b], out_hbm.at[pl.ds(row_base + k * C, C)], wsems[b]
        ).wait()


def kernel(x, W):
    xf = x.astype(jnp.int32).reshape(NW, NCHUNK, G)
    out = _embed_sc(xf, W)
    return out.reshape(B, S, D)

# --- scband reference (transcript-rebuilt; emitter-appended) ---
"""Pipeline reference for scband-token-embedding-22814866277093 (READ-ONLY COPY).

The authoritative reference and input builder live on the scoring server;
editing this copy changes nothing except your own understanding.
"""

import jax, jax.numpy as jnp
import numpy as np

VOCAB = 1000
N_EMBD = 2048
B, S, F = 2, 2048, 8

def setup_inputs(seed: int = 0) -> dict:
    key = jax.random.key(seed)
    k1, k2 = jax.random.split(key)
    x = jax.random.randint(k1, (B, S, F), 0, VOCAB, dtype=jnp.int64 if jax.config.jax_enable_x64 else jnp.int32)
    # torch nn.Linear(vocab*8, n_embd, bias=False): weight [n_embd, vocab*8]; store transposed for y = onehot @ W
    W = jax.random.normal(k2, (VOCAB * F, N_EMBD), dtype=jnp.float32) * 0.02
    return {"x": x, "W": W}

def reference(x, W):
    # TokenEmbedding with token_embedding_type='FC_extended':
    # OneHot(vocab) over last dim, flatten last two dims, then Linear(vocab*8 -> n_embd, bias=False)
    oh = jax.nn.one_hot(x.astype(jnp.int32), VOCAB, dtype=jnp.float32)  # [B, S, 8, VOCAB]
    flat = oh.reshape(oh.shape[:-2] + (F * VOCAB,))  # [B, S, 8*VOCAB]
    out = flat @ W  # [B, S, N_EMBD]
    return out

if __name__ == "__main__":
    import jax
    _d = setup_inputs()
    print(jax.jit(kernel)(*tuple(_d.values())))

</pallas_src>

<mosaic_0001>
#map = affine_map<(d0, d1) -> (0, 0, 0)>
#map1 = affine_map<(d0, d1) -> (0, 0)>
module attributes {stable_mosaic.version = 14 : i64} {
  func.func @_embed_sc(%arg0: i32, %arg1: i32, %arg2: memref<32x64x16xi32, #tpu.memory_space<hbm>>, %arg3: memref<8000x2048xf32, #tpu.memory_space<hbm>>, %arg4: memref<4096x2048xf32, #tpu.memory_space<hbm>>, %arg5: memref<64x16xi32, #tpu.memory_space<vmem>>, %arg6: memref<16x2048xf32, #tpu.memory_space<vmem>>, %arg7: memref<16x2048xf32, #tpu.memory_space<vmem>>, %arg8: memref<16x2048xf32, #tpu.memory_space<vmem>>, %arg9: memref<2x2048xf32, #tpu.memory_space<vmem>>, %arg10: memref<2x2048xf32, #tpu.memory_space<vmem>>, %arg11: memref<2x2048xf32, #tpu.memory_space<vmem>>, %arg12: memref<!tpu.dma_semaphore, #tpu.memory_space<semaphore_mem>>, %arg13: memref<!tpu.dma_semaphore, #tpu.memory_space<semaphore_mem>>, %arg14: memref<!tpu.dma_semaphore, #tpu.memory_space<semaphore_mem>>, %arg15: memref<!tpu.dma_semaphore, #tpu.memory_space<semaphore_mem>>, %arg16: memref<!tpu.dma_semaphore, #tpu.memory_space<semaphore_mem>>, %arg17: memref<!tpu.dma_semaphore, #tpu.memory_space<semaphore_mem>>) attributes {dimension_semantics = [#tpu.dimension_semantics<core_parallel>, #tpu.dimension_semantics<subcore_parallel>], iteration_bounds = array<i64: 2, 16>, scalar_prefetch = 0 : i64, scratch_operands = 13 : i64, tpu.core_type = #tpu.core_type<sc_vector_subcore>, window_params = [{transform_indices = #map}, {transform_indices = #map1}, {transform_indices = #map1}]} {
    %mul3A = arith.constant 2 : i32
    %mul3A_0 = arith.muli %arg1, %mul3A : i32
    %add3A = arith.addi %mul3A_0, %arg0 : i32
    %mul3A_1 = arith.constant 128 : i32
    %mul3A_2 = arith.muli %add3A, %mul3A_1 : i32
    "tpu.region"() ({
      %run_scoped3A = tpu.sem_alloc : memref<!tpu.dma_semaphore, #tpu.memory_space<semaphore_mem>>
      %dma_start3A_83 = arith.constant 0 : i32
      %dma_start3A_84 = arith.constant 0 : i32
      %dma_start3A_85 = tpu.memref_slice %arg2[%add3A, %dma_start3A_83, %dma_start3A_84] : memref<32x64x16xi32, #tpu.memory_space<hbm>> -> memref<1x64x16xi32, #tpu.memory_space<hbm>>
      %dma_start3A_86 = tpu.memref_squeeze %dma_start3A_85 : memref<1x64x16xi32, #tpu.memory_space<hbm>> -> memref<64x16xi32, #tpu.memory_space<hbm>>
      %dma_start3A_87 = arith.constant 0 : i32
      %dma_start3A_88 = arith.constant 0 : i32
      %dma_start3A_89 = tpu.memref_slice %arg2[%add3A, %dma_start3A_87, %dma_start3A_88] : memref<32x64x16xi32, #tpu.memory_space<hbm>> -> memref<1x64x16xi32, #tpu.memory_space<hbm>>
      %dma_start3A_90 = tpu.memref_squeeze %dma_start3A_89 : memref<1x64x16xi32, #tpu.memory_space<hbm>> -> memref<64x16xi32, #tpu.memory_space<hbm>>
      tpu.enqueue_dma source(%dma_start3A_90 : memref<64x16xi32, #tpu.memory_space<hbm>>) target(%arg5 : memref<64x16xi32, #tpu.memory_space<vmem>>) target_semaphore(%run_scoped3A : memref<!tpu.dma_semaphore, #tpu.memory_space<semaphore_mem>>)
      %dma_wait3A_91 = arith.constant 0 : i32
      %dma_wait3A_92 = arith.constant 0 : i32
      %dma_wait3A_93 = tpu.memref_slice %arg2[%add3A, %dma_wait3A_91, %dma_wait3A_92] : memref<32x64x16xi32, #tpu.memory_space<hbm>> -> memref<1x64x16xi32, #tpu.memory_space<hbm>>
      %dma_wait3A_94 = tpu.memref_squeeze %dma_wait3A_93 : memref<1x64x16xi32, #tpu.memory_space<hbm>> -> memref<64x16xi32, #tpu.memory_space<hbm>>
      %dma_wait3A_95 = arith.constant 0 : i32
      %dma_wait3A_96 = arith.constant 0 : i32
      %dma_wait3A_97 = tpu.memref_slice %arg2[%add3A, %dma_wait3A_95, %dma_wait3A_96] : memref<32x64x16xi32, #tpu.memory_space<hbm>> -> memref<1x64x16xi32, #tpu.memory_space<hbm>>
      %dma_wait3A_98 = tpu.memref_squeeze %dma_wait3A_97 : memref<1x64x16xi32, #tpu.memory_space<hbm>> -> memref<64x16xi32, #tpu.memory_space<hbm>>
      tpu.wait_dma2 semaphore(%run_scoped3A : memref<!tpu.dma_semaphore, #tpu.memory_space<semaphore_mem>>) src(%dma_wait3A_98 : memref<64x16xi32, #tpu.memory_space<hbm>>) dst(%arg5 : memref<64x16xi32, #tpu.memory_space<vmem>>)
      tpu.yield
    }) : () -> ()
    %iota3A = tpu.iota {dimensions = array<i32: 0>} : vector<16xi32>
    %jit3A = arith.constant 8 : i32
    %eq3A = arith.constant 0 : i32
    %eq3A_3 = arith.cmpi eq, %jit3A, %eq3A : i32
    %jit3A_4 = arith.constant 1 : i32
    %select_n3A = arith.select %eq3A_3, %jit3A_4, %jit3A : i32
    %rem3A = vector.broadcast %select_n3A : i32 to vector<16xi32>
    %rem3A_5 = arith.remsi %iota3A, %rem3A : vector<16xi32>
    %ne3A = arith.constant 0 : i32
    %ne3A_6 = vector.broadcast %ne3A : i32 to vector<16xi32>
    %ne3A_7 = arith.cmpi ne, %rem3A_5, %ne3A_6 : vector<16xi32>
    %lt3A = arith.constant 0 : i32
    %lt3A_8 = vector.broadcast %lt3A : i32 to vector<16xi32>
    %lt3A_9 = arith.cmpi slt, %rem3A_5, %lt3A_8 : vector<16xi32>
    %lt3A_10 = arith.constant 0 : i32
    %lt3A_11 = arith.cmpi slt, %select_n3A, %lt3A_10 : i32
    %ne3A_12 = vector.broadcast %lt3A_11 : i1 to vector<16xi1>
    %ne3A_13 = vector.broadcast %ne3A_12 : vector<16xi1> to vector<16xi1>
    %ne3A_14 = arith.xori %lt3A_9, %ne3A_13 : vector<16xi1>
    %and3A = arith.andi %ne3A_14, %ne3A_7 : vector<16xi1>
    %add3A_15 = vector.broadcast %select_n3A : i32 to vector<16xi32>
    %add3A_16 = arith.addi %rem3A_5, %add3A_15 : vector<16xi32>
    %select_n3A_17 = arith.select %and3A, %add3A_16, %rem3A_5 : vector<16xi1>, vector<16xi32>
    %mul3A_18 = arith.constant 1000 : i32
    %mul3A_19 = vector.broadcast %mul3A_18 : i32 to vector<16xi32>
    %mul3A_20 = arith.muli %select_n3A_17, %mul3A_19 : vector<16xi32>
    %scan3A = arith.constant 0 : i32
    %scan3A_21 = arith.constant 0 : i32
    %scan3A_22 = arith.constant 64 : i32
    %scan3A_23 = arith.addi %scan3A_21, %scan3A_22 : i32
    %scan3A_24 = arith.constant 1 : i32
    scf.for %scan3A_83 = %scan3A_21 to %scan3A_23 step %scan3A_24  : i32 {
      %get3A = arith.index_cast %scan3A_83 : i32 to index
      %get3A_84 = arith.constant 0 : index
      %get3A_85 = tpu.vector_load %arg5[%get3A, %get3A_84] {strides = array<i32>} : memref<64x16xi32, #tpu.memory_space<vmem>>, vector<1x16xi32>,
      %get3A_86 = vector.shape_cast %get3A_85 : vector<1x16xi32> to vector<16xi32>
      %add3A_87 = arith.addi %get3A_86, %mul3A_20 : vector<16xi32>
      %swap3A = arith.index_cast %scan3A_83 : i32 to index
      %swap3A_88 = arith.constant 0 : index
      %swap3A_89 = tpu.vector_load %arg5[%swap3A, %swap3A_88] {strides = array<i32>} : memref<64x16xi32, #tpu.memory_space<vmem>>, vector<1x16xi32>,
      %swap3A_90 = vector.shape_cast %swap3A_89 : vector<1x16xi32> to vector<16xi32>
      %swap3A_91 = vector.shape_cast %add3A_87 : vector<16xi32> to vector<1x16xi32>
      tpu.vector_store %arg5[%swap3A, %swap3A_88], %swap3A_91 {strides = array<i32>} : memref<64x16xi32, #tpu.memory_space<vmem>>, vector<1x16xi32>,
    }
    %scan3A_25 = arith.constant 64 : i32
    %dma_start3A = arith.constant 0 : i32
    %dma_start3A_26 = arith.constant 0 : i32
    %dma_start3A_27 = tpu.memref_slice %arg5[%dma_start3A, %dma_start3A_26] : memref<64x16xi32, #tpu.memory_space<vmem>> -> memref<1x16xi32, #tpu.memory_space<vmem>>
    %dma_start3A_28 = tpu.memref_squeeze %dma_start3A_27 : memref<1x16xi32, #tpu.memory_space<vmem>> -> memref<16xi32, #tpu.memory_space<vmem>>
    %dma_start3A_29 = arith.constant 0 : i32
    %dma_start3A_30 = arith.constant 0 : i32
    %dma_start3A_31 = tpu.memref_slice %arg3[%dma_start3A_29, %dma_start3A_30] : memref<8000x2048xf32, #tpu.memory_space<hbm>> -> memref<8000x2048xf32, #tpu.memory_space<hbm>>
    tpu.enqueue_indirect_dma source(%dma_start3A_31 : memref<8000x2048xf32, #tpu.memory_space<hbm>>) target(%arg6 : memref<16x2048xf32, #tpu.memory_space<vmem>>) offsets(%dma_start3A_28 : memref<16xi32, #tpu.memory_space<vmem>>) semaphore(%arg12 : memref<!tpu.dma_semaphore, #tpu.memory_space<semaphore_mem>>)
    %dma_start3A_32 = arith.constant 1 : i32
    %dma_start3A_33 = arith.constant 0 : i32
    %dma_start3A_34 = tpu.memref_slice %arg5[%dma_start3A_32, %dma_start3A_33] : memref<64x16xi32, #tpu.memory_space<vmem>> -> memref<1x16xi32, #tpu.memory_space<vmem>>
    %dma_start3A_35 = tpu.memref_squeeze %dma_start3A_34 : memref<1x16xi32, #tpu.memory_space<vmem>> -> memref<16xi32, #tpu.memory_space<vmem>>
    %dma_start3A_36 = arith.constant 0 : i32
    %dma_start3A_37 = arith.constant 0 : i32
    %dma_start3A_38 = tpu.memref_slice %arg3[%dma_start3A_36, %dma_start3A_37] : memref<8000x2048xf32, #tpu.memory_space<hbm>> -> memref<8000x2048xf32, #tpu.memory_space<hbm>>
    tpu.enqueue_indirect_dma source(%dma_start3A_38 : memref<8000x2048xf32, #tpu.memory_space<hbm>>) target(%arg7 : memref<16x2048xf32, #tpu.memory_space<vmem>>) offsets(%dma_start3A_35 : memref<16xi32, #tpu.memory_space<vmem>>) semaphore(%arg13 : memref<!tpu.dma_semaphore, #tpu.memory_space<semaphore_mem>>)
    %scan3A_39 = arith.constant 0 : i32
    %scan3A_40 = arith.constant 0 : i32
    %scan3A_41 = arith.constant 21 : i32
    %scan3A_42 = arith.addi %scan3A_40, %scan3A_41 : i32
    %scan3A_43 = arith.constant 1 : i32
    scf.for %scan3A_83 = %scan3A_40 to %scan3A_42 step %scan3A_43  : i32 {
      %mul3A_84 = arith.constant 3 : i32
      %mul3A_85 = arith.muli %scan3A_83, %mul3A_84 : i32
      %add3A_86 = arith.constant 0 : i32
      %add3A_87 = arith.addi %mul3A_85, %add3A_86 : i32
      %add3A_88 = arith.constant 2 : i32
      %add3A_89 = arith.addi %add3A_87, %add3A_88 : i32
      %lt3A_90 = arith.constant 64 : i32
      %lt3A_91 = arith.cmpi slt, %add3A_89, %lt3A_90 : i32
      %convert_element_type3A = arith.extui %lt3A_91 : i1 to i32
      %cond3A = arith.constant 0 : i32
      %cond3A_92 = arith.cmpi ne, %convert_element_type3A, %cond3A : i32
      scf.if %cond3A_92 {
        %add3A_177 = arith.constant 2 : i32
        %add3A_178 = arith.addi %add3A_87, %add3A_177 : i32
        %dma_start3A_179 = arith.constant 0 : i32
        %dma_start3A_180 = tpu.memref_slice %arg5[%add3A_178, %dma_start3A_179] : memref<64x16xi32, #tpu.memory_space<vmem>> -> memref<1x16xi32, #tpu.memory_space<vmem>>
        %dma_start3A_181 = tpu.memref_squeeze %dma_start3A_180 : memref<1x16xi32, #tpu.memory_space<vmem>> -> memref<16xi32, #tpu.memory_space<vmem>>
        %dma_start3A_182 = arith.constant 0 : i32
        %dma_start3A_183 = arith.constant 0 : i32
        %dma_start3A_184 = tpu.memref_slice %arg3[%dma_start3A_182, %dma_start3A_183] : memref<8000x2048xf32, #tpu.memory_space<hbm>> -> memref<8000x2048xf32, #tpu.memory_space<hbm>>
        tpu.enqueue_indirect_dma source(%dma_start3A_184 : memref<8000x2048xf32, #tpu.memory_space<hbm>>) target(%arg8 : memref<16x2048xf32, #tpu.memory_space<vmem>>) offsets(%dma_start3A_181 : memref<16xi32, #tpu.memory_space<vmem>>) semaphore(%arg14 : memref<!tpu.dma_semaphore, #tpu.memory_space<semaphore_mem>>)
      } else {
      }
      %dma_wait3A_93 = arith.constant 0 : i32
      %dma_wait3A_94 = tpu.memref_slice %arg5[%add3A_87, %dma_wait3A_93] : memref<64x16xi32, #tpu.memory_space<vmem>> -> memref<1x16xi32, #tpu.memory_space<vmem>>
      %dma_wait3A_95 = tpu.memref_squeeze %dma_wait3A_94 : memref<1x16xi32, #tpu.memory_space<vmem>> -> memref<16xi32, #tpu.memory_space<vmem>>
      %dma_wait3A_96 = arith.constant 0 : i32
      %dma_wait3A_97 = arith.constant 0 : i32
      %dma_wait3A_98 = tpu.memref_slice %arg3[%dma_wait3A_96, %dma_wait3A_97] : memref<8000x2048xf32, #tpu.memory_space<hbm>> -> memref<8000x2048xf32, #tpu.memory_space<hbm>>
      tpu.wait_indirect_dma semaphore(%arg12 : memref<!tpu.dma_semaphore, #tpu.memory_space<semaphore_mem>>) src(%dma_wait3A_98 : memref<8000x2048xf32, #tpu.memory_space<hbm>>) dst(%arg6 : memref<16x2048xf32, #tpu.memory_space<vmem>>)
      %ge3A = arith.constant 3 : i32
      %ge3A_99 = arith.cmpi sge, %add3A_87, %ge3A : i32
      %convert_element_type3A_100 = arith.extui %ge3A_99 : i1 to i32
      %cond3A_101 = arith.constant 0 : i32
      %cond3A_102 = arith.cmpi ne, %convert_element_type3A_100, %cond3A_101 : i32
      scf.if %cond3A_102 {
        %sub3A = arith.constant 3 : i32
        %sub3A_177 = arith.subi %add3A_87, %sub3A : i32
        %mul3A_178 = arith.constant 2 : i32
        %mul3A_179 = arith.muli %sub3A_177, %mul3A_178 : i32
        %add3A_180 = arith.addi %mul3A_2, %mul3A_179 : i32
        %dma_wait3A_181 = arith.constant 0 : i32
        %dma_wait3A_182 = tpu.memref_slice %arg4[%add3A_180, %dma_wait3A_181] : memref<4096x2048xf32, #tpu.memory_space<hbm>> -> memref<2x2048xf32, #tpu.memory_space<hbm>>
        %dma_wait3A_183 = arith.constant 0 : i32
        %dma_wait3A_184 = tpu.memref_slice %arg4[%add3A_180, %dma_wait3A_183] : memref<4096x2048xf32, #tpu.memory_space<hbm>> -> memref<2x2048xf32, #tpu.memory_space<hbm>>
        tpu.wait_dma2 semaphore(%arg15 : memref<!tpu.dma_semaphore, #tpu.memory_space<semaphore_mem>>) src(%arg9 : memref<2x2048xf32, #tpu.memory_space<vmem>>) dst(%dma_wait3A_184 : memref<2x2048xf32, #tpu.memory_space<hbm>>)
      } else {
      }
      %parallel_loop3A_103 = arith.constant 0 : i32
      %parallel_loop3A_104 = arith.constant 128 : i32
      %parallel_loop3A_105 = arith.constant 1 : i32
      scf.for %parallel_loop3A_177 = %parallel_loop3A_103 to %parallel_loop3A_104 step %parallel_loop3A_105  : i32 {
        %parallel_loop3A_178 = arith.constant 16 : i32
        %parallel_loop3A_179 = arith.muli %parallel_loop3A_177, %parallel_loop3A_178 : i32
        %parallel_loop3A_180 = arith.constant 0 : i32
        %parallel_loop3A_181 = arith.index_cast %parallel_loop3A_180 : i32 to index
        %parallel_loop3A_182 = arith.index_cast %parallel_loop3A_179 : i32 to index
        %parallel_loop3A_183 = tpu.vector_load %arg6[%parallel_loop3A_181, %parallel_loop3A_182] {strides = array<i32>} : memref<16x2048xf32, #tpu.memory_space<vmem>>, vector<1x16xf32>,
        %parallel_loop3A_184 = vector.shape_cast %parallel_loop3A_183 : vector<1x16xf32> to vector<16xf32>
        %parallel_loop3A_185 = arith.constant 1 : i32
        %parallel_loop3A_186 = arith.index_cast %parallel_loop3A_185 : i32 to index
        %parallel_loop3A_187 = arith.index_cast %parallel_loop3A_179 : i32 to index
        %parallel_loop3A_188 = tpu.vector_load %arg6[%parallel_loop3A_186, %parallel_loop3A_187] {strides = array<i32>} : memref<16x2048xf32, #tpu.memory_space<vmem>>, vector<1x16xf32>,
        %parallel_loop3A_189 = vector.shape_cast %parallel_loop3A_188 : vector<1x16xf32> to vector<16xf32>
        %parallel_loop3A_190 = arith.constant 2 : i32
        %parallel_loop3A_191 = arith.index_cast %parallel_loop3A_190 : i32 to index
        %parallel_loop3A_192 = arith.index_cast %parallel_loop3A_179 : i32 to index
        %parallel_loop3A_193 = tpu.vector_load %arg6[%parallel_loop3A_191, %parallel_loop3A_192] {strides = array<i32>} : memref<16x2048xf32, #tpu.memory_space<vmem>>, vector<1x16xf32>,
        %parallel_loop3A_194 = vector.shape_cast %parallel_loop3A_193 : vector<1x16xf32> to vector<16xf32>
        %parallel_loop3A_195 = arith.constant 3 : i32
        %parallel_loop3A_196 = arith.index_cast %parallel_loop3A_195 : i32 to index
        %parallel_loop3A_197 = arith.index_cast %parallel_loop3A_179 : i32 to index
        %parallel_loop3A_198 = tpu.vector_load %arg6[%parallel_loop3A_196, %parallel_loop3A_197] {strides = array<i32>} : memref<16x2048xf32, #tpu.memory_space<vmem>>, vector<1x16xf32>,
        %parallel_loop3A_199 = vector.shape_cast %parallel_loop3A_198 : vector<1x16xf32> to vector<16xf32>
        %parallel_loop3A_200 = arith.constant 4 : i32
        %parallel_loop3A_201 = arith.index_cast %parallel_loop3A_200 : i32 to index
        %parallel_loop3A_202 = arith.index_cast %parallel_loop3A_179 : i32 to index
        %parallel_loop3A_203 = tpu.vector_load %arg6[%parallel_loop3A_201, %parallel_loop3A_202] {strides = array<i32>} : memref<16x2048xf32, #tpu.memory_space<vmem>>, vector<1x16xf32>,
        %parallel_loop3A_204 = vector.shape_cast %parallel_loop3A_203 : vector<1x16xf32> to vector<16xf32>
        %parallel_loop3A_205 = arith.constant 5 : i32
        %parallel_loop3A_206 = arith.index_cast %parallel_loop3A_205 : i32 to index
        %parallel_loop3A_207 = arith.index_cast %parallel_loop3A_179 : i32 to index
        %parallel_loop3A_208 = tpu.vector_load %arg6[%parallel_loop3A_206, %parallel_loop3A_207] {strides = array<i32>} : memref<16x2048xf32, #tpu.memory_space<vmem>>, vector<1x16xf32>,
        %parallel_loop3A_209 = vector.shape_cast %parallel_loop3A_208 : vector<1x16xf32> to vector<16xf32>
        %parallel_loop3A_210 = arith.constant 6 : i32
        %parallel_loop3A_211 = arith.index_cast %parallel_loop3A_210 : i32 to index
        %parallel_loop3A_212 = arith.index_cast %parallel_loop3A_179 : i32 to index
        %parallel_loop3A_213 = tpu.vector_load %arg6[%parallel_loop3A_211, %parallel_loop3A_212] {strides = array<i32>} : memref<16x2048xf32, #tpu.memory_space<vmem>>, vector<1x16xf32>,
        %parallel_loop3A_214 = vector.shape_cast %parallel_loop3A_213 : vector<1x16xf32> to vector<16xf32>
        %parallel_loop3A_215 = arith.constant 7 : i32
        %parallel_loop3A_216 = arith.index_cast %parallel_loop3A_215 : i32 to index
        %parallel_loop3A_217 = arith.index_cast %parallel_loop3A_179 : i32 to index
        %parallel_loop3A_218 = tpu.vector_load %arg6[%parallel_loop3A_216, %parallel_loop3A_217] {strides = array<i32>} : memref<16x2048xf32, #tpu.memory_space<vmem>>, vector<1x16xf32>,
        %parallel_loop3A_219 = vector.shape_cast %parallel_loop3A_218 : vector<1x16xf32> to vector<16xf32>
        %parallel_loop3A_220 = arith.addf %parallel_loop3A_184, %parallel_loop3A_189 : vector<16xf32>
        %parallel_loop3A_221 = arith.addf %parallel_loop3A_194, %parallel_loop3A_199 : vector<16xf32>
        %parallel_loop3A_222 = arith.addf %parallel_loop3A_204, %parallel_loop3A_209 : vector<16xf32>
        %parallel_loop3A_223 = arith.addf %parallel_loop3A_214, %parallel_loop3A_219 : vector<16xf32>
        %parallel_loop3A_224 = arith.addf %parallel_loop3A_220, %parallel_loop3A_221 : vector<16xf32>
        %parallel_loop3A_225 = arith.addf %parallel_loop3A_222, %parallel_loop3A_223 : vector<16xf32>
        %parallel_loop3A_226 = arith.addf %parallel_loop3A_224, %parallel_loop3A_225 : vector<16xf32>
        %parallel_loop3A_227 = arith.constant 0 : i32
        %parallel_loop3A_228 = arith.index_cast %parallel_loop3A_227 : i32 to index
        %parallel_loop3A_229 = arith.index_cast %parallel_loop3A_179 : i32 to index
        %parallel_loop3A_230 = tpu.vector_load %arg9[%parallel_loop3A_228, %parallel_loop3A_229] {strides = array<i32>} : memref<2x2048xf32, #tpu.memory_space<vmem>>, vector<1x16xf32>,
        %parallel_loop3A_231 = vector.shape_cast %parallel_loop3A_230 : vector<1x16xf32> to vector<16xf32>
        %parallel_loop3A_232 = vector.shape_cast %parallel_loop3A_226 : vector<16xf32> to vector<1x16xf32>
        tpu.vector_store %arg9[%parallel_loop3A_228, %parallel_loop3A_229], %parallel_loop3A_232 {strides = array<i32>} : memref<2x2048xf32, #tpu.memory_space<vmem>>, vector<1x16xf32>,
        %parallel_loop3A_233 = arith.constant 8 : i32
        %parallel_loop3A_234 = arith.index_cast %parallel_loop3A_233 : i32 to index
        %parallel_loop3A_235 = arith.index_cast %parallel_loop3A_179 : i32 to index
        %parallel_loop3A_236 = tpu.vector_load %arg6[%parallel_loop3A_234, %parallel_loop3A_235] {strides = array<i32>} : memref<16x2048xf32, #tpu.memory_space<vmem>>, vector<1x16xf32>,
        %parallel_loop3A_237 = vector.shape_cast %parallel_loop3A_236 : vector<1x16xf32> to vector<16xf32>
        %parallel_loop3A_238 = arith.constant 9 : i32
        %parallel_loop3A_239 = arith.index_cast %parallel_loop3A_238 : i32 to index
        %parallel_loop3A_240 = arith.index_cast %parallel_loop3A_179 : i32 to index
        %parallel_loop3A_241 = tpu.vector_load %arg6[%parallel_loop3A_239, %parallel_loop3A_240] {strides = array<i32>} : memref<16x2048xf32, #tpu.memory_space<vmem>>, vector<1x16xf32>,
        %parallel_loop3A_242 = vector.shape_cast %parallel_loop3A_241 : vector<1x16xf32> to vector<16xf32>
        %parallel_loop3A_243 = arith.constant 10 : i32
        %parallel_loop3A_244 = arith.index_cast %parallel_loop3A_243 : i32 to index
        %parallel_loop3A_245 = arith.index_cast %parallel_loop3A_179 : i32 to index
        %parallel_loop3A_246 = tpu.vector_load %arg6[%parallel_loop3A_244, %parallel_loop3A_245] {strides = array<i32>} : memref<16x2048xf32, #tpu.memory_space<vmem>>, vector<1x16xf32>,
        %parallel_loop3A_247 = vector.shape_cast %parallel_loop3A_246 : vector<1x16xf32> to vector<16xf32>
        %parallel_loop3A_248 = arith.constant 11 : i32
        %parallel_loop3A_249 = arith.index_cast %parallel_loop3A_248 : i32 to index
        %parallel_loop3A_250 = arith.index_cast %parallel_loop3A_179 : i32 to index
        %parallel_loop3A_251 = tpu.vector_load %arg6[%parallel_loop3A_249, %parallel_loop3A_250] {strides = array<i32>} : memref<16x2048xf32, #tpu.memory_space<vmem>>, vector<1x16xf32>,
        %parallel_loop3A_252 = vector.shape_cast %parallel_loop3A_251 : vector<1x16xf32> to vector<16xf32>
        %parallel_loop3A_253 = arith.constant 12 : i32
        %parallel_loop3A_254 = arith.index_cast %parallel_loop3A_253 : i32 to index
        %parallel_loop3A_255 = arith.index_cast %parallel_loop3A_179 : i32 to index
        %parallel_loop3A_256 = tpu.vector_load %arg6[%parallel_loop3A_254, %parallel_loop3A_255] {strides = array<i32>} : memref<16x2048xf32, #tpu.memory_space<vmem>>, vector<1x16xf32>,
        %parallel_loop3A_257 = vector.shape_cast %parallel_loop3A_256 : vector<1x16xf32> to vector<16xf32>
        %parallel_loop3A_258 = arith.constant 13 : i32
        %parallel_loop3A_259 = arith.index_cast %parallel_loop3A_258 : i32 to index
        %parallel_loop3A_260 = arith.index_cast %parallel_loop3A_179 : i32 to index
        %parallel_loop3A_261 = tpu.vector_load %arg6[%parallel_loop3A_259, %parallel_loop3A_260] {strides = array<i32>} : memref<16x2048xf32, #tpu.memory_space<vmem>>, vector<1x16xf32>,
        %parallel_loop3A_262 = vector.shape_cast %parallel_loop3A_261 : vector<1x16xf32> to vector<16xf32>
        %parallel_loop3A_263 = arith.constant 14 : i32
        %parallel_loop3A_264 = arith.index_cast %parallel_loop3A_263 : i32 to index
        %parallel_loop3A_265 = arith.index_cast %parallel_loop3A_179 : i32 to index
        %parallel_loop3A_266 = tpu.vector_load %arg6[%parallel_loop3A_264, %parallel_loop3A_265] {strides = array<i32>} : memref<16x2048xf32, #tpu.memory_space<vmem>>, vector<1x16xf32>,
        %parallel_loop3A_267 = vector.shape_cast %parallel_loop3A_266 : vector<1x16xf32> to vector<16xf32>
        %parallel_loop3A_268 = arith.constant 15 : i32
        %parallel_loop3A_269 = arith.index_cast %parallel_loop3A_268 : i32 to index
        %parallel_loop3A_270 = arith.index_cast %parallel_loop3A_179 : i32 to index
        %parallel_loop3A_271 = tpu.vector_load %arg6[%parallel_loop3A_269, %parallel_loop3A_270] {strides = array<i32>} : memref<16x2048xf32, #tpu.memory_space<vmem>>, vector<1x16xf32>,
        %parallel_loop3A_272 = vector.shape_cast %parallel_loop3A_271 : vector<1x16xf32> to vector<16xf32>
        %parallel_loop3A_273 = arith.addf %parallel_loop3A_237, %parallel_loop3A_242 : vector<16xf32>
        %parallel_loop3A_274 = arith.addf %parallel_loop3A_247, %parallel_loop3A_252 : vector<16xf32>
        %parallel_loop3A_275 = arith.addf %parallel_loop3A_257, %parallel_loop3A_262 : vector<16xf32>
        %parallel_loop3A_276 = arith.addf %parallel_loop3A_267, %parallel_loop3A_272 : vector<16xf32>
        %parallel_loop3A_277 = arith.addf %parallel_loop3A_273, %parallel_loop3A_274 : vector<16xf32>
        %parallel_loop3A_278 = arith.addf %parallel_loop3A_275, %parallel_loop3A_276 : vector<16xf32>
        %parallel_loop3A_279 = arith.addf %parallel_loop3A_277, %parallel_loop3A_278 : vector<16xf32>
        %parallel_loop3A_280 = arith.constant 1 : i32
        %parallel_loop3A_281 = arith.index_cast %parallel_loop3A_280 : i32 to index
        %parallel_loop3A_282 = arith.index_cast %parallel_loop3A_179 : i32 to index
        %parallel_loop3A_283 = tpu.vector_load %arg9[%parallel_loop3A_281, %parallel_loop3A_282] {strides = array<i32>} : memref<2x2048xf32, #tpu.memory_space<vmem>>, vector<1x16xf32>,
        %parallel_loop3A_284 = vector.shape_cast %parallel_loop3A_283 : vector<1x16xf32> to vector<16xf32>
        %parallel_loop3A_285 = vector.shape_cast %parallel_loop3A_279 : vector<16xf32> to vector<1x16xf32>
        tpu.vector_store %arg9[%parallel_loop3A_281, %parallel_loop3A_282], %parallel_loop3A_285 {strides = array<i32>} : memref<2x2048xf32, #tpu.memory_space<vmem>>, vector<1x16xf32>,
      } {sc.loop_unroll_factor = 8 : i64, sc.parallel_access}
      %mul3A_106 = arith.constant 2 : i32
      %mul3A_107 = arith.muli %add3A_87, %mul3A_106 : i32
      %add3A_108 = arith.addi %mul3A_2, %mul3A_107 : i32
      %dma_start3A_109 = arith.constant 0 : i32
      %dma_start3A_110 = tpu.memref_slice %arg4[%add3A_108, %dma_start3A_109] : memref<4096x2048xf32, #tpu.memory_space<hbm>> -> memref<2x2048xf32, #tpu.memory_space<hbm>>
      %dma_start3A_111 = arith.constant 0 : i32
      %dma_start3A_112 = tpu.memref_slice %arg4[%add3A_108, %dma_start3A_111] : memref<4096x2048xf32, #tpu.memory_space<hbm>> -> memref<2x2048xf32, #tpu.memory_space<hbm>>
      tpu.enqueue_dma source(%arg9 : memref<2x2048xf32, #tpu.memory_space<vmem>>) target(%dma_start3A_112 : memref<2x2048xf32, #tpu.memory_space<hbm>>) target_semaphore(%arg15 : memref<!tpu.dma_semaphore, #tpu.memory_space<semaphore_mem>>)
      %mul3A_113 = arith.constant 3 : i32
      %mul3A_114 = arith.muli %scan3A_83, %mul3A_113 : i32
      %add3A_115 = arith.constant 1 : i32
      %add3A_116 = arith.addi %mul3A_114, %add3A_115 : i32
      %add3A_117 = arith.constant 2 : i32
      %add3A_118 = arith.addi %add3A_116, %add3A_117 : i32
      %lt3A_119 = arith.constant 64 : i32
      %lt3A_120 = arith.cmpi slt, %add3A_118, %lt3A_119 : i32
      %convert_element_type3A_121 = arith.extui %lt3A_120 : i1 to i32
      %cond3A_122 = arith.constant 0 : i32
      %cond3A_123 = arith.cmpi ne, %convert_element_type3A_121, %cond3A_122 : i32
      scf.if %cond3A_123 {
        %add3A_177 = arith.constant 2 : i32
        %add3A_178 = arith.addi %add3A_116, %add3A_177 : i32
        %dma_start3A_179 = arith.constant 0 : i32
        %dma_start3A_180 = tpu.memref_slice %arg5[%add3A_178, %dma_start3A_179] : memref<64x16xi32, #tpu.memory_space<vmem>> -> memref<1x16xi32, #tpu.memory_space<vmem>>
        %dma_start3A_181 = tpu.memref_squeeze %dma_start3A_180 : memref<1x16xi32, #tpu.memory_space<vmem>> -> memref<16xi32, #tpu.memory_space<vmem>>
        %dma_start3A_182 = arith.constant 0 : i32
        %dma_start3A_183 = arith.constant 0 : i32
        %dma_start3A_184 = tpu.memref_slice %arg3[%dma_start3A_182, %dma_start3A_183] : memref<8000x2048xf32, #tpu.memory_space<hbm>> -> memref<8000x2048xf32, #tpu.memory_space<hbm>>
        tpu.enqueue_indirect_dma source(%dma_start3A_184 : memref<8000x2048xf32, #tpu.memory_space<hbm>>) target(%arg6 : memref<16x2048xf32, #tpu.memory_space<vmem>>) offsets(%dma_start3A_181 : memref<16xi32, #tpu.memory_space<vmem>>) semaphore(%arg12 : memref<!tpu.dma_semaphore, #tpu.memory_space<semaphore_mem>>)
      } else {
      }
      %dma_wait3A_124 = arith.constant 0 : i32
      %dma_wait3A_125 = tpu.memref_slice %arg5[%add3A_116, %dma_wait3A_124] : memref<64x16xi32, #tpu.memory_space<vmem>> -> memref<1x16xi32, #tpu.memory_space<vmem>>
      %dma_wait3A_126 = tpu.memref_squeeze %dma_wait3A_125 : memref<1x16xi32, #tpu.memory_space<vmem>> -> memref<16xi32, #tpu.memory_space<vmem>>
      %dma_wait3A_127 = arith.constant 0 : i32
      %dma_wait3A_128 = arith.constant 0 : i32
      %dma_wait3A_129 = tpu.memref_slice %arg3[%dma_wait3A_127, %dma_wait3A_128] : memref<8000x2048xf32, #tpu.memory_space<hbm>> -> memref<8000x2048xf32, #tpu.memory_space<hbm>>
      tpu.wait_indirect_dma semaphore(%arg13 : memref<!tpu.dma_semaphore, #tpu.memory_space<semaphore_mem>>) src(%dma_wait3A_129 : memref<8000x2048xf32, #tpu.memory_space<hbm>>) dst(%arg7 : memref<16x2048xf32, #tpu.memory_space<vmem>>)
      %ge3A_130 = arith.constant 3 : i32
      %ge3A_131 = arith.cmpi sge, %add3A_116, %ge3A_130 : i32
      %convert_element_type3A_132 = arith.extui %ge3A_131 : i1 to i32
      %cond3A_133 = arith.constant 0 : i32
      %cond3A_134 = arith.cmpi ne, %convert_element_type3A_132, %cond3A_133 : i32
      scf.if %cond3A_134 {
        %sub3A = arith.constant 3 : i32
        %sub3A_177 = arith.subi %add3A_116, %sub3A : i32
        %mul3A_178 = arith.constant 2 : i32
        %mul3A_179 = arith.muli %sub3A_177, %mul3A_178 : i32
        %add3A_180 = arith.addi %mul3A_2, %mul3A_179 : i32
        %dma_wait3A_181 = arith.constant 0 : i32
        %dma_wait3A_182 = tpu.memref_slice %arg4[%add3A_180, %dma_wait3A_181] : memref<4096x2048xf32, #tpu.memory_space<hbm>> -> memref<2x2048xf32, #tpu.memory_space<hbm>>
        %dma_wait3A_183 = arith.constant 0 : i32
        %dma_wait3A_184 = tpu.memref_slice %arg4[%add3A_180, %dma_wait3A_183] : memref<4096x2048xf32, #tpu.memory_space<hbm>> -> memref<2x2048xf32, #tpu.memory_space<hbm>>
        tpu.wait_dma2 semaphore(%arg16 : memref<!tpu.dma_semaphore, #tpu.memory_space<semaphore_mem>>) src(%arg10 : memref<2x2048xf32, #tpu.memory_space<vmem>>) dst(%dma_wait3A_184 : memref<2x2048xf32, #tpu.memory_space<hbm>>)
      } else {
      }
      %parallel_loop3A_135 = arith.constant 0 : i32
      %parallel_loop3A_136 = arith.constant 128 : i32
      %parallel_loop3A_137 = arith.constant 1 : i32
      scf.for %parallel_loop3A_177 = %parallel_loop3A_135 to %parallel_loop3A_136 step %parallel_loop3A_137  : i32 {
        %parallel_loop3A_178 = arith.constant 16 : i32
        %parallel_loop3A_179 = arith.muli %parallel_loop3A_177, %parallel_loop3A_178 : i32
        %parallel_loop3A_180 = arith.constant 0 : i32
        %parallel_loop3A_181 = arith.index_cast %parallel_loop3A_180 : i32 to index
        %parallel_loop3A_182 = arith.index_cast %parallel_loop3A_179 : i32 to index
        %parallel_loop3A_183 = tpu.vector_load %arg7[%parallel_loop3A_181, %parallel_loop3A_182] {strides = array<i32>} : memref<16x2048xf32, #tpu.memory_space<vmem>>, vector<1x16xf32>,
        %parallel_loop3A_184 = vector.shape_cast %parallel_loop3A_183 : vector<1x16xf32> to vector<16xf32>
        %parallel_loop3A_185 = arith.constant 1 : i32
        %parallel_loop3A_186 = arith.index_cast %parallel_loop3A_185 : i32 to index
        %parallel_loop3A_187 = arith.index_cast %parallel_loop3A_179 : i32 to index
        %parallel_loop3A_188 = tpu.vector_load %arg7[%parallel_loop3A_186, %parallel_loop3A_187] {strides = array<i32>} : memref<16x2048xf32, #tpu.memory_space<vmem>>, vector<1x16xf32>,
        %parallel_loop3A_189 = vector.shape_cast %parallel_loop3A_188 : vector<1x16xf32> to vector<16xf32>
        %parallel_loop3A_190 = arith.constant 2 : i32
        %parallel_loop3A_191 = arith.index_cast %parallel_loop3A_190 : i32 to index
        %parallel_loop3A_192 = arith.index_cast %parallel_loop3A_179 : i32 to index
        %parallel_loop3A_193 = tpu.vector_load %arg7[%parallel_loop3A_191, %parallel_loop3A_192] {strides = array<i32>} : memref<16x2048xf32, #tpu.memory_space<vmem>>, vector<1x16xf32>,
        %parallel_loop3A_194 = vector.shape_cast %parallel_loop3A_193 : vector<1x16xf32> to vector<16xf32>
        %parallel_loop3A_195 = arith.constant 3 : i32
        %parallel_loop3A_196 = arith.index_cast %parallel_loop3A_195 : i32 to index
        %parallel_loop3A_197 = arith.index_cast %parallel_loop3A_179 : i32 to index
        %parallel_loop3A_198 = tpu.vector_load %arg7[%parallel_loop3A_196, %parallel_loop3A_197] {strides = array<i32>} : memref<16x2048xf32, #tpu.memory_space<vmem>>, vector<1x16xf32>,
        %parallel_loop3A_199 = vector.shape_cast %parallel_loop3A_198 : vector<1x16xf32> to vector<16xf32>
        %parallel_loop3A_200 = arith.constant 4 : i32
        %parallel_loop3A_201 = arith.index_cast %parallel_loop3A_200 : i32 to index
        %parallel_loop3A_202 = arith.index_cast %parallel_loop3A_179 : i32 to index
        %parallel_loop3A_203 = tpu.vector_load %arg7[%parallel_loop3A_201, %parallel_loop3A_202] {strides = array<i32>} : memref<16x2048xf32, #tpu.memory_space<vmem>>, vector<1x16xf32>,
        %parallel_loop3A_204 = vector.shape_cast %parallel_loop3A_203 : vector<1x16xf32> to vector<16xf32>
        %parallel_loop3A_205 = arith.constant 5 : i32
        %parallel_loop3A_206 = arith.index_cast %parallel_loop3A_205 : i32 to index
        %parallel_loop3A_207 = arith.index_cast %parallel_loop3A_179 : i32 to index
        %parallel_loop3A_208 = tpu.vector_load %arg7[%parallel_loop3A_206, %parallel_loop3A_207] {strides = array<i32>} : memref<16x2048xf32, #tpu.memory_space<vmem>>, vector<1x16xf32>,
        %parallel_loop3A_209 = vector.shape_cast %parallel_loop3A_208 : vector<1x16xf32> to vector<16xf32>
        %parallel_loop3A_210 = arith.constant 6 : i32
        %parallel_loop3A_211 = arith.index_cast %parallel_loop3A_210 : i32 to index
        %parallel_loop3A_212 = arith.index_cast %parallel_loop3A_179 : i32 to index
        %parallel_loop3A_213 = tpu.vector_load %arg7[%parallel_loop3A_211, %parallel_loop3A_212] {strides = array<i32>} : memref<16x2048xf32, #tpu.memory_space<vmem>>, vector<1x16xf32>,
        %parallel_loop3A_214 = vector.shape_cast %parallel_loop3A_213 : vector<1x16xf32> to vector<16xf32>
        %parallel_loop3A_215 = arith.constant 7 : i32
        %parallel_loop3A_216 = arith.index_cast %parallel_loop3A_215 : i32 to index
        %parallel_loop3A_217 = arith.index_cast %parallel_loop3A_179 : i32 to index
        %parallel_loop3A_218 = tpu.vector_load %arg7[%parallel_loop3A_216, %parallel_loop3A_217] {strides = array<i32>} : memref<16x2048xf32, #tpu.memory_space<vmem>>, vector<1x16xf32>,
        %parallel_loop3A_219 = vector.shape_cast %parallel_loop3A_218 : vector<1x16xf32> to vector<16xf32>
        %parallel_loop3A_220 = arith.addf %parallel_loop3A_184, %parallel_loop3A_189 : vector<16xf32>
        %parallel_loop3A_221 = arith.addf %parallel_loop3A_194, %parallel_loop3A_199 : vector<16xf32>
        %parallel_loop3A_222 = arith.addf %parallel_loop3A_204, %parallel_loop3A_209 : vector<16xf32>
        %parallel_loop3A_223 = arith.addf %parallel_loop3A_214, %parallel_loop3A_219 : vector<16xf32>
        %parallel_loop3A_224 = arith.addf %parallel_loop3A_220, %parallel_loop3A_221 : vector<16xf32>
        %parallel_loop3A_225 = arith.addf %parallel_loop3A_222, %parallel_loop3A_223 : vector<16xf32>
        %parallel_loop3A_226 = arith.addf %parallel_loop3A_224, %parallel_loop3A_225 : vector<16xf32>
        %parallel_loop3A_227 = arith.constant 0 : i32
        %parallel_loop3A_228 = arith.index_cast %parallel_loop3A_227 : i32 to index
        %parallel_loop3A_229 = arith.index_cast %parallel_loop3A_179 : i32 to index
        %parallel_loop3A_230 = tpu.vector_load %arg10[%parallel_loop3A_228, %parallel_loop3A_229] {strides = array<i32>} : memref<2x2048xf32, #tpu.memory_space<vmem>>, vector<1x16xf32>,
        %parallel_loop3A_231 = vector.shape_cast %parallel_loop3A_230 : vector<1x16xf32> to vector<16xf32>
        %parallel_loop3A_232 = vector.shape_cast %parallel_loop3A_226 : vector<16xf32> to vector<1x16xf32>
        tpu.vector_store %arg10[%parallel_loop3A_228, %parallel_loop3A_229], %parallel_loop3A_232 {strides = array<i32>} : memref<2x2048xf32, #tpu.memory_space<vmem>>, vector<1x16xf32>,
        %parallel_loop3A_233 = arith.constant 8 : i32
        %parallel_loop3A_234 = arith.index_cast %parallel_loop3A_233 : i32 to index
        %parallel_loop3A_235 = arith.index_cast %parallel_loop3A_179 : i32 to index
        %parallel_loop3A_236 = tpu.vector_load %arg7[%parallel_loop3A_234, %parallel_loop3A_235] {strides = array<i32>} : memref<16x2048xf32, #tpu.memory_space<vmem>>, vector<1x16xf32>,
        %parallel_loop3A_237 = vector.shape_cast %parallel_loop3A_236 : vector<1x16xf32> to vector<16xf32>
        %parallel_loop3A_238 = arith.constant 9 : i32
        %parallel_loop3A_239 = arith.index_cast %parallel_loop3A_238 : i32 to index
        %parallel_loop3A_240 = arith.index_cast %parallel_loop3A_179 : i32 to index
        %parallel_loop3A_241 = tpu.vector_load %arg7[%parallel_loop3A_239, %parallel_loop3A_240] {strides = array<i32>} : memref<16x2048xf32, #tpu.memory_space<vmem>>, vector<1x16xf32>,
        %parallel_loop3A_242 = vector.shape_cast %parallel_loop3A_241 : vector<1x16xf32> to vector<16xf32>
        %parallel_loop3A_243 = arith.constant 10 : i32
        %parallel_loop3A_244 = arith.index_cast %parallel_loop3A_243 : i32 to index
        %parallel_loop3A_245 = arith.index_cast %parallel_loop3A_179 : i32 to index
        %parallel_loop3A_246 = tpu.vector_load %arg7[%parallel_loop3A_244, %parallel_loop3A_245] {strides = array<i32>} : memref<16x2048xf32, #tpu.memory_space<vmem>>, vector<1x16xf32>,
        %parallel_loop3A_247 = vector.shape_cast %parallel_loop3A_246 : vector<1x16xf32> to vector<16xf32>
        %parallel_loop3A_248 = arith.constant 11 : i32
        %parallel_loop3A_249 = arith.index_cast %parallel_loop3A_248 : i32 to index
        %parallel_loop3A_250 = arith.index_cast %parallel_loop3A_179 : i32 to index
        %parallel_loop3A_251 = tpu.vector_load %arg7[%parallel_loop3A_249, %parallel_loop3A_250] {strides = array<i32>} : memref<16x2048xf32, #tpu.memory_space<vmem>>, vector<1x16xf32>,
        %parallel_loop3A_252 = vector.shape_cast %parallel_loop3A_251 : vector<1x16xf32> to vector<16xf32>
        %parallel_loop3A_253 = arith.constant 12 : i32
        %parallel_loop3A_254 = arith.index_cast %parallel_loop3A_253 : i32 to index
        %parallel_loop3A_255 = arith.index_cast %parallel_loop3A_179 : i32 to index
        %parallel_loop3A_256 = tpu.vector_load %arg7[%parallel_loop3A_254, %parallel_loop3A_255] {strides = array<i32>} : memref<16x2048xf32, #tpu.memory_space<vmem>>, vector<1x16xf32>,
        %parallel_loop3A_257 = vector.shape_cast %parallel_loop3A_256 : vector<1x16xf32> to vector<16xf32>
        %parallel_loop3A_258 = arith.constant 13 : i32
        %parallel_loop3A_259 = arith.index_cast %parallel_loop3A_258 : i32 to index
        %parallel_loop3A_260 = arith.index_cast %parallel_loop3A_179 : i32 to index
        %parallel_loop3A_261 = tpu.vector_load %arg7[%parallel_loop3A_259, %parallel_loop3A_260] {strides = array<i32>} : memref<16x2048xf32, #tpu.memory_space<vmem>>, vector<1x16xf32>,
        %parallel_loop3A_262 = vector.shape_cast %parallel_loop3A_261 : vector<1x16xf32> to vector<16xf32>
        %parallel_loop3A_263 = arith.constant 14 : i32
        %parallel_loop3A_264 = arith.index_cast %parallel_loop3A_263 : i32 to index
        %parallel_loop3A_265 = arith.index_cast %parallel_loop3A_179 : i32 to index
        %parallel_loop3A_266 = tpu.vector_load %arg7[%parallel_loop3A_264, %parallel_loop3A_265] {strides = array<i32>} : memref<16x2048xf32, #tpu.memory_space<vmem>>, vector<1x16xf32>,
        %parallel_loop3A_267 = vector.shape_cast %parallel_loop3A_266 : vector<1x16xf32> to vector<16xf32>
        %parallel_loop3A_268 = arith.constant 15 : i32
        %parallel_loop3A_269 = arith.index_cast %parallel_loop3A_268 : i32 to index
        %parallel_loop3A_270 = arith.index_cast %parallel_loop3A_179 : i32 to index
        %parallel_loop3A_271 = tpu.vector_load %arg7[%parallel_loop3A_269, %parallel_loop3A_270] {strides = array<i32>} : memref<16x2048xf32, #tpu.memory_space<vmem>>, vector<1x16xf32>,
        %parallel_loop3A_272 = vector.shape_cast %parallel_loop3A_271 : vector<1x16xf32> to vector<16xf32>
        %parallel_loop3A_273 = arith.addf %parallel_loop3A_237, %parallel_loop3A_242 : vector<16xf32>
        %parallel_loop3A_274 = arith.addf %parallel_loop3A_247, %parallel_loop3A_252 : vector<16xf32>
        %parallel_loop3A_275 = arith.addf %parallel_loop3A_257, %parallel_loop3A_262 : vector<16xf32>
        %parallel_loop3A_276 = arith.addf %parallel_loop3A_267, %parallel_loop3A_272 : vector<16xf32>
        %parallel_loop3A_277 = arith.addf %parallel_loop3A_273, %parallel_loop3A_274 : vector<16xf32>
        %parallel_loop3A_278 = arith.addf %parallel_loop3A_275, %parallel_loop3A_276 : vector<16xf32>
        %parallel_loop3A_279 = arith.addf %parallel_loop3A_277, %parallel_loop3A_278 : vector<16xf32>
        %parallel_loop3A_280 = arith.constant 1 : i32
        %parallel_loop3A_281 = arith.index_cast %parallel_loop3A_280 : i32 to index
        %parallel_loop3A_282 = arith.index_cast %parallel_loop3A_179 : i32 to index
        %parallel_loop3A_283 = tpu.vector_load %arg10[%parallel_loop3A_281, %parallel_loop3A_282] {strides = array<i32>} : memref<2x2048xf32, #tpu.memory_space<vmem>>, vector<1x16xf32>,
        %parallel_loop3A_284 = vector.shape_cast %parallel_loop3A_283 : vector<1x16xf32> to vector<16xf32>
        %parallel_loop3A_285 = vector.shape_cast %parallel_loop3A_279 : vector<16xf32> to vector<1x16xf32>
        tpu.vector_store %arg10[%parallel_loop3A_281, %parallel_loop3A_282], %parallel_loop3A_285 {strides = array<i32>} : memref<2x2048xf32, #tpu.memory_space<vmem>>, vector<1x16xf32>,
      } {sc.loop_unroll_factor = 8 : i64, sc.parallel_access}
      %mul3A_138 = arith.constant 2 : i32
      %mul3A_139 = arith.muli %add3A_116, %mul3A_138 : i32
      %add3A_140 = arith.addi %mul3A_2, %mul3A_139 : i32
      %dma_start3A_141 = arith.constant 0 : i32
      %dma_start3A_142 = tpu.memref_slice %arg4[%add3A_140, %dma_start3A_141] : memref<4096x2048xf32, #tpu.memory_space<hbm>> -> memref<2x2048xf32, #tpu.memory_space<hbm>>
      %dma_start3A_143 = arith.constant 0 : i32
      %dma_start3A_144 = tpu.memref_slice %arg4[%add3A_140, %dma_start3A_143] : memref<4096x2048xf32, #tpu.memory_space<hbm>> -> memref<2x2048xf32, #tpu.memory_space<hbm>>
      tpu.enqueue_dma source(%arg10 : memref<2x2048xf32, #tpu.memory_space<vmem>>) target(%dma_start3A_144 : memref<2x2048xf32, #tpu.memory_space<hbm>>) target_semaphore(%arg16 : memref<!tpu.dma_semaphore, #tpu.memory_space<semaphore_mem>>)
      %mul3A_145 = arith.constant 3 : i32
      %mul3A_146 = arith.muli %scan3A_83, %mul3A_145 : i32
      %add3A_147 = arith.constant 2 : i32
      %add3A_148 = arith.addi %mul3A_146, %add3A_147 : i32
      %add3A_149 = arith.constant 2 : i32
      %add3A_150 = arith.addi %add3A_148, %add3A_149 : i32
      %lt3A_151 = arith.constant 64 : i32
      %lt3A_152 = arith.cmpi slt, %add3A_150, %lt3A_151 : i32
      %convert_element_type3A_153 = arith.extui %lt3A_152 : i1 to i32
      %cond3A_154 = arith.constant 0 : i32
      %cond3A_155 = arith.cmpi ne, %convert_element_type3A_153, %cond3A_154 : i32
      scf.if %cond3A_155 {
        %add3A_177 = arith.constant 2 : i32
        %add3A_178 = arith.addi %add3A_148, %add3A_177 : i32
        %dma_start3A_179 = arith.constant 0 : i32
        %dma_start3A_180 = tpu.memref_slice %arg5[%add3A_178, %dma_start3A_179] : memref<64x16xi32, #tpu.memory_space<vmem>> -> memref<1x16xi32, #tpu.memory_space<vmem>>
        %dma_start3A_181 = tpu.memref_squeeze %dma_start3A_180 : memref<1x16xi32, #tpu.memory_space<vmem>> -> memref<16xi32, #tpu.memory_space<vmem>>
        %dma_start3A_182 = arith.constant 0 : i32
        %dma_start3A_183 = arith.constant 0 : i32
        %dma_start3A_184 = tpu.memref_slice %arg3[%dma_start3A_182, %dma_start3A_183] : memref<8000x2048xf32, #tpu.memory_space<hbm>> -> memref<8000x2048xf32, #tpu.memory_space<hbm>>
        tpu.enqueue_indirect_dma source(%dma_start3A_184 : memref<8000x2048xf32, #tpu.memory_space<hbm>>) target(%arg7 : memref<16x2048xf32, #tpu.memory_space<vmem>>) offsets(%dma_start3A_181 : memref<16xi32, #tpu.memory_space<vmem>>) semaphore(%arg13 : memref<!tpu.dma_semaphore, #tpu.memory_space<semaphore_mem>>)
      } else {
      }
      %dma_wait3A_156 = arith.constant 0 : i32
      %dma_wait3A_157 = tpu.memref_slice %arg5[%add3A_148, %dma_wait3A_156] : memref<64x16xi32, #tpu.memory_space<vmem>> -> memref<1x16xi32, #tpu.memory_space<vmem>>
      %dma_wait3A_158 = tpu.memref_squeeze %dma_wait3A_157 : memref<1x16xi32, #tpu.memory_space<vmem>> -> memref<16xi32, #tpu.memory_space<vmem>>
      %dma_wait3A_159 = arith.constant 0 : i32
      %dma_wait3A_160 = arith.constant 0 : i32
      %dma_wait3A_161 = tpu.memref_slice %arg3[%dma_wait3A_159, %dma_wait3A_160] : memref<8000x2048xf32, #tpu.memory_space<hbm>> -> memref<8000x2048xf32, #tpu.memory_space<hbm>>
      tpu.wait_indirect_dma semaphore(%arg14 : memref<!tpu.dma_semaphore, #tpu.memory_space<semaphore_mem>>) src(%dma_wait3A_161 : memref<8000x2048xf32, #tpu.memory_space<hbm>>) dst(%arg8 : memref<16x2048xf32, #tpu.memory_space<vmem>>)
      %ge3A_162 = arith.constant 3 : i32
      %ge3A_163 = arith.cmpi sge, %add3A_148, %ge3A_162 : i32
      %convert_element_type3A_164 = arith.extui %ge3A_163 : i1 to i32
      %cond3A_165 = arith.constant 0 : i32
      %cond3A_166 = arith.cmpi ne, %convert_element_type3A_164, %cond3A_165 : i32
      scf.if %cond3A_166 {
        %sub3A = arith.constant 3 : i32
        %sub3A_177 = arith.subi %add3A_148, %sub3A : i32
        %mul3A_178 = arith.constant 2 : i32
        %mul3A_179 = arith.muli %sub3A_177, %mul3A_178 : i32
        %add3A_180 = arith.addi %mul3A_2, %mul3A_179 : i32
        %dma_wait3A_181 = arith.constant 0 : i32
        %dma_wait3A_182 = tpu.memref_slice %arg4[%add3A_180, %dma_wait3A_181] : memref<4096x2048xf32, #tpu.memory_space<hbm>> -> memref<2x2048xf32, #tpu.memory_space<hbm>>
        %dma_wait3A_183 = arith.constant 0 : i32
        %dma_wait3A_184 = tpu.memref_slice %arg4[%add3A_180, %dma_wait3A_183] : memref<4096x2048xf32, #tpu.memory_space<hbm>> -> memref<2x2048xf32, #tpu.memory_space<hbm>>
        tpu.wait_dma2 semaphore(%arg17 : memref<!tpu.dma_semaphore, #tpu.memory_space<semaphore_mem>>) src(%arg11 : memref<2x2048xf32, #tpu.memory_space<vmem>>) dst(%dma_wait3A_184 : memref<2x2048xf32, #tpu.memory_space<hbm>>)
      } else {
      }
      %parallel_loop3A_167 = arith.constant 0 : i32
      %parallel_loop3A_168 = arith.constant 128 : i32
      %parallel_loop3A_169 = arith.constant 1 : i32
      scf.for %parallel_loop3A_177 = %parallel_loop3A_167 to %parallel_loop3A_168 step %parallel_loop3A_169  : i32 {
        %parallel_loop3A_178 = arith.constant 16 : i32
        %parallel_loop3A_179 = arith.muli %parallel_loop3A_177, %parallel_loop3A_178 : i32
        %parallel_loop3A_180 = arith.constant 0 : i32
        %parallel_loop3A_181 = arith.index_cast %parallel_loop3A_180 : i32 to index
        %parallel_loop3A_182 = arith.index_cast %parallel_loop3A_179 : i32 to index
        %parallel_loop3A_183 = tpu.vector_load %arg8[%parallel_loop3A_181, %parallel_loop3A_182] {strides = array<i32>} : memref<16x2048xf32, #tpu.memory_space<vmem>>, vector<1x16xf32>,
        %parallel_loop3A_184 = vector.shape_cast %parallel_loop3A_183 : vector<1x16xf32> to vector<16xf32>
        %parallel_loop3A_185 = arith.constant 1 : i32
        %parallel_loop3A_186 = arith.index_cast %parallel_loop3A_185 : i32 to index
        %parallel_loop3A_187 = arith.index_cast %parallel_loop3A_179 : i32 to index
        %parallel_loop3A_188 = tpu.vector_load %arg8[%parallel_loop3A_186, %parallel_loop3A_187] {strides = array<i32>} : memref<16x2048xf32, #tpu.memory_space<vmem>>, vector<1x16xf32>,
        %parallel_loop3A_189 = vector.shape_cast %parallel_loop3A_188 : vector<1x16xf32> to vector<16xf32>
        %parallel_loop3A_190 = arith.constant 2 : i32
        %parallel_loop3A_191 = arith.index_cast %parallel_loop3A_190 : i32 to index
        %parallel_loop3A_192 = arith.index_cast %parallel_loop3A_179 : i32 to index
        %parallel_loop3A_193 = tpu.vector_load %arg8[%parallel_loop3A_191, %parallel_loop3A_192] {strides = array<i32>} : memref<16x2048xf32, #tpu.memory_space<vmem>>, vector<1x16xf32>,
        %parallel_loop3A_194 = vector.shape_cast %parallel_loop3A_193 : vector<1x16xf32> to vector<16xf32>
        %parallel_loop3A_195 = arith.constant 3 : i32
        %parallel_loop3A_196 = arith.index_cast %parallel_loop3A_195 : i32 to index
        %parallel_loop3A_197 = arith.index_cast %parallel_loop3A_179 : i32 to index
        %parallel_loop3A_198 = tpu.vector_load %arg8[%parallel_loop3A_196, %parallel_loop3A_197] {strides = array<i32>} : memref<16x2048xf32, #tpu.memory_space<vmem>>, vector<1x16xf32>,
        %parallel_loop3A_199 = vector.shape_cast %parallel_loop3A_198 : vector<1x16xf32> to vector<16xf32>
        %parallel_loop3A_200 = arith.constant 4 : i32
        %parallel_loop3A_201 = arith.index_cast %parallel_loop3A_200 : i32 to index
        %parallel_loop3A_202 = arith.index_cast %parallel_loop3A_179 : i32 to index
        %parallel_loop3A_203 = tpu.vector_load %arg8[%parallel_loop3A_201, %parallel_loop3A_202] {strides = array<i32>} : memref<16x2048xf32, #tpu.memory_space<vmem>>, vector<1x16xf32>,
        %parallel_loop3A_204 = vector.shape_cast %parallel_loop3A_203 : vector<1x16xf32> to vector<16xf32>
        %parallel_loop3A_205 = arith.constant 5 : i32
        %parallel_loop3A_206 = arith.index_cast %parallel_loop3A_205 : i32 to index
        %parallel_loop3A_207 = arith.index_cast %parallel_loop3A_179 : i32 to index
        %parallel_loop3A_208 = tpu.vector_load %arg8[%parallel_loop3A_206, %parallel_loop3A_207] {strides = array<i32>} : memref<16x2048xf32, #tpu.memory_space<vmem>>, vector<1x16xf32>,
        %parallel_loop3A_209 = vector.shape_cast %parallel_loop3A_208 : vector<1x16xf32> to vector<16xf32>
        %parallel_loop3A_210 = arith.constant 6 : i32
        %parallel_loop3A_211 = arith.index_cast %parallel_loop3A_210 : i32 to index
        %parallel_loop3A_212 = arith.index_cast %parallel_loop3A_179 : i32 to index
        %parallel_loop3A_213 = tpu.vector_load %arg8[%parallel_loop3A_211, %parallel_loop3A_212] {strides = array<i32>} : memref<16x2048xf32, #tpu.memory_space<vmem>>, vector<1x16xf32>,
        %parallel_loop3A_214 = vector.shape_cast %parallel_loop3A_213 : vector<1x16xf32> to vector<16xf32>
        %parallel_loop3A_215 = arith.constant 7 : i32
        %parallel_loop3A_216 = arith.index_cast %parallel_loop3A_215 : i32 to index
        %parallel_loop3A_217 = arith.index_cast %parallel_loop3A_179 : i32 to index
        %parallel_loop3A_218 = tpu.vector_load %arg8[%parallel_loop3A_216, %parallel_loop3A_217] {strides = array<i32>} : memref<16x2048xf32, #tpu.memory_space<vmem>>, vector<1x16xf32>,
        %parallel_loop3A_219 = vector.shape_cast %parallel_loop3A_218 : vector<1x16xf32> to vector<16xf32>
        %parallel_loop3A_220 = arith.addf %parallel_loop3A_184, %parallel_loop3A_189 : vector<16xf32>
        %parallel_loop3A_221 = arith.addf %parallel_loop3A_194, %parallel_loop3A_199 : vector<16xf32>
        %parallel_loop3A_222 = arith.addf %parallel_loop3A_204, %parallel_loop3A_209 : vector<16xf32>
        %parallel_loop3A_223 = arith.addf %parallel_loop3A_214, %parallel_loop3A_219 : vector<16xf32>
        %parallel_loop3A_224 = arith.addf %parallel_loop3A_220, %parallel_loop3A_221 : vector<16xf32>
        %parallel_loop3A_225 = arith.addf %parallel_loop3A_222, %parallel_loop3A_223 : vector<16xf32>
        %parallel_loop3A_226 = arith.addf %parallel_loop3A_224, %parallel_loop3A_225 : vector<16xf32>
        %parallel_loop3A_227 = arith.constant 0 : i32
        %parallel_loop3A_228 = arith.index_cast %parallel_loop3A_227 : i32 to index
        %parallel_loop3A_229 = arith.index_cast %parallel_loop3A_179 : i32 to index
        %parallel_loop3A_230 = tpu.vector_load %arg11[%parallel_loop3A_228, %parallel_loop3A_229] {strides = array<i32>} : memref<2x2048xf32, #tpu.memory_space<vmem>>, vector<1x16xf32>,
        %parallel_loop3A_231 = vector.shape_cast %parallel_loop3A_230 : vector<1x16xf32> to vector<16xf32>
        %parallel_loop3A_232 = vector.shape_cast %parallel_loop3A_226 : vector<16xf32> to vector<1x16xf32>
        tpu.vector_store %arg11[%parallel_loop3A_228, %parallel_loop3A_229], %parallel_loop3A_232 {strides = array<i32>} : memref<2x2048xf32, #tpu.memory_space<vmem>>, vector<1x16xf32>,
        %parallel_loop3A_233 = arith.constant 8 : i32
        %parallel_loop3A_234 = arith.index_cast %parallel_loop3A_233 : i32 to index
        %parallel_loop3A_235 = arith.index_cast %parallel_loop3A_179 : i32 to index
        %parallel_loop3A_236 = tpu.vector_load %arg8[%parallel_loop3A_234, %parallel_loop3A_235] {strides = array<i32>} : memref<16x2048xf32, #tpu.memory_space<vmem>>, vector<1x16xf32>,
        %parallel_loop3A_237 = vector.shape_cast %parallel_loop3A_236 : vector<1x16xf32> to vector<16xf32>
        %parallel_loop3A_238 = arith.constant 9 : i32
        %parallel_loop3A_239 = arith.index_cast %parallel_loop3A_238 : i32 to index
        %parallel_loop3A_240 = arith.index_cast %parallel_loop3A_179 : i32 to index
        %parallel_loop3A_241 = tpu.vector_load %arg8[%parallel_loop3A_239, %parallel_loop3A_240] {strides = array<i32>} : memref<16x2048xf32, #tpu.memory_space<vmem>>, vector<1x16xf32>,
        %parallel_loop3A_242 = vector.shape_cast %parallel_loop3A_241 : vector<1x16xf32> to vector<16xf32>
        %parallel_loop3A_243 = arith.constant 10 : i32
        %parallel_loop3A_244 = arith.index_cast %parallel_loop3A_243 : i32 to index
        %parallel_loop3A_245 = arith.index_cast %parallel_loop3A_179 : i32 to index
        %parallel_loop3A_246 = tpu.vector_load %arg8[%parallel_loop3A_244, %parallel_loop3A_245] {strides = array<i32>} : memref<16x2048xf32, #tpu.memory_space<vmem>>, vector<1x16xf32>,
        %parallel_loop3A_247 = vector.shape_cast %parallel_loop3A_246 : vector<1x16xf32> to vector<16xf32>
        %parallel_loop3A_248 = arith.constant 11 : i32
        %parallel_loop3A_249 = arith.index_cast %parallel_loop3A_248 : i32 to index
        %parallel_loop3A_250 = arith.index_cast %parallel_loop3A_179 : i32 to index
        %parallel_loop3A_251 = tpu.vector_load %arg8[%parallel_loop3A_249, %parallel_loop3A_250] {strides = array<i32>} : memref<16x2048xf32, #tpu.memory_space<vmem>>, vector<1x16xf32>,
        %parallel_loop3A_252 = vector.shape_cast %parallel_loop3A_251 : vector<1x16xf32> to vector<16xf32>
        %parallel_loop3A_253 = arith.constant 12 : i32
        %parallel_loop3A_254 = arith.index_cast %parallel_loop3A_253 : i32 to index
        %parallel_loop3A_255 = arith.index_cast %parallel_loop3A_179 : i32 to index
        %parallel_loop3A_256 = tpu.vector_load %arg8[%parallel_loop3A_254, %parallel_loop3A_255] {strides = array<i32>} : memref<16x2048xf32, #tpu.memory_space<vmem>>, vector<1x16xf32>,
        %parallel_loop3A_257 = vector.shape_cast %parallel_loop3A_256 : vector<1x16xf32> to vector<16xf32>
        %parallel_loop3A_258 = arith.constant 13 : i32
        %parallel_loop3A_259 = arith.index_cast %parallel_loop3A_258 : i32 to index
        %parallel_loop3A_260 = arith.index_cast %parallel_loop3A_179 : i32 to index
        %parallel_loop3A_261 = tpu.vector_load %arg8[%parallel_loop3A_259, %parallel_loop3A_260] {strides = array<i32>} : memref<16x2048xf32, #tpu.memory_space<vmem>>, vector<1x16xf32>,
        %parallel_loop3A_262 = vector.shape_cast %parallel_loop3A_261 : vector<1x16xf32> to vector<16xf32>
        %parallel_loop3A_263 = arith.constant 14 : i32
        %parallel_loop3A_264 = arith.index_cast %parallel_loop3A_263 : i32 to index
        %parallel_loop3A_265 = arith.index_cast %parallel_loop3A_179 : i32 to index
        %parallel_loop3A_266 = tpu.vector_load %arg8[%parallel_loop3A_264, %parallel_loop3A_265] {strides = array<i32>} : memref<16x2048xf32, #tpu.memory_space<vmem>>, vector<1x16xf32>,
        %parallel_loop3A_267 = vector.shape_cast %parallel_loop3A_266 : vector<1x16xf32> to vector<16xf32>
        %parallel_loop3A_268 = arith.constant 15 : i32
        %parallel_loop3A_269 = arith.index_cast %parallel_loop3A_268 : i32 to index
        %parallel_loop3A_270 = arith.index_cast %parallel_loop3A_179 : i32 to index
        %parallel_loop3A_271 = tpu.vector_load %arg8[%parallel_loop3A_269, %parallel_loop3A_270] {strides = array<i32>} : memref<16x2048xf32, #tpu.memory_space<vmem>>, vector<1x16xf32>,
        %parallel_loop3A_272 = vector.shape_cast %parallel_loop3A_271 : vector<1x16xf32> to vector<16xf32>
        %parallel_loop3A_273 = arith.addf %parallel_loop3A_237, %parallel_loop3A_242 : vector<16xf32>
        %parallel_loop3A_274 = arith.addf %parallel_loop3A_247, %parallel_loop3A_252 : vector<16xf32>
        %parallel_loop3A_275 = arith.addf %parallel_loop3A_257, %parallel_loop3A_262 : vector<16xf32>
        %parallel_loop3A_276 = arith.addf %parallel_loop3A_267, %parallel_loop3A_272 : vector<16xf32>
        %parallel_loop3A_277 = arith.addf %parallel_loop3A_273, %parallel_loop3A_274 : vector<16xf32>
        %parallel_loop3A_278 = arith.addf %parallel_loop3A_275, %parallel_loop3A_276 : vector<16xf32>
        %parallel_loop3A_279 = arith.addf %parallel_loop3A_277, %parallel_loop3A_278 : vector<16xf32>
        %parallel_loop3A_280 = arith.constant 1 : i32
        %parallel_loop3A_281 = arith.index_cast %parallel_loop3A_280 : i32 to index
        %parallel_loop3A_282 = arith.index_cast %parallel_loop3A_179 : i32 to index
        %parallel_loop3A_283 = tpu.vector_load %arg11[%parallel_loop3A_281, %parallel_loop3A_282] {strides = array<i32>} : memref<2x2048xf32, #tpu.memory_space<vmem>>, vector<1x16xf32>,
        %parallel_loop3A_284 = vector.shape_cast %parallel_loop3A_283 : vector<1x16xf32> to vector<16xf32>
        %parallel_loop3A_285 = vector.shape_cast %parallel_loop3A_279 : vector<16xf32> to vector<1x16xf32>
        tpu.vector_store %arg11[%parallel_loop3A_281, %parallel_loop3A_282], %parallel_loop3A_285 {strides = array<i32>} : memref<2x2048xf32, #tpu.memory_space<vmem>>, vector<1x16xf32>,
      } {sc.loop_unroll_factor = 8 : i64, sc.parallel_access}
      %mul3A_170 = arith.constant 2 : i32
      %mul3A_171 = arith.muli %add3A_148, %mul3A_170 : i32
      %add3A_172 = arith.addi %mul3A_2, %mul3A_171 : i32
      %dma_start3A_173 = arith.constant 0 : i32
      %dma_start3A_174 = tpu.memref_slice %arg4[%add3A_172, %dma_start3A_173] : memref<4096x2048xf32, #tpu.memory_space<hbm>> -> memref<2x2048xf32, #tpu.memory_space<hbm>>
      %dma_start3A_175 = arith.constant 0 : i32
      %dma_start3A_176 = tpu.memref_slice %arg4[%add3A_172, %dma_start3A_175] : memref<4096x2048xf32, #tpu.memory_space<hbm>> -> memref<2x2048xf32, #tpu.memory_space<hbm>>
      tpu.enqueue_dma source(%arg11 : memref<2x2048xf32, #tpu.memory_space<vmem>>) target(%dma_start3A_176 : memref<2x2048xf32, #tpu.memory_space<hbm>>) target_semaphore(%arg17 : memref<!tpu.dma_semaphore, #tpu.memory_space<semaphore_mem>>)
    }
    %scan3A_44 = arith.constant 21 : i32
    %dma_wait3A = arith.constant 63 : i32
    %dma_wait3A_45 = arith.constant 0 : i32
    %dma_wait3A_46 = tpu.memref_slice %arg5[%dma_wait3A, %dma_wait3A_45] : memref<64x16xi32, #tpu.memory_space<vmem>> -> memref<1x16xi32, #tpu.memory_space<vmem>>
    %dma_wait3A_47 = tpu.memref_squeeze %dma_wait3A_46 : memref<1x16xi32, #tpu.memory_space<vmem>> -> memref<16xi32, #tpu.memory_space<vmem>>
    %dma_wait3A_48 = arith.constant 0 : i32
    %dma_wait3A_49 = arith.constant 0 : i32
    %dma_wait3A_50 = tpu.memref_slice %arg3[%dma_wait3A_48, %dma_wait3A_49] : memref<8000x2048xf32, #tpu.memory_space<hbm>> -> memref<8000x2048xf32, #tpu.memory_space<hbm>>
    tpu.wait_indirect_dma semaphore(%arg12 : memref<!tpu.dma_semaphore, #tpu.memory_space<semaphore_mem>>) src(%dma_wait3A_50 : memref<8000x2048xf32, #tpu.memory_space<hbm>>) dst(%arg6 : memref<16x2048xf32, #tpu.memory_space<vmem>>)
    %add3A_51 = arith.constant 120 : i32
    %add3A_52 = arith.addi %mul3A_2, %add3A_51 : i32
    %dma_wait3A_53 = arith.constant 0 : i32
    %dma_wait3A_54 = tpu.memref_slice %arg4[%add3A_52, %dma_wait3A_53] : memref<4096x2048xf32, #tpu.memory_space<hbm>> -> memref<2x2048xf32, #tpu.memory_space<hbm>>
    %dma_wait3A_55 = arith.constant 0 : i32
    %dma_wait3A_56 = tpu.memref_slice %arg4[%add3A_52, %dma_wait3A_55] : memref<4096x2048xf32, #tpu.memory_space<hbm>> -> memref<2x2048xf32, #tpu.memory_space<hbm>>
    tpu.wait_dma2 semaphore(%arg15 : memref<!tpu.dma_semaphore, #tpu.memory_space<semaphore_mem>>) src(%arg9 : memref<2x2048xf32, #tpu.memory_space<vmem>>) dst(%dma_wait3A_56 : memref<2x2048xf32, #tpu.memory_space<hbm>>)
    %parallel_loop3A = arith.constant 0 : i32
    %parallel_loop3A_57 = arith.constant 128 : i32
    %parallel_loop3A_58 = arith.constant 1 : i32
    scf.for %parallel_loop3A_83 = %parallel_loop3A to %parallel_loop3A_57 step %parallel_loop3A_58  : i32 {
      %parallel_loop3A_84 = arith.constant 16 : i32
      %parallel_loop3A_85 = arith.muli %parallel_loop3A_83, %parallel_loop3A_84 : i32
      %parallel_loop3A_86 = arith.constant 0 : i32
      %parallel_loop3A_87 = arith.index_cast %parallel_loop3A_86 : i32 to index
      %parallel_loop3A_88 = arith.index_cast %parallel_loop3A_85 : i32 to index
      %parallel_loop3A_89 = tpu.vector_load %arg6[%parallel_loop3A_87, %parallel_loop3A_88] {strides = array<i32>} : memref<16x2048xf32, #tpu.memory_space<vmem>>, vector<1x16xf32>,
      %parallel_loop3A_90 = vector.shape_cast %parallel_loop3A_89 : vector<1x16xf32> to vector<16xf32>
      %parallel_loop3A_91 = arith.constant 1 : i32
      %parallel_loop3A_92 = arith.index_cast %parallel_loop3A_91 : i32 to index
      %parallel_loop3A_93 = arith.index_cast %parallel_loop3A_85 : i32 to index
      %parallel_loop3A_94 = tpu.vector_load %arg6[%parallel_loop3A_92, %parallel_loop3A_93] {strides = array<i32>} : memref<16x2048xf32, #tpu.memory_space<vmem>>, vector<1x16xf32>,
      %parallel_loop3A_95 = vector.shape_cast %parallel_loop3A_94 : vector<1x16xf32> to vector<16xf32>
      %parallel_loop3A_96 = arith.constant 2 : i32
      %parallel_loop3A_97 = arith.index_cast %parallel_loop3A_96 : i32 to index
      %parallel_loop3A_98 = arith.index_cast %parallel_loop3A_85 : i32 to index
      %parallel_loop3A_99 = tpu.vector_load %arg6[%parallel_loop3A_97, %parallel_loop3A_98] {strides = array<i32>} : memref<16x2048xf32, #tpu.memory_space<vmem>>, vector<1x16xf32>,
      %parallel_loop3A_100 = vector.shape_cast %parallel_loop3A_99 : vector<1x16xf32> to vector<16xf32>
      %parallel_loop3A_101 = arith.constant 3 : i32
      %parallel_loop3A_102 = arith.index_cast %parallel_loop3A_101 : i32 to index
      %parallel_loop3A_103 = arith.index_cast %parallel_loop3A_85 : i32 to index
      %parallel_loop3A_104 = tpu.vector_load %arg6[%parallel_loop3A_102, %parallel_loop3A_103] {strides = array<i32>} : memref<16x2048xf32, #tpu.memory_space<vmem>>, vector<1x16xf32>,
      %parallel_loop3A_105 = vector.shape_cast %parallel_loop3A_104 : vector<1x16xf32> to vector<16xf32>
      %parallel_loop3A_106 = arith.constant 4 : i32
      %parallel_loop3A_107 = arith.index_cast %parallel_loop3A_106 : i32 to index
      %parallel_loop3A_108 = arith.index_cast %parallel_loop3A_85 : i32 to index
      %parallel_loop3A_109 = tpu.vector_load %arg6[%parallel_loop3A_107, %parallel_loop3A_108] {strides = array<i32>} : memref<16x2048xf32, #tpu.memory_space<vmem>>, vector<1x16xf32>,
      %parallel_loop3A_110 = vector.shape_cast %parallel_loop3A_109 : vector<1x16xf32> to vector<16xf32>
      %parallel_loop3A_111 = arith.constant 5 : i32
      %parallel_loop3A_112 = arith.index_cast %parallel_loop3A_111 : i32 to index
      %parallel_loop3A_113 = arith.index_cast %parallel_loop3A_85 : i32 to index
      %parallel_loop3A_114 = tpu.vector_load %arg6[%parallel_loop3A_112, %parallel_loop3A_113] {strides = array<i32>} : memref<16x2048xf32, #tpu.memory_space<vmem>>, vector<1x16xf32>,
      %parallel_loop3A_115 = vector.shape_cast %parallel_loop3A_114 : vector<1x16xf32> to vector<16xf32>
      %parallel_loop3A_116 = arith.constant 6 : i32
      %parallel_loop3A_117 = arith.index_cast %parallel_loop3A_116 : i32 to index
      %parallel_loop3A_118 = arith.index_cast %parallel_loop3A_85 : i32 to index
      %parallel_loop3A_119 = tpu.vector_load %arg6[%parallel_loop3A_117, %parallel_loop3A_118] {strides = array<i32>} : memref<16x2048xf32, #tpu.memory_space<vmem>>, vector<1x16xf32>,
      %parallel_loop3A_120 = vector.shape_cast %parallel_loop3A_119 : vector<1x16xf32> to vector<16xf32>
      %parallel_loop3A_121 = arith.constant 7 : i32
      %parallel_loop3A_122 = arith.index_cast %parallel_loop3A_121 : i32 to index
      %parallel_loop3A_123 = arith.index_cast %parallel_loop3A_85 : i32 to index
      %parallel_loop3A_124 = tpu.vector_load %arg6[%parallel_loop3A_122, %parallel_loop3A_123] {strides = array<i32>} : memref<16x2048xf32, #tpu.memory_space<vmem>>, vector<1x16xf32>,
      %parallel_loop3A_125 = vector.shape_cast %parallel_loop3A_124 : vector<1x16xf32> to vector<16xf32>
      %parallel_loop3A_126 = arith.addf %parallel_loop3A_90, %parallel_loop3A_95 : vector<16xf32>
      %parallel_loop3A_127 = arith.addf %parallel_loop3A_100, %parallel_loop3A_105 : vector<16xf32>
      %parallel_loop3A_128 = arith.addf %parallel_loop3A_110, %parallel_loop3A_115 : vector<16xf32>
      %parallel_loop3A_129 = arith.addf %parallel_loop3A_120, %parallel_loop3A_125 : vector<16xf32>
      %parallel_loop3A_130 = arith.addf %parallel_loop3A_126, %parallel_loop3A_127 : vector<16xf32>
      %parallel_loop3A_131 = arith.addf %parallel_loop3A_128, %parallel_loop3A_129 : vector<16xf32>
      %parallel_loop3A_132 = arith.addf %parallel_loop3A_130, %parallel_loop3A_131 : vector<16xf32>
      %parallel_loop3A_133 = arith.constant 0 : i32
      %parallel_loop3A_134 = arith.index_cast %parallel_loop3A_133 : i32 to index
      %parallel_loop3A_135 = arith.index_cast %parallel_loop3A_85 : i32 to index
      %parallel_loop3A_136 = tpu.vector_load %arg9[%parallel_loop3A_134, %parallel_loop3A_135] {strides = array<i32>} : memref<2x2048xf32, #tpu.memory_space<vmem>>, vector<1x16xf32>,
      %parallel_loop3A_137 = vector.shape_cast %parallel_loop3A_136 : vector<1x16xf32> to vector<16xf32>
      %parallel_loop3A_138 = vector.shape_cast %parallel_loop3A_132 : vector<16xf32> to vector<1x16xf32>
      tpu.vector_store %arg9[%parallel_loop3A_134, %parallel_loop3A_135], %parallel_loop3A_138 {strides = array<i32>} : memref<2x2048xf32, #tpu.memory_space<vmem>>, vector<1x16xf32>,
      %parallel_loop3A_139 = arith.constant 8 : i32
      %parallel_loop3A_140 = arith.index_cast %parallel_loop3A_139 : i32 to index
      %parallel_loop3A_141 = arith.index_cast %parallel_loop3A_85 : i32 to index
      %parallel_loop3A_142 = tpu.vector_load %arg6[%parallel_loop3A_140, %parallel_loop3A_141] {strides = array<i32>} : memref<16x2048xf32, #tpu.memory_space<vmem>>, vector<1x16xf32>,
      %parallel_loop3A_143 = vector.shape_cast %parallel_loop3A_142 : vector<1x16xf32> to vector<16xf32>
      %parallel_loop3A_144 = arith.constant 9 : i32
      %parallel_loop3A_145 = arith.index_cast %parallel_loop3A_144 : i32 to index
      %parallel_loop3A_146 = arith.index_cast %parallel_loop3A_85 : i32 to index
      %parallel_loop3A_147 = tpu.vector_load %arg6[%parallel_loop3A_145, %parallel_loop3A_146] {strides = array<i32>} : memref<16x2048xf32, #tpu.memory_space<vmem>>, vector<1x16xf32>,
      %parallel_loop3A_148 = vector.shape_cast %parallel_loop3A_147 : vector<1x16xf32> to vector<16xf32>
      %parallel_loop3A_149 = arith.constant 10 : i32
      %parallel_loop3A_150 = arith.index_cast %parallel_loop3A_149 : i32 to index
      %parallel_loop3A_151 = arith.index_cast %parallel_loop3A_85 : i32 to index
      %parallel_loop3A_152 = tpu.vector_load %arg6[%parallel_loop3A_150, %parallel_loop3A_151] {strides = array<i32>} : memref<16x2048xf32, #tpu.memory_space<vmem>>, vector<1x16xf32>,
      %parallel_loop3A_153 = vector.shape_cast %parallel_loop3A_152 : vector<1x16xf32> to vector<16xf32>
      %parallel_loop3A_154 = arith.constant 11 : i32
      %parallel_loop3A_155 = arith.index_cast %parallel_loop3A_154 : i32 to index
      %parallel_loop3A_156 = arith.index_cast %parallel_loop3A_85 : i32 to index
      %parallel_loop3A_157 = tpu.vector_load %arg6[%parallel_loop3A_155, %parallel_loop3A_156] {strides = array<i32>} : memref<16x2048xf32, #tpu.memory_space<vmem>>, vector<1x16xf32>,
      %parallel_loop3A_158 = vector.shape_cast %parallel_loop3A_157 : vector<1x16xf32> to vector<16xf32>
      %parallel_loop3A_159 = arith.constant 12 : i32
      %parallel_loop3A_160 = arith.index_cast %parallel_loop3A_159 : i32 to index
      %parallel_loop3A_161 = arith.index_cast %parallel_loop3A_85 : i32 to index
      %parallel_loop3A_162 = tpu.vector_load %arg6[%parallel_loop3A_160, %parallel_loop3A_161] {strides = array<i32>} : memref<16x2048xf32, #tpu.memory_space<vmem>>, vector<1x16xf32>,
      %parallel_loop3A_163 = vector.shape_cast %parallel_loop3A_162 : vector<1x16xf32> to vector<16xf32>
      %parallel_loop3A_164 = arith.constant 13 : i32
      %parallel_loop3A_165 = arith.index_cast %parallel_loop3A_164 : i32 to index
      %parallel_loop3A_166 = arith.index_cast %parallel_loop3A_85 : i32 to index
      %parallel_loop3A_167 = tpu.vector_load %arg6[%parallel_loop3A_165, %parallel_loop3A_166] {strides = array<i32>} : memref<16x2048xf32, #tpu.memory_space<vmem>>, vector<1x16xf32>,
      %parallel_loop3A_168 = vector.shape_cast %parallel_loop3A_167 : vector<1x16xf32> to vector<16xf32>
      %parallel_loop3A_169 = arith.constant 14 : i32
      %parallel_loop3A_170 = arith.index_cast %parallel_loop3A_169 : i32 to index
      %parallel_loop3A_171 = arith.index_cast %parallel_loop3A_85 : i32 to index
      %parallel_loop3A_172 = tpu.vector_load %arg6[%parallel_loop3A_170, %parallel_loop3A_171] {strides = array<i32>} : memref<16x2048xf32, #tpu.memory_space<vmem>>, vector<1x16xf32>,
      %parallel_loop3A_173 = vector.shape_cast %parallel_loop3A_172 : vector<1x16xf32> to vector<16xf32>
      %parallel_loop3A_174 = arith.constant 15 : i32
      %parallel_loop3A_175 = arith.index_cast %parallel_loop3A_174 : i32 to index
      %parallel_loop3A_176 = arith.index_cast %parallel_loop3A_85 : i32 to index
      %parallel_loop3A_177 = tpu.vector_load %arg6[%parallel_loop3A_175, %parallel_loop3A_176] {strides = array<i32>} : memref<16x2048xf32, #tpu.memory_space<vmem>>, vector<1x16xf32>,
      %parallel_loop3A_178 = vector.shape_cast %parallel_loop3A_177 : vector<1x16xf32> to vector<16xf32>
      %parallel_loop3A_179 = arith.addf %parallel_loop3A_143, %parallel_loop3A_148 : vector<16xf32>
      %parallel_loop3A_180 = arith.addf %parallel_loop3A_153, %parallel_loop3A_158 : vector<16xf32>
      %parallel_loop3A_181 = arith.addf %parallel_loop3A_163, %parallel_loop3A_168 : vector<16xf32>
      %parallel_loop3A_182 = arith.addf %parallel_loop3A_173, %parallel_loop3A_178 : vector<16xf32>
      %parallel_loop3A_183 = arith.addf %parallel_loop3A_179, %parallel_loop3A_180 : vector<16xf32>
      %parallel_loop3A_184 = arith.addf %parallel_loop3A_181, %parallel_loop3A_182 : vector<16xf32>
      %parallel_loop3A_185 = arith.addf %parallel_loop3A_183, %parallel_loop3A_184 : vector<16xf32>
      %parallel_loop3A_186 = arith.constant 1 : i32
      %parallel_loop3A_187 = arith.index_cast %parallel_loop3A_186 : i32 to index
      %parallel_loop3A_188 = arith.index_cast %parallel_loop3A_85 : i32 to index
      %parallel_loop3A_189 = tpu.vector_load %arg9[%parallel_loop3A_187, %parallel_loop3A_188] {strides = array<i32>} : memref<2x2048xf32, #tpu.memory_space<vmem>>, vector<1x16xf32>,
      %parallel_loop3A_190 = vector.shape_cast %parallel_loop3A_189 : vector<1x16xf32> to vector<16xf32>
      %parallel_loop3A_191 = vector.shape_cast %parallel_loop3A_185 : vector<16xf32> to vector<1x16xf32>
      tpu.vector_store %arg9[%parallel_loop3A_187, %parallel_loop3A_188], %parallel_loop3A_191 {strides = array<i32>} : memref<2x2048xf32, #tpu.memory_space<vmem>>, vector<1x16xf32>,
    } {sc.loop_unroll_factor = 8 : i64, sc.parallel_access}
    %add3A_59 = arith.constant 126 : i32
    %add3A_60 = arith.addi %mul3A_2, %add3A_59 : i32
    %dma_start3A_61 = arith.constant 0 : i32
    %dma_start3A_62 = tpu.memref_slice %arg4[%add3A_60, %dma_start3A_61] : memref<4096x2048xf32, #tpu.memory_space<hbm>> -> memref<2x2048xf32, #tpu.memory_space<hbm>>
    %dma_start3A_63 = arith.constant 0 : i32
    %dma_start3A_64 = tpu.memref_slice %arg4[%add3A_60, %dma_start3A_63] : memref<4096x2048xf32, #tpu.memory_space<hbm>> -> memref<2x2048xf32, #tpu.memory_space<hbm>>
    tpu.enqueue_dma source(%arg9 : memref<2x2048xf32, #tpu.memory_space<vmem>>) target(%dma_start3A_64 : memref<2x2048xf32, #tpu.memory_space<hbm>>) target_semaphore(%arg15 : memref<!tpu.dma_semaphore, #tpu.memory_space<semaphore_mem>>)
    %add3A_65 = arith.constant 122 : i32
    %add3A_66 = arith.addi %mul3A_2, %add3A_65 : i32
    %dma_wait3A_67 = arith.constant 0 : i32
    %dma_wait3A_68 = tpu.memref_slice %arg4[%add3A_66, %dma_wait3A_67] : memref<4096x2048xf32, #tpu.memory_space<hbm>> -> memref<2x2048xf32, #tpu.memory_space<hbm>>
    %dma_wait3A_69 = arith.constant 0 : i32
    %dma_wait3A_70 = tpu.memref_slice %arg4[%add3A_66, %dma_wait3A_69] : memref<4096x2048xf32, #tpu.memory_space<hbm>> -> memref<2x2048xf32, #tpu.memory_space<hbm>>
    tpu.wait_dma2 semaphore(%arg16 : memref<!tpu.dma_semaphore, #tpu.memory_space<semaphore_mem>>) src(%arg10 : memref<2x2048xf32, #tpu.memory_space<vmem>>) dst(%dma_wait3A_70 : memref<2x2048xf32, #tpu.memory_space<hbm>>)
    %add3A_71 = arith.constant 124 : i32
    %add3A_72 = arith.addi %mul3A_2, %add3A_71 : i32
    %dma_wait3A_73 = arith.constant 0 : i32
    %dma_wait3A_74 = tpu.memref_slice %arg4[%add3A_72, %dma_wait3A_73] : memref<4096x2048xf32, #tpu.memory_space<hbm>> -> memref<2x2048xf32, #tpu.memory_space<hbm>>
    %dma_wait3A_75 = arith.constant 0 : i32
    %dma_wait3A_76 = tpu.memref_slice %arg4[%add3A_72, %dma_wait3A_75] : memref<4096x2048xf32, #tpu.memory_space<hbm>> -> memref<2x2048xf32, #tpu.memory_space<hbm>>
    tpu.wait_dma2 semaphore(%arg17 : memref<!tpu.dma_semaphore, #tpu.memory_space<semaphore_mem>>) src(%arg11 : memref<2x2048xf32, #tpu.memory_space<vmem>>) dst(%dma_wait3A_76 : memref<2x2048xf32, #tpu.memory_space<hbm>>)
    %add3A_77 = arith.constant 126 : i32
    %add3A_78 = arith.addi %mul3A_2, %add3A_77 : i32
    %dma_wait3A_79 = arith.constant 0 : i32
    %dma_wait3A_80 = tpu.memref_slice %arg4[%add3A_78, %dma_wait3A_79] : memref<4096x2048xf32, #tpu.memory_space<hbm>> -> memref<2x2048xf32, #tpu.memory_space<hbm>>
    %dma_wait3A_81 = arith.constant 0 : i32
    %dma_wait3A_82 = tpu.memref_slice %arg4[%add3A_78, %dma_wait3A_81] : memref<4096x2048xf32, #tpu.memory_space<hbm>> -> memref<2x2048xf32, #tpu.memory_space<hbm>>
    tpu.wait_dma2 semaphore(%arg15 : memref<!tpu.dma_semaphore, #tpu.memory_space<semaphore_mem>>) src(%arg9 : memref<2x2048xf32, #tpu.memory_space<vmem>>) dst(%dma_wait3A_82 : memref<2x2048xf32, #tpu.memory_space<hbm>>)
    return
  }
}

</mosaic_0001>

<sc_bundles>
// kernel: kernel.3.cloned.1.call-start
scs
__scs_entry_jumppad:
0x0: {  	(pc) =	sbr.rel $0x88, $3  }
0x1: {  	(tag) =	ssettag $0x0;
	lr =	simm.s32 $0x1  }
0x2: {  	[smem:$0x3F9F] =	sst lr;
	_ =	strace $0xD0000000  }
0x3: {  	_ = 	snop  }
0x4: {  	_ = 	snop  }
0x5: {  	_ = 	snop  }
0x6: {  	_ = 	snop  }
0x7: {  	_ = 	snop  }
__scs_overlays_trampoline_lowered:
0x8: {  	[smem:$0x3FAE] =	sst s0  }
0x9: {  	[smem:$0x3FAF] =	sst s1  }
0xa: {  	[smem:$0x3FB0] =	sst s2  }
0xb: {  	[smem:$0x3FB1] =	sst s3  }
0xc: {  	[smem:$0x3FB2] =	sst s4  }
0xd: {  	[smem:$0x3FB3] =	sst s5  }
0xe: {  	[smem:$0x3FB4] =	sst s6  }
0xf: {  	[smem:$0x3FB5] =	sst s7  }
0x10: {  	[smem:$0x3FB6] =	sst s8  }
0x11: {  	[smem:$0x3FB7] =	sst s9;
	s0 =	simm.s32 @!p0 $0x0  }
0x12: {  	s1 =	sld [smem:$0x3F9D];
	s0 =	simm.s32 @p0 $0x1  }
0x13: {  	[smem:$0x3FB8] =	sst s0;
	s0 =	simm.s32 @!p1 $0x0  }
0x14: {  	s2 =	sld [smem:$0x3F9C];
	s0 =	simm.s32 @p1 $0x1  }
0x15: {  	[smem:$0x3FB9] =	sst s0;
	s0 =	simm.s32 @!p2 $0x0  }
0x16: {  	s3 =	sld [smem:$0x3FDB];
	s0 =	simm.s32 @p2 $0x1  }
0x17: {  	s4 =	simm.s32 $0x1BF5;
	[smem:$0x3FBB] =	sst s0  }
0x18: {  	s0 =	sld [smem:$0x3F9E];
	_ =	swait.ge [sflag:s4], $0x0  }
0x19: {  	s7 =	sld [smem:$0x3F9F]  }
0x1a: {  	s8 =	sadd.s32 $0xFFFFE003, lr  }
0x1b: {  	s9 =	sadd.s32 $0xFFFFFEF7, lr;
	s5 =	simm.s32 $0xFFFFFFFF;
	p2 =	slt.u32 s8, $0xFFFFF086  }
0x1c: {  	p1 =	slt.u32 s9, $0xF7A;
	s5 =	simm.s32 @!p2 $0x0  }
0x1d: {  	s5 =	simm.s32 @p1 $0x1;
	p0 =	seq.s32 s7, s2  }
0x1e: {  	s7 =	smul.u32 @!p0 $0xF7A, s2;
	p2 =	seq.s32 @!p0 s5, $0x0  }
0x1f: {  	s9 =	smul.u32 $0xF7A, s1;
	s8 =	simm.s32 @!p0 $0x1BF5;
	p2 =	por !p2, p0  }
0x20: {  	[sflag:s8] =	ssyncset.s32 @!p0 $0xFFFFF086;
	s6 =	sadd.s32 @!p0 s3, s7;
	s7 =	simm.s32 @!p0 $0x108  }
0x21: {  	s3 =	sadd.s32 s3, s9;
	s6 =	sadd.s32 @!p0 $0x88, s6;
	s7 =	simm.s32 @p2 $0x1082  }
0x22: {  	[simem:s7], [sflag:s8] =	dma.local @!p0 [hbm:s6], $0xF7A  }
0x23: {  	s9 =	sor.u32 $0xD0000000, s2;
	s6 =	simm.s32 $0x108;
	_ =	swait.ge @!p0 [sflag:s8], $0x0  }
0x24: {  	s3 =	sadd.s32 $0x88, s3;
	s6 =	simm.s32 @!p1 $0x1082;
	[sflag:s4] =	ssyncset.s32 $0xFFFFF086  }
0x25: {  	[simem:s6], [sflag:s4] =	dma.local [hbm:s3], $0xF7A  }
0x26: {  	[smem:$0x3F9F] =	sst s1;
	(tag) =	ssettag s2;
	_ =	strace s9  }
0x27: {  	s1 =	sld [smem:$0x3FAF]  }
0x28: {  	s2 =	sld [smem:$0x3FB0]  }
0x29: {  	s4 =	sld [smem:$0x3FB2]  }
0x2a: {  	p0 =	seq.s32 s5, $0x0;
	s5 =	sld [smem:$0x3FB3]  }
0x2b: {  	s6 =	sld [smem:$0x3FB4]  }
0x2c: {  	s7 =	sld [smem:$0x3FB5]  }
0x2d: {  	s3 =	simm.s32 $0x108;
	s8 =	sld [smem:$0x3FB6]  }
0x2e: {  	s3 =	simm.s32 @!p0 $0x1082;
	s9 =	sld [smem:$0x3FB7]  }
0x2f: {  	lr =	sadd.s32 s0, s3;
	s0 =	sld [smem:$0x3FAE]  }
0x30: {  	s3 =	sld [smem:$0x3FB1]  }
0x31: {  	[smem:$0x3FBA] =	sst s10  }
0x32: {  	s10 =	sld [smem:$0x3FB8];
	_ =	sdelay $0x3  }
0x33: {  	p0 =	seq.s32 s10, $0x1;
	s10 =	sld [smem:$0x3FBA];
	_ =	sdelay $0x3  }
0x34: {  	[smem:$0x3FBA] =	sst s10  }
0x35: {  	s10 =	sld [smem:$0x3FB9];
	_ =	sdelay $0x3  }
0x36: {  	p1 =	seq.s32 s10, $0x1;
	s10 =	sld [smem:$0x3FBA];
	_ =	sdelay $0x3  }
0x37: {  	[smem:$0x3FBA] =	sst s10  }
0x38: {  	s10 =	sld [smem:$0x3FBB]  }
0x39: {  	_ = 	snop;
	(pc) =	sbr.ind lr, $3  }
0x3a: {  	_ = 	snop  }
0x3b: {  	_ = 	snop  }
0x3c: {  	p2 =	seq.s32 s10, $0x1;
	s10 =	sld [smem:$0x3FBA]  }
0x3d: {  	_ =	shalt  }
0x3e: {  	_ =	shalt  }
0x3f: {  	_ =	shalt  }
0x40: {  	_ =	shalt  }
0x41: {  	_ =	shalt  }
0x42: {  	_ =	shalt  }
0x43: {  	_ =	shalt  }
0x44: {  	_ =	shalt  }
0x45: {  	_ =	shalt  }
0x46: {  	_ =	shalt  }
0x47: {  	_ =	shalt  }
0x48: {  	_ =	shalt  }
0x49: {  	_ =	shalt  }
0x4a: {  	_ =	shalt  }
0x4b: {  	_ =	shalt  }
0x4c: {  	_ =	shalt  }
0x4d: {  	_ =	shalt  }
0x4e: {  	_ =	shalt  }
0x4f: {  	_ =	shalt  }
0x50: {  	_ =	shalt  }
0x51: {  	_ =	shalt  }
0x52: {  	_ =	shalt  }
0x53: {  	_ =	shalt  }
0x54: {  	_ =	shalt  }
0x55: {  	_ =	shalt  }
0x56: {  	_ =	shalt  }
0x57: {  	_ =	shalt  }
0x58: {  	_ =	shalt  }
0x59: {  	_ =	shalt  }
0x5a: {  	_ =	shalt  }
0x5b: {  	_ =	shalt  }
0x5c: {  	_ =	shalt  }
0x5d: {  	_ =	shalt  }
0x5e: {  	_ =	shalt  }
0x5f: {  	_ =	shalt  }
0x60: {  	_ =	shalt  }
0x61: {  	_ =	shalt  }
0x62: {  	_ =	shalt  }
0x63: {  	_ =	shalt  }
0x64: {  	_ =	shalt  }
0x65: {  	_ =	shalt  }
0x66: {  	_ =	shalt  }
0x67: {  	_ =	shalt  }
0x68: {  	_ =	shalt  }
0x69: {  	_ =	shalt  }
0x6a: {  	_ =	shalt  }
0x6b: {  	_ =	shalt  }
0x6c: {  	_ =	shalt  }
0x6d: {  	_ =	shalt  }
0x6e: {  	_ =	shalt  }
0x6f: {  	_ =	shalt  }
0x70: {  	_ =	shalt  }
0x71: {  	_ =	shalt  }
0x72: {  	_ =	shalt  }
0x73: {  	_ =	shalt  }
0x74: {  	_ =	shalt  }
0x75: {  	_ =	shalt  }
0x76: {  	_ =	shalt  }
0x77: {  	_ =	shalt  }
0x78: {  	_ =	shalt  }
0x79: {  	_ =	shalt  }
0x7a: {  	_ =	shalt  }
0x7b: {  	_ =	shalt  }
0x7c: {  	_ =	shalt  }
0x7d: {  	_ =	shalt  }
0x7e: {  	_ =	shalt  }
0x7f: {  	_ =	shalt  }
0x80: {  	_ =	shalt  }
0x81: {  	_ =	shalt  }
0x82: {  	_ =	shalt  }
0x83: {  	_ =	shalt  }
0x84: {  	_ =	shalt  }
0x85: {  	_ =	shalt  }
0x86: {  	_ =	shalt  }
0x87: {  	_ =	shalt  }
.Lfunc_end0:
.L_simem_size_0:
called_computation_lowered:
.L_overlay_start_0:
0x88: {  	s2 =	sld [smem:$0x3FD9]  }
0x89: {  	s3 =	sld [smem:$0x3FFE];
	_ =	sdelay $0x1  }
0x8a: {  	s1 =	srdreg.scid  }
0x8b: {  	s0 =	sand.u32 $0x1, s1  }
0x8c: {  	s17 =	sshll.u32 s0, $0xA;
	s2 =	sadd.s32 s3, s2  }
0x8d: {  	s2 =	sadd.s32 s2, s17  }
0x8e: {  	[smem:$0x3FC6] =	sst s2  }
0x8f: {  	_ = 	snop  }
0x90: {  	s2 =	sld [smem:$0x3FC8]  }
0x91: {  	s18 =	sld [smem:$0x3FD0];
	(tm) =	ssettm $0x1  }
0x92: {  	s4 =	sld [smem:$0x3FFB];
	_ =	sdelay $0x3  }
0x93: {  	_ =	strace s4  }
0x94: {  	s4 =	sld [smem:$0x3FFC];
	_ =	sdelay $0x3  }
0x95: {  	_ =	strace s4  }
0x96: {  	s4 =	sld [smem:$0x3FFD];
	_ =	sdelay $0x3  }
0x97: {  	_ =	strace s4  }
0x98: {  	_ =	strace $0x8FFFFFFF  }
0x99: {  	s19 =	sld [smem:$0x3FDB];
	_ =	sdelay $0x1  }
0x9a: {  	s5 =	simm.s32 $_scs_section_size  }
0x9b: {  	s6 =	simm.s32 $_size__tile_overlayer_lowered;
	s7 =	simm.s32 $_tile_overlayer_lowered  }
0x9c: {  	s22 =	simm.s32 $0x1BFF;
	s21 =	sshll.u32 s7, $0x1;
	s4 =	sadd.s32 s5, s19  }
0x9d: {  	s8 =	simm.s32 $0x0;
	s20 =	sshll.u32 s6, $0x1;
	s6 =	sadd.s32 s21, s4  }
0x9e: {  	[timem:s8], [sflag:s22] =	dma.local [hbm:s6], s20  }
0x9f: {  	_ =	swait.ge [sflag:s22], s20  }
0xa0: {  	s5 =	ssub.s32 $0x0, s20;
	[sflag:s22] =	ssyncset.done $0x0  }
0xa1: {  	[sflag:s22] =	ssyncadd.s32 s5;
	_ =	sdelay $0x1  }
0xa2: {  	s23 =	simm.s32 $0x1B8B  }
0xa3: {  	_ =	swait.ge [sflag:s23], $0x1  }
0xa4: {  	[sflag:s23] =	ssyncset.done $0x0  }
0xa5: {  	s25 =	simm.s32 $0x1B8E;
	s24 =	sld [smem:$0x3FFE];
	[sflag:s23] =	ssyncadd.s32 $0xFFFFFFFF  }
0xa6: {  	s26 =	simm.s32 $execute0_lowered;
	[smem:$0x3FD2] =	sst s25  }
0xa7: {  	s6 =	sshll.u32 s26, $0x1;
	_ =	strace $0x80000046;
	[dreg:$0x1] =	wrdreg $0xFFFFFFFF  }
0xa8: {  	s28 =	simm.s32 $_size_execute0_lowered;
	s4 =	sadd.s32 s4, s6;
	[dreg:$0x0] =	wrdreg $0x0  }
0xa9: {  	s6 =	sshll.u32 s28, $0x1;
	[dreg:$0x2] =	wrdreg s4  }
0xaa: {  	[dreg:$0x3] =	wrdreg s6  }
0xab: {  	[dreg:$0x4] =	wrdreg $0xC0  }
0xac: {  	_ =	task [dreg:s8], $0x5FFFF  }
0xad: {  	[dreg:$0x1] =	wrdreg $0xFFFFFFFF  }
0xae: {  	[dreg:$0x0] =	wrdreg $0x60  }
0xaf: {  	[dreg:$0x2] =	wrdreg s24  }
0xb0: {  	[dreg:$0x3] =	wrdreg s2  }
0xb1: {  	[dreg:$0x4] =	wrdreg s18  }
0xb2: {  	[dreg:$0x5] =	wrdreg $0x9  }
0xb3: {  	_ =	task.clear_ibuf [dreg:s8], $0x6FFFF;
	_ =	strace $0x90000046  }
0xb4: {  	s29 =	simm.s32 $0x9;
	_ =	strace $0x80000048  }
0xb5: {  	_ =	swait.ge [sflag:s29], $0x1  }
0xb6: {  	[sflag:s29] =	ssyncadd.s32 $0xFFFFFFFF  }
0xb7: {  	_ =	strace $0x90000048  }
0xb8: {  	_ =	sfence  }
0xb9: {  	s30 =	sld [smem:$0x0];
	_ =	sdelay $0x2  }
0xba: {  	s31 =	sshll.u32 s1, $0xD;
	s1 =	sshrl.u32 s1, $0x2  }
0xbb: {  	s3 =	sand.u32 $0x4000, s31;
	s1 =	sadd.s32 s1, s30  }
0xbc: {  	s0 =	sor.u32 s3, s0;
	s1 =	sshll.u32 s1, $0x11  }
0xbd: {  	s0 =	sor.u32 s1, s0  }
0xbe: {  	s0 =	sadd.s32 $0x8F2B, s0  }
0xbf: {  	[sflag:s0] =	ssyncadd.remote.s32 $0x1  }
0xc0: {  	_ =	sfence.sel $0xFFFF  }
0xc1: {  	[dreg:$0x0] =	wrdreg $0xFFFFFFFF;
	(pc) =	sbr.abs _section_cstart, $3  }
0xc2: {  	[dreg:$0x1] =	wrdreg $0xFFFFFFFF  }
0xc3: {  	_ =	task.clear_ibuf [dreg:s8], $0x2FFFF;
	_ =	strace $0x9FFFFFFF  }
0xc4: {  	(tm) =	ssettm $0x7FFFFFFF  }
0xc5: {  	_ =	shalt  }
tec
execute0_lowered:
.L_overlay_start_1:
0x0: {  	(tag) =	ssettag $0x1  }
0x1: {  	s0 =	rddreg [dreg:$0x0]  }
0x2: {  	s2 =	rddreg [dreg:$0x1];
	s1 =	srdreg.scid  }
0x3: {  	s4 =	stileid.u32;
	s3 =	rddreg [dreg:$0x2]  }
0x4: {  	s31 =	simm.s32 $0x8000;
	s17 =	simm.s32 $0x1;
	s15 =	simm.s32 $0x100  }
0x5: {  	s16 =	simm.s32 $0x400;
	s18 =	simm.s32 $0x1A000;
	s19 =	simm.s32 $0x2  }
0x6: {  	s20 =	simm.s32 $0x3;
	s21 =	simm.s32 $0x6;
	s23 =	simm.s32 $0x0  }
0x7: {  	s1 =	sand.u32 $0x1, s1;
	s5 =	sshll.u32 s4, $0x1;
	s4 =	simm.s32 $0x0  }
0x8: {  	s7 =	sadd.s32 $0x200, s2;
	s8 =	sadd.s32 $0x300, s2;
	s9 =	sadd.s32 $0x400, s2  }
0x9: {  	s10 =	sadd.s32 $0x500, s2;
	s11 =	sadd.s32 $0x600, s2;
	s13 =	sadd.s32 $0x700, s2  }
0xa: {  	s5 =	sor.u32 s1, s5;
	[smem:$0x7FF] =	sst s4;
	s1 =	ssub.s32 $0x2, s1  }
0xb: {  	s6 =	sshll.u32 s5, $0xA;
	_ =	strace $0x80000047;
	s28 =	sshrl.u32 s1, $0x1  }
0xc: {  	s12 =	sshll.u32 s5, $0xF;
	s14 =	sshll.u32 s5, $0x12;
	s0 =	sadd.s32 s6, s0  }
0xd: {  	s5 =	simm.s32 $0x9800;
	s1 =	ssub.s32 s1, s28;
	s0 =	sadd.s32 $0x400, s0  }
0xe: {  	v3 =	vlaneseq.u32;
	s29 =	sadd.s32 s12, s3;
	s30 =	smax.u32 s1, $0x1;
	[dreg:$0x4] =	wrdreg s0  }
0xf: {  	vm0 =	vmmov $0xffff;
	v0 =	vand.u32 $0x7, v3;
	v2 =	vshrl.u32 v3, $0x3;
	s6 =	sadd.s32 $0x100, s2;
	s0 =	sadd.s32 $0x7860, s29;
	[dreg:$0x6] =	wrdreg s30  }
0x10: {  	v3 =	vor.u32 $0x8, v3;
	v1 =	vmul.u32 $0x3E8, v0;
	v2 =	vmul.u32 $0x8, v2;
	s1 =	simm.s32 $0x8800;
	[dreg:$0x5] =	wrdreg s0;
	s0 =	simm.s32 $0x9000  }
.LBB2_1:
0x11: {  	[dreg:$0x7] =	wrdreg s23  }
0x12: {  	s22 =	rddreg [dreg:$0x4];
	s30 =	simm.s32 $0x7  }
0x13: {  	[tilespmem:s4], [sflag:$0x7] =	stream.linear.gather [hbm4b:s22+s4], $0x2000, $0x38;
	[tilespmem:$0x1D000] =	vst v63  }
0x14: {  	_ =	swait.ge [sflag:s30], $0x2000  }
0x15: {  	[sflag:s30] =	ssyncset.done $0x0  }
0x16: {  	s23 =	simm.s32 $0x200;
	s22 =	simm.s32 $0x0;
	[sflag:s30] =	ssyncadd.s32 $0xFFFFE000  }
.LBB2_2:
0x17: {  	p0 =	sne.s32 s23, $0x7E00;
	v4 =	vld [tilespmem:s22+$0x0];
	_ =	sdelay $0x1  }
.Ltmp0:
0x18: {  	(pc) =	sbr.rel @p0 .LBB2_2-.Ltmp0, $3  }
0x19: {  	_ =	sdelay $0x1  }
0x1a: {  	v4 =	vadd.s32 v1, v4  }
0x1b: {  	[tilespmem:s22+$0x0] =	vst v4;
	s22 =	sshra.s32 s23, $0x2;
	s23 =	sadd.s32 $0x200, s23  }
0x1c: {  	v4 =	vld [tilespmem:s22+$0x0];
	_ =	sdelay $0x4  }
0x1d: {  	v4 =	vadd.s32 v1, v4  }
0x1e: {  	[tilespmem:s22+$0x0] =	vst v4  }
0x1f: {  	v4 =	vld [tilespmem:$0x0];
	_ =	sdelay $0x4  }
0x20: {  	v5 =	vshll.u32 v4, $0x4  }
0x21: {  	v4 =	vand.u32 $0x7, v4;
	v5 =	vand.u32 $0xFFFFFF80, v5  }
0x22: {  	v4 =	vor.u32 v4, v5  }
0x23: {  	v5 =	vperm.xlane v4, v0;
	_ =	sdelay $0x1  }
0x24: {  	v5 =	vadd.s32 v2, v5;
	_ =	sdelay $0x3  }
0x25: {  	s23 =	simm.s32 $0x2000;
	s22 =	simm.s32 $0x0  }
0x26: {  	[tilespmem:s23], [sflag:$0x1] =	stream.indirect_vreg.gather [hbm4b:s2+s22], $0x80, v5, vm0, $0xb8;
	[tilespmem:$0x1D000] =	vst v63  }
0x27: {  	s28 =	simm.s32 $0x2800  }
0x28: {  	[tilespmem:s28], [sflag:$0x1] =	stream.indirect_vreg.gather [hbm4b:s6+s22], $0x80, v5, vm0, $0xb8;
	[tilespmem:$0x1D000] =	vst v63  }
0x29: {  	s29 =	simm.s32 $0x3000  }
0x2a: {  	[tilespmem:s29], [sflag:$0x1] =	stream.indirect_vreg.gather [hbm4b:s7+s22], $0x80, v5, vm0, $0xb8;
	[tilespmem:$0x1D000] =	vst v63  }
0x2b: {  	s30 =	simm.s32 $0x3800  }
0x2c: {  	[tilespmem:s30], [sflag:$0x1] =	stream.indirect_vreg.gather [hbm4b:s8+s22], $0x80, v5, vm0, $0xb8;
	[tilespmem:$0x1D000] =	vst v63  }
0x2d: {  	s24 =	simm.s32 $0x4000  }
0x2e: {  	[tilespmem:s24], [sflag:$0x1] =	stream.indirect_vreg.gather [hbm4b:s9+s22], $0x80, v5, vm0, $0xb8;
	[tilespmem:$0x1D000] =	vst v63  }
0x2f: {  	s25 =	simm.s32 $0x4800;
	v4 =	vperm.xlane v4, v3  }
0x30: {  	[tilespmem:s25], [sflag:$0x1] =	stream.indirect_vreg.gather [hbm4b:s10+s22], $0x80, v5, vm0, $0xb8;
	[tilespmem:$0x1D000] =	vst v63  }
0x31: {  	s26 =	simm.s32 $0x5000;
	v4 =	vadd.s32 v2, v4  }
0x32: {  	[tilespmem:s26], [sflag:$0x1] =	stream.indirect_vreg.gather [hbm4b:s11+s22], $0x80, v5, vm0, $0xb8;
	[tilespmem:$0x1D000] =	vst v63  }
0x33: {  	s28 =	simm.s32 $0x5800  }
0x34: {  	[tilespmem:s28], [sflag:$0x1] =	stream.indirect_vreg.gather [hbm4b:s13+s22], $0x80, v5, vm0, $0xb8;
	[tilespmem:$0x1D000] =	vst v63  }
0x35: {  	s29 =	simm.s32 $0x6000  }
0x36: {  	[tilespmem:s29], [sflag:$0x1] =	stream.indirect_vreg.gather [hbm4b:s2+s22], $0x80, v4, vm0, $0xb8;
	[tilespmem:$0x1D000] =	vst v63  }
0x37: {  	s30 =	simm.s32 $0x6800  }
0x38: {  	[tilespmem:s30], [sflag:$0x1] =	stream.indirect_vreg.gather [hbm4b:s6+s22], $0x80, v4, vm0, $0xb8;
	[tilespmem:$0x1D000] =	vst v63  }
0x39: {  	s24 =	simm.s32 $0x7000  }
0x3a: {  	[tilespmem:s24], [sflag:$0x1] =	stream.indirect_vreg.gather [hbm4b:s7+s22], $0x80, v4, vm0, $0xb8;
	[tilespmem:$0x1D000] =	vst v63  }
0x3b: {  	s25 =	simm.s32 $0x7800  }
0x3c: {  	[tilespmem:s25], [sflag:$0x1] =	stream.indirect_vreg.gather [hbm4b:s8+s22], $0x80, v4, vm0, $0xb8;
	[tilespmem:$0x1D000] =	vst v63  }
0x3d: {  	_ = 	snop  }
0x3e: {  	[tilespmem:s31], [sflag:$0x1] =	stream.indirect_vreg.gather [hbm4b:s9+s22], $0x80, v4, vm0, $0xb8;
	[tilespmem:$0x1D000] =	vst v63  }
0x3f: {  	_ = 	snop  }
0x40: {  	[tilespmem:s1], [sflag:$0x1] =	stream.indirect_vreg.gather [hbm4b:s10+s22], $0x80, v4, vm0, $0xb8;
	[tilespmem:$0x1D000] =	vst v63  }
0x41: {  	_ = 	snop  }
0x42: {  	[tilespmem:s0], [sflag:$0x1] =	stream.indirect_vreg.gather [hbm4b:s11+s22], $0x80, v4, vm0, $0xb8;
	[tilespmem:$0x1D000] =	vst v63  }
0x43: {  	_ = 	snop  }
0x44: {  	[tilespmem:s5], [sflag:$0x1] =	stream.indirect_vreg.gather [hbm4b:s13+s22], $0x80, v4, vm0, $0xb8;
	[tilespmem:$0x1D000] =	vst v63  }
0x45: {  	v4 =	vld [tilespmem:$0x80];
	_ =	sdelay $0x4  }
0x46: {  	v5 =	vshll.u32 v4, $0x4  }
0x47: {  	v4 =	vand.u32 $0x7, v4;
	v5 =	vand.u32 $0xFFFFFF80, v5  }
0x48: {  	v4 =	vor.u32 v4, v5  }
0x49: {  	v5 =	vperm.xlane v4, v0;
	_ =	sdelay $0x1  }
0x4a: {  	v5 =	vadd.s32 v2, v5;
	_ =	sdelay $0x3  }
0x4b: {  	s26 =	simm.s32 $0xA000  }
0x4c: {  	[tilespmem:s26], [sflag:$0x2] =	stream.indirect_vreg.gather [hbm4b:s2+s22], $0x80, v5, vm0, $0xb8;
	[tilespmem:$0x1D000] =	vst v63  }
0x4d: {  	s28 =	simm.s32 $0xA800  }
0x4e: {  	[tilespmem:s28], [sflag:$0x2] =	stream.indirect_vreg.gather [hbm4b:s6+s22], $0x80, v5, vm0, $0xb8;
	[tilespmem:$0x1D000] =	vst v63  }
0x4f: {  	s29 =	simm.s32 $0xB000  }
0x50: {  	[tilespmem:s29], [sflag:$0x2] =	stream.indirect_vreg.gather [hbm4b:s7+s22], $0x80, v5, vm0, $0xb8;
	[tilespmem:$0x1D000] =	vst v63  }
0x51: {  	s30 =	simm.s32 $0xB800  }
0x52: {  	[tilespmem:s30], [sflag:$0x2] =	stream.indirect_vreg.gather [hbm4b:s8+s22], $0x80, v5, vm0, $0xb8;
	[tilespmem:$0x1D000] =	vst v63  }
0x53: {  	s24 =	simm.s32 $0xC000  }
0x54: {  	[tilespmem:s24], [sflag:$0x2] =	stream.indirect_vreg.gather [hbm4b:s9+s22], $0x80, v5, vm0, $0xb8;
	[tilespmem:$0x1D000] =	vst v63  }
0x55: {  	s25 =	simm.s32 $0xC800;
	v4 =	vperm.xlane v4, v3  }
0x56: {  	[tilespmem:s25], [sflag:$0x2] =	stream.indirect_vreg.gather [hbm4b:s10+s22], $0x80, v5, vm0, $0xb8;
	[tilespmem:$0x1D000] =	vst v63  }
0x57: {  	v4 =	vadd.s32 v2, v4;
	s26 =	simm.s32 $0xD000  }
0x58: {  	[tilespmem:s26], [sflag:$0x2] =	stream.indirect_vreg.gather [hbm4b:s11+s22], $0x80, v5, vm0, $0xb8;
	[tilespmem:$0x1D000] =	vst v63  }
0x59: {  	s28 =	simm.s32 $0xD800  }
0x5a: {  	[tilespmem:s28], [sflag:$0x2] =	stream.indirect_vreg.gather [hbm4b:s13+s22], $0x80, v5, vm0, $0xb8;
	[tilespmem:$0x1D000] =	vst v63  }
0x5b: {  	s29 =	simm.s32 $0xE000  }
0x5c: {  	[tilespmem:s29], [sflag:$0x2] =	stream.indirect_vreg.gather [hbm4b:s2+s22], $0x80, v4, vm0, $0xb8;
	[tilespmem:$0x1D000] =	vst v63  }
0x5d: {  	s30 =	simm.s32 $0xE800  }
0x5e: {  	[tilespmem:s30], [sflag:$0x2] =	stream.indirect_vreg.gather [hbm4b:s6+s22], $0x80, v4, vm0, $0xb8;
	[tilespmem:$0x1D000] =	vst v63  }
0x5f: {  	s24 =	simm.s32 $0xF000  }
0x60: {  	[tilespmem:s24], [sflag:$0x2] =	stream.indirect_vreg.gather [hbm4b:s7+s22], $0x80, v4, vm0, $0xb8;
	[tilespmem:$0x1D000] =	vst v63  }
0x61: {  	s25 =	simm.s32 $0xF800  }
0x62: {  	[tilespmem:s25], [sflag:$0x2] =	stream.indirect_vreg.gather [hbm4b:s8+s22], $0x80, v4, vm0, $0xb8;
	[tilespmem:$0x1D000] =	vst v63  }
0x63: {  	s26 =	simm.s32 $0x10000  }
0x64: {  	[tilespmem:s26], [sflag:$0x2] =	stream.indirect_vreg.gather [hbm4b:s9+s22], $0x80, v4, vm0, $0xb8;
	[tilespmem:$0x1D000] =	vst v63  }
0x65: {  	s28 =	simm.s32 $0x10800  }
0x66: {  	[tilespmem:s28], [sflag:$0x2] =	stream.indirect_vreg.gather [hbm4b:s10+s22], $0x80, v4, vm0, $0xb8;
	[tilespmem:$0x1D000] =	vst v63  }
0x67: {  	s29 =	simm.s32 $0x11000  }
0x68: {  	[tilespmem:s29], [sflag:$0x2] =	stream.indirect_vreg.gather [hbm4b:s11+s22], $0x80, v4, vm0, $0xb8;
	[tilespmem:$0x1D000] =	vst v63  }
0x69: {  	s30 =	simm.s32 $0x11800  }
0x6a: {  	[tilespmem:s30], [sflag:$0x2] =	stream.indirect_vreg.gather [hbm4b:s13+s22], $0x80, v4, vm0, $0xb8;
	[tilespmem:$0x1D000] =	vst v63  }
.LBB2_4:
0x6b: {  	s25 =	smul.u32 $0x3, s22;
	_ =	sdelay $0x1  }
0x6c: {  	s24 =	sadd.s32 $0x2, s25  }
0x6d: {  	s23 =	sshll.u32 s24, $0x9  }
0x6e: {  	s26 =	sshrl.u32 s23, $0x2  }
0x6f: {  	v4 =	vld [tilespmem:s26+$0x0];
	_ =	sdelay $0x4  }
0x70: {  	v5 =	vshll.u32 v4, $0x4  }
0x71: {  	v4 =	vand.u32 $0x7, v4;
	v5 =	vand.u32 $0xFFFFFF80, v5  }
0x72: {  	v4 =	vor.u32 v4, v5  }
0x73: {  	v5 =	vperm.xlane v4, v0;
	_ =	sdelay $0x1  }
0x74: {  	v5 =	vadd.s32 v2, v5;
	_ =	sdelay $0x3  }
0x75: {  	s30 =	simm.s32 $0x12000  }
0x76: {  	[tilespmem:s30], [sflag:$0x3] =	stream.indirect_vreg.gather [hbm4b:s2+s4], $0x80, v5, vm0, $0xb8;
	[tilespmem:$0x1D000] =	vst v63  }
0x77: {  	s30 =	simm.s32 $0x12800  }
0x78: {  	[tilespmem:s30], [sflag:$0x3] =	stream.indirect_vreg.gather [hbm4b:s6+s4], $0x80, v5, vm0, $0xb8;
	[tilespmem:$0x1D000] =	vst v63  }
0x79: {  	s30 =	simm.s32 $0x13000  }
0x7a: {  	[tilespmem:s30], [sflag:$0x3] =	stream.indirect_vreg.gather [hbm4b:s7+s4], $0x80, v5, vm0, $0xb8;
	[tilespmem:$0x1D000] =	vst v63  }
0x7b: {  	s30 =	simm.s32 $0x13800  }
0x7c: {  	[tilespmem:s30], [sflag:$0x3] =	stream.indirect_vreg.gather [hbm4b:s8+s4], $0x80, v5, vm0, $0xb8;
	[tilespmem:$0x1D000] =	vst v63  }
0x7d: {  	s30 =	simm.s32 $0x14000  }
0x7e: {  	[tilespmem:s30], [sflag:$0x3] =	stream.indirect_vreg.gather [hbm4b:s9+s4], $0x80, v5, vm0, $0xb8;
	[tilespmem:$0x1D000] =	vst v63  }
0x7f: {  	v4 =	vperm.xlane v4, v3;
	s30 =	simm.s32 $0x14800  }
0x80: {  	[tilespmem:s30], [sflag:$0x3] =	stream.indirect_vreg.gather [hbm4b:s10+s4], $0x80, v5, vm0, $0xb8;
	[tilespmem:$0x1D000] =	vst v63  }
0x81: {  	v4 =	vadd.s32 v2, v4;
	s30 =	simm.s32 $0x15000  }
0x82: {  	[tilespmem:s30], [sflag:$0x3] =	stream.indirect_vreg.gather [hbm4b:s11+s4], $0x80, v5, vm0, $0xb8;
	[tilespmem:$0x1D000] =	vst v63  }
0x83: {  	s30 =	simm.s32 $0x15800  }
0x84: {  	[tilespmem:s30], [sflag:$0x3] =	stream.indirect_vreg.gather [hbm4b:s13+s4], $0x80, v5, vm0, $0xb8;
	[tilespmem:$0x1D000] =	vst v63  }
0x85: {  	s30 =	simm.s32 $0x16000  }
0x86: {  	[tilespmem:s30], [sflag:$0x3] =	stream.indirect_vreg.gather [hbm4b:s2+s4], $0x80, v4, vm0, $0xb8;
	[tilespmem:$0x1D000] =	vst v63  }
0x87: {  	s30 =	simm.s32 $0x16800  }
0x88: {  	[tilespmem:s30], [sflag:$0x3] =	stream.indirect_vreg.gather [hbm4b:s6+s4], $0x80, v4, vm0, $0xb8;
	[tilespmem:$0x1D000] =	vst v63  }
0x89: {  	s30 =	simm.s32 $0x17000  }
0x8a: {  	[tilespmem:s30], [sflag:$0x3] =	stream.indirect_vreg.gather [hbm4b:s7+s4], $0x80, v4, vm0, $0xb8;
	[tilespmem:$0x1D000] =	vst v63  }
0x8b: {  	s30 =	simm.s32 $0x17800  }
0x8c: {  	[tilespmem:s30], [sflag:$0x3] =	stream.indirect_vreg.gather [hbm4b:s8+s4], $0x80, v4, vm0, $0xb8;
	[tilespmem:$0x1D000] =	vst v63  }
0x8d: {  	s30 =	simm.s32 $0x18000  }
0x8e: {  	[tilespmem:s30], [sflag:$0x3] =	stream.indirect_vreg.gather [hbm4b:s9+s4], $0x80, v4, vm0, $0xb8;
	[tilespmem:$0x1D000] =	vst v63  }
0x8f: {  	s30 =	simm.s32 $0x18800  }
0x90: {  	[tilespmem:s30], [sflag:$0x3] =	stream.indirect_vreg.gather [hbm4b:s10+s4], $0x80, v4, vm0, $0xb8;
	[tilespmem:$0x1D000] =	vst v63  }
0x91: {  	s30 =	simm.s32 $0x19000  }
0x92: {  	[tilespmem:s30], [sflag:$0x3] =	stream.indirect_vreg.gather [hbm4b:s11+s4], $0x80, v4, vm0, $0xb8;
	[tilespmem:$0x1D000] =	vst v63  }
0x93: {  	s30 =	simm.s32 $0x19800  }
0x94: {  	[tilespmem:s30], [sflag:$0x3] =	stream.indirect_vreg.gather [hbm4b:s13+s4], $0x80, v4, vm0, $0xb8;
	[tilespmem:$0x1D000] =	vst v63  }
0x95: {  	_ =	swait.ge [sflag:s17], $0x8000  }
0x96: {  	p0 =	seq.s32 s22, $0x0;
	[sflag:s17] =	ssyncset.done $0x0  }
0x97: {  	s26 =	simm.s32 @!p0 $0x4;
	[sflag:s17] =	ssyncadd.s32 $0xFFFF8000  }
0x98: {  	_ =	swait.ge @!p0 [sflag:s26], $0x1000  }
0x99: {  	[sflag:s26] =	ssyncset.done @!p0 $0x0  }
0x9a: {  	s29 =	simm.s32 $0x2000;
	[sflag:s26] =	ssyncadd.s32 @!p0 $0xFFFFF000  }
0x9b: {  	v4 =	vld [tilespmem:s29+$0x70]  }
0x9c: {  	v5 =	vld [tilespmem:s29+$0xF0]  }
0x9d: {  	v6 =	vld [tilespmem:s29+$0x170]  }
0x9e: {  	v7 =	vld [tilespmem:s29+$0x1F0]  }
0x9f: {  	v8 =	vld [tilespmem:s29+$0x270]  }
0xa0: {  	v9 =	vld [tilespmem:s29+$0x2F0]  }
0xa1: {  	v10 =	vld [tilespmem:s29+$0x370]  }
0xa2: {  	v11 =	vld [tilespmem:s29+$0x3F0]  }
0xa3: {  	v12 =	vld [tilespmem:s29+$0x80]  }
0xa4: {  	v13 =	vld [tilespmem:s29+$0x100]  }
0xa5: {  	v14 =	vld [tilespmem:s29+$0x180]  }
0xa6: {  	v15 =	vld [tilespmem:s29+$0x200]  }
0xa7: {  	v23 =	vld [tilespmem:s29+$0x210]  }
0xa8: {  	v24 =	vld [tilespmem:s29+$0x290]  }
0xa9: {  	v25 =	vld [tilespmem:s29+$0x310]  }
0xaa: {  	v26 =	vld [tilespmem:s29+$0x390]  }
0xab: {  	v27 =	vld [tilespmem:s29+$0x20]  }
0xac: {  	v28 =	vld [tilespmem:s29+$0xA0]  }
0xad: {  	v29 =	vld [tilespmem:s29+$0x120]  }
0xae: {  	v30 =	vld [tilespmem:s29+$0x1A0]  }
0xaf: {  	v31 =	vld [tilespmem:s29+$0x220]  }
0xb0: {  	v32 =	vld [tilespmem:s29+$0x2A0]  }
0xb1: {  	v33 =	vld [tilespmem:s29+$0x320]  }
0xb2: {  	v34 =	vld [tilespmem:s29+$0x3A0]  }
0xb3: {  	v35 =	vld [tilespmem:s29+$0x30]  }
0xb4: {  	v36 =	vld [tilespmem:s29+$0xB0]  }
0xb5: {  	v37 =	vld [tilespmem:s29+$0x130]  }
0xb6: {  	v38 =	vld [tilespmem:s29+$0x1B0]  }
0xb7: {  	v39 =	vld [tilespmem:s29+$0x230]  }
0xb8: {  	v40 =	vld [tilespmem:s29+$0x2B0]  }
0xb9: {  	v41 =	vld [tilespmem:s29+$0x330]  }
0xba: {  	v42 =	vld [tilespmem:s29+$0x3B0]  }
0xbb: {  	v43 =	vld [tilespmem:s29+$0x40]  }
0xbc: {  	v44 =	vld [tilespmem:s29+$0xC0]  }
0xbd: {  	v45 =	vld [tilespmem:s29+$0x140]  }
0xbe: {  	v46 =	vld [tilespmem:s29+$0x1C0]  }
0xbf: {  	v47 =	vld [tilespmem:s29+$0x240]  }
0xc0: {  	v48 =	vld [tilespmem:s29+$0x2C0]  }
0xc1: {  	v49 =	vld [tilespmem:s29+$0x340]  }
0xc2: {  	v50 =	vld [tilespmem:s29+$0x3C0]  }
0xc3: {  	v51 =	vld [tilespmem:s29+$0x50]  }
0xc4: {  	v52 =	vld [tilespmem:s29+$0xD0]  }
0xc5: {  	v53 =	vld [tilespmem:s29+$0x150]  }
0xc6: {  	v54 =	vld [tilespmem:s29+$0x1D0]  }
0xc7: {  	v55 =	vld [tilespmem:s29+$0x250]  }
0xc8: {  	v56 =	vld [tilespmem:s29+$0x2D0]  }
0xc9: {  	v57 =	vld [tilespmem:s29+$0x350]  }
0xca: {  	v58 =	vld [tilespmem:s29+$0x3D0]  }
0xcb: {  	v59 =	vld [tilespmem:s29+$0x60]  }
0xcc: {  	v4 =	vadd.f32 v5, v4;
	v5 =	vadd.f32 v7, v6;
	v6 =	vld [tilespmem:s29+$0x280]  }
0xcd: {  	v7 =	vadd.f32 v9, v8;
	v9 =	vld [tilespmem:s29+$0x300]  }
0xce: {  	v8 =	vadd.f32 v11, v10;
	v10 =	vld [tilespmem:s29+$0x380]  }
0xcf: {  	v11 =	vld [tilespmem:s29+$0x190];
	v60 =	vadd.f32 v26, v25  }
0xd0: {  	v25 =	vld [tilespmem:s29+$0x1E0];
	v4 =	vadd.f32 v5, v4;
	v5 =	vadd.f32 v8, v7  }
0xd1: {  	v26 =	vld [tilespmem:s29+$0x3E0]  }
0xd2: {  	v7 =	vld [tilespmem:s29+$0x10];
	v4 =	vadd.f32 v5, v4  }
0xd3: {  	s26 =	simm.s32 $0x1A080;
	v8 =	vld [tilespmem:s29+$0x90]  }
0xd4: {  	v5 =	vld [tilespmem:s29+$0x110];
	[tilespmem:s26+$0xFFFFFFF0] =	vst v4  }
0xd5: {  	v4 =	vld [tilespmem:s29+$0x4070]  }
0xd6: {  	v16 =	vld [tilespmem:s29+$0x40F0]  }
0xd7: {  	v17 =	vld [tilespmem:s29+$0x4170]  }
0xd8: {  	v18 =	vld [tilespmem:s29+$0x41F0]  }
0xd9: {  	v19 =	vld [tilespmem:s29+$0x4270]  }
0xda: {  	v27 =	vadd.f32 v28, v27;
	v20 =	vld [tilespmem:s29+$0x42F0]  }
0xdb: {  	v61 =	vadd.f32 v30, v29;
	v21 =	vld [tilespmem:s29+$0x4370];
	v7 =	vadd.f32 v8, v7  }
0xdc: {  	v22 =	vld [tilespmem:s29+$0x43F0];
	v5 =	vadd.f32 v11, v5;
	v11 =	vadd.f32 v24, v23  }
0xdd: {  	v62 =	vadd.f32 v32, v31;
	v63 =	vadd.f32 v34, v33;
	v8 =	vld [tilespmem:s29+$0xE0]  }
0xde: {  	v24 =	vld [tilespmem:s29+$0x160];
	v5 =	vadd.f32 v5, v7;
	v7 =	vadd.f32 v60, v11  }
0xdf: {  	v35 =	vadd.f32 v36, v35;
	v6 =	vadd.f32 v6, v15;
	v23 =	vld [tilespmem:s29+$0x2E0]  }
0xe0: {  	v15 =	vadd.f32 v61, v27;
	v11 =	vld [tilespmem:s29+$0x260];
	v5 =	vadd.f32 v7, v5  }
0xe1: {  	v61 =	vadd.f32 v38, v37;
	v60 =	vadd.f32 v63, v62;
	v7 =	vld [tilespmem:s29+$0x360]  }
0xe2: {  	v62 =	vadd.f32 v40, v39;
	v63 =	vadd.f32 v42, v41;
	[tilespmem:s26+$0xFFFFFF90] =	vst v5;
	v5 =	vld [tilespmem:s29+$0x0]  }
0xe3: {  	v29 =	vld [tilespmem:s29+$0x4010]  }
0xe4: {  	v35 =	vadd.f32 v61, v35;
	v42 =	vadd.f32 v63, v62;
	v32 =	vld [tilespmem:s29+$0x4090]  }
0xe5: {  	v13 =	vadd.f32 v14, v13;
	v14 =	vld [tilespmem:s29+$0x4110]  }
0xe6: {  	v9 =	vadd.f32 v10, v9;
	v62 =	vadd.f32 v42, v35;
	v28 =	vld [tilespmem:s29+$0x4190]  }
0xe7: {  	v10 =	vld [tilespmem:s29+$0x4210]  }
0xe8: {  	v6 =	vadd.f32 v9, v6;
	v9 =	vld [tilespmem:s29+$0x4310];
	[tilespmem:s26+$0xFFFFFFB0] =	vst v62  }
0xe9: {  	v4 =	vadd.f32 v16, v4;
	v16 =	vld [tilespmem:s29+$0x4030]  }
0xea: {  	v46 =	vadd.f32 v46, v45;
	v48 =	vadd.f32 v48, v47;
	v35 =	vld [tilespmem:s29+$0x40B0]  }
0xeb: {  	v49 =	vadd.f32 v50, v49;
	v63 =	vadd.f32 v44, v43;
	v44 =	vld [tilespmem:s29+$0x4130]  }
0xec: {  	v61 =	vadd.f32 v20, v19;
	v47 =	vld [tilespmem:s29+$0x41B0]  }
0xed: {  	v19 =	vadd.f32 v49, v48;
	v50 =	vadd.f32 v46, v63;
	v62 =	vld [tilespmem:s29+$0x42B0]  }
0xee: {  	v52 =	vadd.f32 v52, v51;
	v63 =	vld [tilespmem:s29+$0x4330]  }
0xef: {  	v21 =	vadd.f32 v22, v21;
	v19 =	vadd.f32 v19, v50;
	v48 =	vld [tilespmem:s29+$0x43B0]  }
0xf0: {  	v5 =	vadd.f32 v12, v5;
	v12 =	vadd.f32 v60, v15;
	v15 =	vld [tilespmem:s29+$0x4290]  }
0xf1: {  	[tilespmem:s26+$0xFFFFFFC0] =	vst v19;
	v60 =	vadd.f32 v18, v17;
	v18 =	vadd.f32 v21, v61;
	v21 =	vld [tilespmem:s29+$0x4230]  }
0xf2: {  	v11 =	vadd.f32 v23, v11;
	v7 =	vadd.f32 v26, v7;
	v49 =	vld [tilespmem:s29+$0x4040]  }
0xf3: {  	v8 =	vadd.f32 v8, v59;
	v46 =	vadd.f32 v25, v24;
	v51 =	vld [tilespmem:s29+$0x40C0]  }
0xf4: {  	v7 =	vadd.f32 v7, v11;
	v11 =	vld [tilespmem:s29+$0x41C0]  }
0xf5: {  	v54 =	vadd.f32 v54, v53;
	v8 =	vadd.f32 v46, v8;
	v53 =	vld [tilespmem:s29+$0x43C0]  }
0xf6: {  	[tilespmem:s26+$0xFFFFFFA0] =	vst v12;
	v12 =	vld [tilespmem:s29+$0x4390]  }
0xf7: {  	v7 =	vadd.f32 v7, v8;
	v8 =	vld [tilespmem:s29+$0x42C0]  }
0xf8: {  	v5 =	vadd.f32 v13, v5;
	v13 =	vld [tilespmem:s29+$0x40A0]  }
0xf9: {  	v38 =	vld [tilespmem:s29+$0x41A0]  }
0xfa: {  	v17 =	vld [tilespmem:s29+$0x4220]  }
0xfb: {  	v20 =	vld [tilespmem:s29+$0x42A0]  }
0xfc: {  	v39 =	vld [tilespmem:s29+$0x4320]  }
0xfd: {  	v43 =	vld [tilespmem:s29+$0x43A0];
	v5 =	vadd.f32 v6, v5  }
0xfe: {  	v6 =	vld [tilespmem:s29+$0x4020]  }
0xff: {  	v56 =	vadd.f32 v56, v55;
	v58 =	vadd.f32 v58, v57;
	[tilespmem:s26+$0xFFFFFF80] =	vst v5;
	v5 =	vld [tilespmem:s29+$0x4120]  }
0x100: {  	v27 =	vld [tilespmem:s29+$0x4000]  }
0x101: {  	v61 =	vadd.f32 v58, v56;
	v30 =	vld [tilespmem:s29+$0x4080]  }
0x102: {  	v50 =	vadd.f32 v32, v29;
	v14 =	vadd.f32 v28, v14;
	v31 =	vld [tilespmem:s29+$0x4100]  }
0x103: {  	v4 =	vadd.f32 v60, v4;
	v60 =	vadd.f32 v54, v52;
	v33 =	vld [tilespmem:s29+$0x4180]  }
0x104: {  	v14 =	vadd.f32 v14, v50;
	v34 =	vld [tilespmem:s29+$0x4200]  }
0x105: {  	v4 =	vadd.f32 v18, v4;
	v45 =	vadd.f32 v61, v60;
	v37 =	vld [tilespmem:s29+$0x4280]  }
0x106: {  	v10 =	vadd.f32 v15, v10;
	v40 =	vld [tilespmem:s29+$0x4300];
	v9 =	vadd.f32 v12, v9  }
0x107: {  	v18 =	vadd.f32 v48, v63;
	[tilespmem:s26+$0xFFFFFFE0] =	vst v7;
	v21 =	vadd.f32 v62, v21;
	v41 =	vld [tilespmem:s29+$0x4380]  }
0x108: {  	v7 =	vadd.f32 v51, v49;
	[tilespmem:s26+$0xFFFFFFD0] =	vst v45;
	v12 =	vld [tilespmem:s29+$0x4140];
	v9 =	vadd.f32 v9, v10  }
0x109: {  	v55 =	vld [tilespmem:s29+$0x4050];
	v17 =	vadd.f32 v20, v17;
	v56 =	vadd.f32 v43, v39  }
0x10a: {  	v57 =	vld [tilespmem:s29+$0x40D0];
	v6 =	vadd.f32 v13, v6;
	v9 =	vadd.f32 v9, v14  }
0x10b: {  	v58 =	vld [tilespmem:s29+$0x4150];
	v5 =	vadd.f32 v38, v5;
	v13 =	vadd.f32 v30, v27  }
0x10c: {  	v10 =	vld [tilespmem:s29+$0x4240];
	v15 =	vadd.f32 v33, v31;
	v52 =	vadd.f32 v37, v34  }
0x10d: {  	v14 =	vld [tilespmem:s29+$0x4340];
	v54 =	vadd.f32 v41, v40;
	v11 =	vadd.f32 v11, v12  }
0x10e: {  	v59 =	vld [tilespmem:s29+$0x41D0];
	v5 =	vadd.f32 v5, v6;
	v6 =	vadd.f32 v56, v17  }
0x10f: {  	v62 =	vld [tilespmem:s29+$0x4350];
	v13 =	vadd.f32 v15, v13;
	v15 =	vadd.f32 v54, v52  }
0x110: {  	v12 =	vld [tilespmem:s29+$0x43D0];
	v5 =	vadd.f32 v6, v5;
	v6 =	vadd.f32 v47, v44  }
0x111: {  	v60 =	vld [tilespmem:s29+$0x4250];
	v13 =	vadd.f32 v15, v13;
	v15 =	vadd.f32 v35, v16  }
0x112: {  	v61 =	vld [tilespmem:s29+$0x42D0];
	v8 =	vadd.f32 v8, v10;
	v10 =	vadd.f32 v53, v14  }
0x113: {  	v63 =	vld [tilespmem:s29+$0x40E0];
	v7 =	vadd.f32 v11, v7;
	v6 =	vadd.f32 v6, v15  }
0x114: {  	[tilespmem:s26+$0x70] =	vst v4;
	v4 =	vld [tilespmem:s29+$0x4160];
	v15 =	vadd.f32 v18, v21;
	v8 =	vadd.f32 v10, v8  }
0x115: {  	v11 =	vadd.f32 v57, v55;
	v14 =	vld [tilespmem:s29+$0x4060];
	v12 =	vadd.f32 v12, v62  }
0x116: {  	[tilespmem:s26+$0x0] =	vst v13;
	v10 =	vadd.f32 v15, v6;
	v6 =	vld [tilespmem:s29+$0x41E0];
	v13 =	vadd.f32 v8, v7  }
0x117: {  	[tilespmem:s26+$0x10] =	vst v9;
	v9 =	vld [tilespmem:s29+$0x42E0];
	v8 =	vadd.f32 v59, v58;
	v15 =	vadd.f32 v61, v60  }
0x118: {  	[tilespmem:s26+$0x20] =	vst v5;
	v7 =	vld [tilespmem:s29+$0x4260]  }
0x119: {  	[tilespmem:s26+$0x30] =	vst v10;
	v5 =	vadd.f32 v8, v11;
	v8 =	vld [tilespmem:s29+$0x4360];
	v12 =	vadd.f32 v12, v15  }
0x11a: {  	s28 =	simm.s32 $0x0;
	[tilespmem:s26+$0x40] =	vst v13;
	v10 =	vadd.f32 v63, v14;
	v11 =	vld [tilespmem:s29+$0x43E0];
	s29 =	simm.s32 $0x2400  }
.LBB2_5:
0x11b: {  	v13 =	vld [tilespmem:s29+$0x70];
	v5 =	vadd.f32 v12, v5;
	v4 =	vadd.f32 v6, v4  }
0x11c: {  	v6 =	vld [tilespmem:s29+$0xF0]  }
0x11d: {  	v12 =	vld [tilespmem:s29+$0x170];
	[tilespmem:s26+$0x50] =	vst v5;
	v5 =	vadd.f32 v9, v7;
	v7 =	vadd.f32 v4, v10  }
0x11e: {  	v9 =	vld [tilespmem:s29+$0x1F0]  }
0x11f: {  	v10 =	vld [tilespmem:s29+$0x270];
	v4 =	vadd.f32 v11, v8  }
0x120: {  	v8 =	vld [tilespmem:s29+$0x2F0]  }
0x121: {  	v11 =	vld [tilespmem:s29+$0x370];
	v5 =	vadd.f32 v4, v5  }
0x122: {  	v14 =	vld [tilespmem:s29+$0x3F0]  }
0x123: {  	v4 =	vld [tilespmem:s29+$0x80];
	v5 =	vadd.f32 v5, v7  }
0x124: {  	v7 =	vld [tilespmem:s29+$0x100]  }
0x125: {  	v15 =	vld [tilespmem:s29+$0x180];
	[tilespmem:s26+$0x60] =	vst v5  }
0x126: {  	v5 =	vadd.f32 v6, v13;
	v6 =	vadd.f32 v9, v12;
	v16 =	vld [tilespmem:s29+$0x200]  }
0x127: {  	v8 =	vadd.f32 v8, v10;
	v9 =	vld [tilespmem:s29+$0x280];
	v10 =	vadd.f32 v14, v11  }
0x128: {  	v11 =	vld [tilespmem:s29+$0x300]  }
0x129: {  	s28 =	sadd.s32 $0x8, s28;
	v6 =	vadd.f32 v6, v5;
	v12 =	vld [tilespmem:s29+$0x380];
	v8 =	vadd.f32 v10, v8  }
0x12a: {  	p1 =	slt.u32 s28, $0x78;
	v5 =	vadd.f32 v15, v7;
	v7 =	vld [tilespmem:s29+$0x10]  }
0x12b: {  	v10 =	vld [tilespmem:s29+$0x90];
	v6 =	vadd.f32 v8, v6  }
0x12c: {  	s26 =	sadd.s32 $0x100, s26;
	v8 =	vadd.f32 v9, v16;
	v9 =	vld [tilespmem:s29+$0x110]  }
0x12d: {  	v13 =	vld [tilespmem:s29+$0x190];
	[tilespmem:s26+$0xFFFFFFF0] =	vst v6  }
0x12e: {  	v6 =	vadd.f32 v12, v11;
	v11 =	vld [tilespmem:s29+$0x4070]  }
0x12f: {  	v12 =	vld [tilespmem:s29+$0x40F0]  }
0x130: {  	v6 =	vadd.f32 v6, v8;
	v7 =	vadd.f32 v10, v7;
	v8 =	vld [tilespmem:s29+$0x4170]  }
0x131: {  	v10 =	vld [tilespmem:s29+$0x41F0]  }
0x132: {  	v9 =	vadd.f32 v13, v9;
	v13 =	vld [tilespmem:s29+$0x4270]  }
0x133: {  	v14 =	vld [tilespmem:s29+$0x42F0]  }
0x134: {  	v7 =	vadd.f32 v9, v7;
	v9 =	vld [tilespmem:s29+$0x4370]  }
0x135: {  	v15 =	vld [tilespmem:s29+$0x43F0]  }
0x136: {  	v16 =	vld [tilespmem:s29+$0x210]  }
0x137: {  	v17 =	vld [tilespmem:s29+$0x290]  }
0x138: {  	v18 =	vld [tilespmem:s29+$0x310]  }
0x139: {  	v11 =	vadd.f32 v12, v11;
	v8 =	vadd.f32 v10, v8;
	v19 =	vld [tilespmem:s29+$0x390]  }
0x13a: {  	v12 =	vadd.f32 v14, v13;
	v10 =	vld [tilespmem:s29+$0x20];
	v9 =	vadd.f32 v15, v9  }
0x13b: {  	v13 =	vld [tilespmem:s29+$0xA0]  }
0x13c: {  	v8 =	vadd.f32 v8, v11;
	v14 =	vld [tilespmem:s29+$0x120];
	v9 =	vadd.f32 v9, v12  }
0x13d: {  	v11 =	vadd.f32 v17, v16;
	v12 =	vld [tilespmem:s29+$0x1A0]  }
0x13e: {  	v15 =	vadd.f32 v19, v18;
	v16 =	vld [tilespmem:s29+$0x220];
	v8 =	vadd.f32 v9, v8  }
0x13f: {  	v9 =	vld [tilespmem:s29+$0x2A0]  }
0x140: {  	v11 =	vadd.f32 v15, v11;
	v15 =	vld [tilespmem:s29+$0x320];
	v10 =	vadd.f32 v13, v10;
	[tilespmem:s26+$0x70] =	vst v8  }
0x141: {  	v8 =	vld [tilespmem:s29+$0x3A0]  }
0x142: {  	v7 =	vadd.f32 v11, v7;
	v11 =	vadd.f32 v12, v14;
	v12 =	vld [tilespmem:s29+$0x30]  }
0x143: {  	v13 =	vld [tilespmem:s29+$0xB0]  }
0x144: {  	[tilespmem:s26+$0xFFFFFF90] =	vst v7;
	v7 =	vadd.f32 v9, v16;
	v9 =	vadd.f32 v11, v10;
	v10 =	vld [tilespmem:s29+$0x130]  }
0x145: {  	v11 =	vld [tilespmem:s29+$0x1B0]  }
0x146: {  	v8 =	vadd.f32 v8, v15;
	v14 =	vld [tilespmem:s29+$0x230]  }
0x147: {  	v15 =	vld [tilespmem:s29+$0x2B0]  }
0x148: {  	v7 =	vadd.f32 v8, v7;
	v8 =	vld [tilespmem:s29+$0x330];
	v12 =	vadd.f32 v13, v12  }
0x149: {  	v13 =	vld [tilespmem:s29+$0x3B0]  }
0x14a: {  	v7 =	vadd.f32 v7, v9;
	v9 =	vadd.f32 v11, v10;
	v10 =	vld [tilespmem:s29+$0x40]  }
0x14b: {  	v11 =	vld [tilespmem:s29+$0xC0]  }
0x14c: {  	[tilespmem:s26+$0xFFFFFFA0] =	vst v7;
	v7 =	vadd.f32 v15, v14;
	v9 =	vadd.f32 v9, v12;
	v12 =	vld [tilespmem:s29+$0x140]  }
0x14d: {  	v14 =	vld [tilespmem:s29+$0x1C0]  }
0x14e: {  	v8 =	vadd.f32 v13, v8;
	v13 =	vld [tilespmem:s29+$0x240]  }
0x14f: {  	v15 =	vld [tilespmem:s29+$0x2C0]  }
0x150: {  	v7 =	vadd.f32 v8, v7;
	v8 =	vld [tilespmem:s29+$0x340];
	v10 =	vadd.f32 v11, v10  }
0x151: {  	v11 =	vld [tilespmem:s29+$0x3C0]  }
0x152: {  	v7 =	vadd.f32 v7, v9;
	v9 =	vadd.f32 v14, v12;
	v12 =	vld [tilespmem:s29+$0x50]  }
0x153: {  	v14 =	vld [tilespmem:s29+$0xD0]  }
0x154: {  	[tilespmem:s26+$0xFFFFFFB0] =	vst v7;
	v7 =	vadd.f32 v15, v13;
	v9 =	vadd.f32 v9, v10;
	v10 =	vld [tilespmem:s29+$0x150]  }
0x155: {  	v13 =	vld [tilespmem:s29+$0x1D0]  }
0x156: {  	v8 =	vadd.f32 v11, v8;
	v11 =	vld [tilespmem:s29+$0x250]  }
0x157: {  	v15 =	vld [tilespmem:s29+$0x2D0]  }
0x158: {  	v7 =	vadd.f32 v8, v7;
	v8 =	vld [tilespmem:s29+$0x350];
	v12 =	vadd.f32 v14, v12  }
0x159: {  	v14 =	vld [tilespmem:s29+$0x3D0]  }
0x15a: {  	v7 =	vadd.f32 v7, v9;
	v9 =	vadd.f32 v13, v10;
	v10 =	vld [tilespmem:s29+$0x60]  }
0x15b: {  	v13 =	vld [tilespmem:s29+$0xE0]  }
0x15c: {  	[tilespmem:s26+$0xFFFFFFC0] =	vst v7;
	v7 =	vadd.f32 v15, v11;
	v9 =	vadd.f32 v9, v12;
	v11 =	vld [tilespmem:s29+$0x160]  }
0x15d: {  	v12 =	vld [tilespmem:s29+$0x1E0]  }
0x15e: {  	v8 =	vadd.f32 v14, v8;
	v14 =	vld [tilespmem:s29+$0x260]  }
0x15f: {  	v15 =	vld [tilespmem:s29+$0x2E0]  }
0x160: {  	v7 =	vadd.f32 v8, v7;
	v8 =	vld [tilespmem:s29+$0x360];
	v10 =	vadd.f32 v13, v10  }
0x161: {  	v13 =	vld [tilespmem:s29+$0x3E0]  }
0x162: {  	v16 =	vld [tilespmem:s29+$0x0];
	v7 =	vadd.f32 v7, v9;
	v9 =	vadd.f32 v12, v11  }
0x163: {  	v11 =	vld [tilespmem:s29+$0x4010]  }
0x164: {  	v12 =	vld [tilespmem:s29+$0x4090];
	[tilespmem:s26+$0xFFFFFFD0] =	vst v7;
	v7 =	vadd.f32 v15, v14;
	v9 =	vadd.f32 v9, v10  }
0x165: {  	v10 =	vld [tilespmem:s29+$0x4110]  }
0x166: {  	v14 =	vld [tilespmem:s29+$0x4190];
	v8 =	vadd.f32 v13, v8  }
0x167: {  	v4 =	vadd.f32 v4, v16;
	v13 =	vld [tilespmem:s29+$0x4210]  }
0x168: {  	v15 =	vld [tilespmem:s29+$0x4290];
	v7 =	vadd.f32 v8, v7  }
0x169: {  	v4 =	vadd.f32 v5, v4;
	v5 =	vld [tilespmem:s29+$0x4310];
	v8 =	vadd.f32 v12, v11  }
0x16a: {  	v11 =	vld [tilespmem:s29+$0x4390];
	v7 =	vadd.f32 v7, v9  }
0x16b: {  	v4 =	vadd.f32 v6, v4;
	v6 =	vadd.f32 v14, v10;
	v9 =	vld [tilespmem:s29+$0x4020]  }
0x16c: {  	v10 =	vld [tilespmem:s29+$0x40A0];
	[tilespmem:s26+$0xFFFFFFE0] =	vst v7  }
0x16d: {  	[tilespmem:s26+$0xFFFFFF80] =	vst v4;
	v4 =	vadd.f32 v15, v13;
	v6 =	vadd.f32 v6, v8;
	v7 =	vld [tilespmem:s29+$0x4120]  }
0x16e: {  	v8 =	vld [tilespmem:s29+$0x4000]  }
0x16f: {  	v12 =	vld [tilespmem:s29+$0x4080];
	v5 =	vadd.f32 v11, v5  }
0x170: {  	v11 =	vld [tilespmem:s29+$0x4100]  }
0x171: {  	v13 =	vld [tilespmem:s29+$0x4180];
	v4 =	vadd.f32 v5, v4;
	v5 =	vadd.f32 v10, v9  }
0x172: {  	v9 =	vld [tilespmem:s29+$0x4200]  }
0x173: {  	v10 =	vld [tilespmem:s29+$0x4280];
	v4 =	vadd.f32 v4, v6  }
0x174: {  	v6 =	vld [tilespmem:s29+$0x4300];
	v8 =	vadd.f32 v12, v8  }
0x175: {  	v12 =	vld [tilespmem:s29+$0x4380];
	[tilespmem:s26+$0x10] =	vst v4  }
0x176: {  	v4 =	vadd.f32 v13, v11;
	v11 =	vld [tilespmem:s29+$0x41A0]  }
0x177: {  	v13 =	vld [tilespmem:s29+$0x4220]  }
0x178: {  	v9 =	vadd.f32 v10, v9;
	v4 =	vadd.f32 v4, v8;
	v8 =	vld [tilespmem:s29+$0x42A0]  }
0x179: {  	v10 =	vld [tilespmem:s29+$0x4320]  }
0x17a: {  	v6 =	vadd.f32 v12, v6;
	v12 =	vld [tilespmem:s29+$0x43A0]  }
0x17b: {  	v7 =	vadd.f32 v11, v7;
	v11 =	vld [tilespmem:s29+$0x4030]  }
0x17c: {  	v6 =	vadd.f32 v6, v9;
	v9 =	vld [tilespmem:s29+$0x40B0]  }
0x17d: {  	v8 =	vadd.f32 v8, v13;
	v5 =	vadd.f32 v7, v5;
	v7 =	vld [tilespmem:s29+$0x4130]  }
0x17e: {  	v4 =	vadd.f32 v6, v4;
	v6 =	vld [tilespmem:s29+$0x41B0]  }
0x17f: {  	v10 =	vadd.f32 v12, v10;
	v12 =	vld [tilespmem:s29+$0x4230]  }
0x180: {  	[tilespmem:s26+$0x0] =	vst v4;
	v4 =	vld [tilespmem:s29+$0x42B0]  }
0x181: {  	v8 =	vadd.f32 v10, v8;
	v10 =	vld [tilespmem:s29+$0x4330];
	v9 =	vadd.f32 v9, v11  }
0x182: {  	v11 =	vld [tilespmem:s29+$0x43B0]  }
0x183: {  	v5 =	vadd.f32 v8, v5;
	v6 =	vadd.f32 v6, v7;
	v7 =	vld [tilespmem:s29+$0x4040]  }
0x184: {  	v8 =	vld [tilespmem:s29+$0x40C0]  }
0x185: {  	[tilespmem:s26+$0x20] =	vst v5;
	v4 =	vadd.f32 v4, v12;
	v5 =	vadd.f32 v6, v9;
	v6 =	vld [tilespmem:s29+$0x4140]  }
0x186: {  	v9 =	vld [tilespmem:s29+$0x41C0]  }
0x187: {  	v10 =	vadd.f32 v11, v10;
	v11 =	vld [tilespmem:s29+$0x4240]  }
0x188: {  	v12 =	vld [tilespmem:s29+$0x42C0]  }
0x189: {  	v4 =	vadd.f32 v10, v4;
	v10 =	vld [tilespmem:s29+$0x4340];
	v7 =	vadd.f32 v8, v7  }
0x18a: {  	v8 =	vld [tilespmem:s29+$0x43C0]  }
0x18b: {  	v4 =	vadd.f32 v4, v5;
	v5 =	vadd.f32 v9, v6;
	v6 =	vld [tilespmem:s29+$0x4050]  }
0x18c: {  	v9 =	vld [tilespmem:s29+$0x40D0]  }
0x18d: {  	[tilespmem:s26+$0x30] =	vst v4;
	v4 =	vadd.f32 v12, v11;
	v5 =	vadd.f32 v5, v7;
	v7 =	vld [tilespmem:s29+$0x4150]  }
0x18e: {  	v11 =	vld [tilespmem:s29+$0x41D0]  }
0x18f: {  	v8 =	vadd.f32 v8, v10;
	v10 =	vld [tilespmem:s29+$0x4250]  }
0x190: {  	v12 =	vld [tilespmem:s29+$0x42D0]  }
0x191: {  	v4 =	vadd.f32 v8, v4;
	v8 =	vld [tilespmem:s29+$0x4350];
	v6 =	vadd.f32 v9, v6  }
0x192: {  	v9 =	vld [tilespmem:s29+$0x43D0]  }
0x193: {  	v4 =	vadd.f32 v4, v5;
	v5 =	vadd.f32 v11, v7;
	v11 =	vld [tilespmem:s29+$0x4060]  }
0x194: {  	v13 =	vld [tilespmem:s29+$0x40E0]  }
0x195: {  	[tilespmem:s26+$0x40] =	vst v4;
	v10 =	vadd.f32 v12, v10;
	v5 =	vadd.f32 v5, v6;
	v4 =	vld [tilespmem:s29+$0x4160]  }
.Ltmp1:
0x196: {  	v6 =	vld [tilespmem:s29+$0x41E0];
	(pc) =	sbr.rel @p1 .LBB2_5-.Ltmp1, $4  }
0x197: {  	v8 =	vadd.f32 v9, v8;
	v7 =	vld [tilespmem:s29+$0x4260]  }
0x198: {  	v9 =	vld [tilespmem:s29+$0x42E0]  }
0x199: {  	v12 =	vadd.f32 v8, v10;
	v8 =	vld [tilespmem:s29+$0x4360];
	v10 =	vadd.f32 v13, v11  }
0x19a: {  	v11 =	vld [tilespmem:s29+$0x43E0];
	s29 =	sadd.s32 $0x400, s29  }
0x19b: {  	_ =	sdelay $0x2  }
0x19c: {  	v4 =	vadd.f32 v6, v4  }
0x19d: {  	s28 =	smul.u32 $0x3000, s22;
	v6 =	vadd.f32 v9, v7;
	v7 =	vadd.f32 v11, v8  }
0x19e: {  	s29 =	smul.u32 $0x300, s22  }
0x19f: {  	v4 =	vadd.f32 v4, v10;
	s28 =	sadd.s32 s14, s28;
	v6 =	vadd.f32 v7, v6  }
0x1a0: {  	v5 =	vadd.f32 v12, v5;
	s29 =	sand.u32 $0x300, s29;
	s28 =	sand.u32 $0xFFC000, s28  }
0x1a1: {  	s28 =	sor.u32 s29, s28;
	v4 =	vadd.f32 v6, v4  }
0x1a2: {  	[tilespmem:s26+$0x50] =	vst v5;
	s28 =	sshrl.u32 s28, $0x3  }
0x1a3: {  	[tilespmem:s26+$0x60] =	vst v4;
	s26 =	sadd.s32 s3, s28;
	s28 =	smul.u32 $0x600, s22  }
0x1a4: {  	[hbm4b:s26+s15] =	stream.strided.scatter [tilespmem:s18], [sflag:$0x4], $0x1000, s16, s15, $0x38;
	[tilespmem:$0x1D000] =	vst v63  }
0x1a5: {  	s26 =	sshra.s32 s28, $0x2  }
0x1a6: {  	v4 =	vld [tilespmem:s26+$0x180];
	_ =	sdelay $0x4  }
0x1a7: {  	v5 =	vshll.u32 v4, $0x4  }
0x1a8: {  	v4 =	vand.u32 $0x7, v4;
	v5 =	vand.u32 $0xFFFFFF80, v5  }
0x1a9: {  	v4 =	vor.u32 v4, v5  }
0x1aa: {  	v5 =	vperm.xlane v4, v0;
	_ =	sdelay $0x1  }
0x1ab: {  	v5 =	vadd.s32 v2, v5;
	_ =	sdelay $0x3  }
0x1ac: {  	s28 =	simm.s32 $0x2000  }
0x1ad: {  	[tilespmem:s28], [sflag:$0x1] =	stream.indirect_vreg.gather [hbm4b:s2+s4], $0x80, v5, vm0, $0xb8;
	[tilespmem:$0x1D000] =	vst v63  }
0x1ae: {  	s28 =	simm.s32 $0x2800  }
0x1af: {  	[tilespmem:s28], [sflag:$0x1] =	stream.indirect_vreg.gather [hbm4b:s6+s4], $0x80, v5, vm0, $0xb8;
	[tilespmem:$0x1D000] =	vst v63  }
0x1b0: {  	s28 =	simm.s32 $0x3000  }
0x1b1: {  	[tilespmem:s28], [sflag:$0x1] =	stream.indirect_vreg.gather [hbm4b:s7+s4], $0x80, v5, vm0, $0xb8;
	[tilespmem:$0x1D000] =	vst v63  }
0x1b2: {  	s28 =	simm.s32 $0x3800  }
0x1b3: {  	[tilespmem:s28], [sflag:$0x1] =	stream.indirect_vreg.gather [hbm4b:s8+s4], $0x80, v5, vm0, $0xb8;
	[tilespmem:$0x1D000] =	vst v63  }
0x1b4: {  	s28 =	simm.s32 $0x4000  }
0x1b5: {  	[tilespmem:s28], [sflag:$0x1] =	stream.indirect_vreg.gather [hbm4b:s9+s4], $0x80, v5, vm0, $0xb8;
	[tilespmem:$0x1D000] =	vst v63  }
0x1b6: {  	v4 =	vperm.xlane v4, v3;
	s28 =	simm.s32 $0x4800  }
0x1b7: {  	[tilespmem:s28], [sflag:$0x1] =	stream.indirect_vreg.gather [hbm4b:s10+s4], $0x80, v5, vm0, $0xb8;
	[tilespmem:$0x1D000] =	vst v63  }
0x1b8: {  	v4 =	vadd.s32 v2, v4;
	s28 =	simm.s32 $0x5000  }
0x1b9: {  	[tilespmem:s28], [sflag:$0x1] =	stream.indirect_vreg.gather [hbm4b:s11+s4], $0x80, v5, vm0, $0xb8;
	[tilespmem:$0x1D000] =	vst v63  }
0x1ba: {  	s28 =	simm.s32 $0x5800  }
0x1bb: {  	[tilespmem:s28], [sflag:$0x1] =	stream.indirect_vreg.gather [hbm4b:s13+s4], $0x80, v5, vm0, $0xb8;
	[tilespmem:$0x1D000] =	vst v63  }
0x1bc: {  	s28 =	simm.s32 $0x6000  }
0x1bd: {  	[tilespmem:s28], [sflag:$0x1] =	stream.indirect_vreg.gather [hbm4b:s2+s4], $0x80, v4, vm0, $0xb8;
	[tilespmem:$0x1D000] =	vst v63  }
0x1be: {  	s28 =	simm.s32 $0x6800  }
0x1bf: {  	[tilespmem:s28], [sflag:$0x1] =	stream.indirect_vreg.gather [hbm4b:s6+s4], $0x80, v4, vm0, $0xb8;
	[tilespmem:$0x1D000] =	vst v63  }
0x1c0: {  	s28 =	simm.s32 $0x7000  }
0x1c1: {  	[tilespmem:s28], [sflag:$0x1] =	stream.indirect_vreg.gather [hbm4b:s7+s4], $0x80, v4, vm0, $0xb8;
	[tilespmem:$0x1D000] =	vst v63  }
0x1c2: {  	s28 =	simm.s32 $0x7800  }
0x1c3: {  	[tilespmem:s28], [sflag:$0x1] =	stream.indirect_vreg.gather [hbm4b:s8+s4], $0x80, v4, vm0, $0xb8;
	[tilespmem:$0x1D000] =	vst v63  }
0x1c4: {  	_ = 	snop  }
0x1c5: {  	[tilespmem:s31], [sflag:$0x1] =	stream.indirect_vreg.gather [hbm4b:s9+s4], $0x80, v4, vm0, $0xb8;
	[tilespmem:$0x1D000] =	vst v63  }
0x1c6: {  	_ = 	snop  }
0x1c7: {  	[tilespmem:s1], [sflag:$0x1] =	stream.indirect_vreg.gather [hbm4b:s10+s4], $0x80, v4, vm0, $0xb8;
	[tilespmem:$0x1D000] =	vst v63  }
0x1c8: {  	_ = 	snop  }
0x1c9: {  	[tilespmem:s0], [sflag:$0x1] =	stream.indirect_vreg.gather [hbm4b:s11+s4], $0x80, v4, vm0, $0xb8;
	[tilespmem:$0x1D000] =	vst v63  }
0x1ca: {  	_ = 	snop  }
0x1cb: {  	[tilespmem:s5], [sflag:$0x1] =	stream.indirect_vreg.gather [hbm4b:s13+s4], $0x80, v4, vm0, $0xb8;
	[tilespmem:$0x1D000] =	vst v63  }
0x1cc: {  	_ =	swait.ge [sflag:s19], $0x8000  }
0x1cd: {  	[sflag:s19] =	ssyncset.done $0x0  }
0x1ce: {  	s28 =	simm.s32 @!p0 $0x5;
	[sflag:s19] =	ssyncadd.s32 $0xFFFF8000  }
0x1cf: {  	_ =	swait.ge @!p0 [sflag:s28], $0x1000  }
0x1d0: {  	[sflag:s28] =	ssyncset.done @!p0 $0x0  }
0x1d1: {  	s30 =	simm.s32 $0xA000;
	[sflag:s28] =	ssyncadd.s32 @!p0 $0xFFFFF000  }
0x1d2: {  	v4 =	vld [tilespmem:s30+$0x70]  }
0x1d3: {  	v5 =	vld [tilespmem:s30+$0xF0]  }
0x1d4: {  	v6 =	vld [tilespmem:s30+$0x170]  }
0x1d5: {  	v7 =	vld [tilespmem:s30+$0x1F0]  }
0x1d6: {  	v8 =	vld [tilespmem:s30+$0x270]  }
0x1d7: {  	v9 =	vld [tilespmem:s30+$0x2F0]  }
0x1d8: {  	v10 =	vld [tilespmem:s30+$0x370]  }
0x1d9: {  	v11 =	vld [tilespmem:s30+$0x3F0]  }
0x1da: {  	v12 =	vld [tilespmem:s30+$0x80]  }
0x1db: {  	v13 =	vld [tilespmem:s30+$0x100]  }
0x1dc: {  	v14 =	vld [tilespmem:s30+$0x180]  }
0x1dd: {  	v15 =	vld [tilespmem:s30+$0x200]  }
0x1de: {  	v23 =	vld [tilespmem:s30+$0x210]  }
0x1df: {  	v24 =	vld [tilespmem:s30+$0x290]  }
0x1e0: {  	v25 =	vld [tilespmem:s30+$0x310]  }
0x1e1: {  	v26 =	vld [tilespmem:s30+$0x390]  }
0x1e2: {  	v27 =	vld [tilespmem:s30+$0x20]  }
0x1e3: {  	v28 =	vld [tilespmem:s30+$0xA0]  }
0x1e4: {  	v29 =	vld [tilespmem:s30+$0x120]  }
0x1e5: {  	v30 =	vld [tilespmem:s30+$0x1A0]  }
0x1e6: {  	v31 =	vld [tilespmem:s30+$0x220]  }
0x1e7: {  	v32 =	vld [tilespmem:s30+$0x2A0]  }
0x1e8: {  	v33 =	vld [tilespmem:s30+$0x320]  }
0x1e9: {  	v34 =	vld [tilespmem:s30+$0x3A0]  }
0x1ea: {  	v35 =	vld [tilespmem:s30+$0x30]  }
0x1eb: {  	v36 =	vld [tilespmem:s30+$0xB0]  }
0x1ec: {  	v37 =	vld [tilespmem:s30+$0x130]  }
0x1ed: {  	v38 =	vld [tilespmem:s30+$0x1B0]  }
0x1ee: {  	v39 =	vld [tilespmem:s30+$0x230]  }
0x1ef: {  	v40 =	vld [tilespmem:s30+$0x2B0]  }
0x1f0: {  	v41 =	vld [tilespmem:s30+$0x330]  }
0x1f1: {  	v42 =	vld [tilespmem:s30+$0x3B0]  }
0x1f2: {  	v43 =	vld [tilespmem:s30+$0x40]  }
0x1f3: {  	v44 =	vld [tilespmem:s30+$0xC0]  }
0x1f4: {  	v45 =	vld [tilespmem:s30+$0x140]  }
0x1f5: {  	v46 =	vld [tilespmem:s30+$0x1C0]  }
0x1f6: {  	v47 =	vld [tilespmem:s30+$0x240]  }
0x1f7: {  	v48 =	vld [tilespmem:s30+$0x2C0]  }
0x1f8: {  	v49 =	vld [tilespmem:s30+$0x340]  }
0x1f9: {  	v50 =	vld [tilespmem:s30+$0x3C0]  }
0x1fa: {  	v51 =	vld [tilespmem:s30+$0x50]  }
0x1fb: {  	v52 =	vld [tilespmem:s30+$0xD0]  }
0x1fc: {  	v53 =	vld [tilespmem:s30+$0x150]  }
0x1fd: {  	v54 =	vld [tilespmem:s30+$0x1D0]  }
0x1fe: {  	v55 =	vld [tilespmem:s30+$0x250]  }
0x1ff: {  	v56 =	vld [tilespmem:s30+$0x2D0]  }
0x200: {  	v57 =	vld [tilespmem:s30+$0x350]  }
0x201: {  	v58 =	vld [tilespmem:s30+$0x3D0]  }
0x202: {  	v59 =	vld [tilespmem:s30+$0x60]  }
0x203: {  	v4 =	vadd.f32 v5, v4;
	v5 =	vadd.f32 v7, v6;
	v6 =	vld [tilespmem:s30+$0x280]  }
0x204: {  	v7 =	vadd.f32 v9, v8;
	v9 =	vld [tilespmem:s30+$0x300]  }
0x205: {  	v8 =	vadd.f32 v11, v10;
	v10 =	vld [tilespmem:s30+$0x380]  }
0x206: {  	v11 =	vld [tilespmem:s30+$0x190];
	v60 =	vadd.f32 v26, v25  }
0x207: {  	v25 =	vld [tilespmem:s30+$0x1E0];
	v4 =	vadd.f32 v5, v4;
	v5 =	vadd.f32 v8, v7  }
0x208: {  	v26 =	vld [tilespmem:s30+$0x3E0]  }
0x209: {  	v7 =	vld [tilespmem:s30+$0x10];
	v4 =	vadd.f32 v5, v4  }
0x20a: {  	s28 =	simm.s32 $0x1B080;
	v8 =	vld [tilespmem:s30+$0x90]  }
0x20b: {  	v5 =	vld [tilespmem:s30+$0x110];
	[tilespmem:s28+$0xFFFFFFF0] =	vst v4  }
0x20c: {  	v4 =	vld [tilespmem:s30+$0x4070]  }
0x20d: {  	v16 =	vld [tilespmem:s30+$0x40F0]  }
0x20e: {  	v17 =	vld [tilespmem:s30+$0x4170]  }
0x20f: {  	v18 =	vld [tilespmem:s30+$0x41F0]  }
0x210: {  	v19 =	vld [tilespmem:s30+$0x4270]  }
0x211: {  	v27 =	vadd.f32 v28, v27;
	v20 =	vld [tilespmem:s30+$0x42F0]  }
0x212: {  	v61 =	vadd.f32 v30, v29;
	v21 =	vld [tilespmem:s30+$0x4370];
	v7 =	vadd.f32 v8, v7  }
0x213: {  	v22 =	vld [tilespmem:s30+$0x43F0];
	v5 =	vadd.f32 v11, v5;
	v11 =	vadd.f32 v24, v23  }
0x214: {  	v62 =	vadd.f32 v32, v31;
	v63 =	vadd.f32 v34, v33;
	v8 =	vld [tilespmem:s30+$0xE0]  }
0x215: {  	v24 =	vld [tilespmem:s30+$0x160];
	v5 =	vadd.f32 v5, v7;
	v7 =	vadd.f32 v60, v11  }
0x216: {  	v35 =	vadd.f32 v36, v35;
	v6 =	vadd.f32 v6, v15;
	v23 =	vld [tilespmem:s30+$0x2E0]  }
0x217: {  	v15 =	vadd.f32 v61, v27;
	v11 =	vld [tilespmem:s30+$0x260];
	v5 =	vadd.f32 v7, v5  }
0x218: {  	v61 =	vadd.f32 v38, v37;
	v60 =	vadd.f32 v63, v62;
	v7 =	vld [tilespmem:s30+$0x360]  }
0x219: {  	v62 =	vadd.f32 v40, v39;
	v63 =	vadd.f32 v42, v41;
	[tilespmem:s28+$0xFFFFFF90] =	vst v5;
	v5 =	vld [tilespmem:s30+$0x0]  }
0x21a: {  	v29 =	vld [tilespmem:s30+$0x4010]  }
0x21b: {  	v35 =	vadd.f32 v61, v35;
	v42 =	vadd.f32 v63, v62;
	v32 =	vld [tilespmem:s30+$0x4090]  }
0x21c: {  	v13 =	vadd.f32 v14, v13;
	v14 =	vld [tilespmem:s30+$0x4110]  }
0x21d: {  	v9 =	vadd.f32 v10, v9;
	v62 =	vadd.f32 v42, v35;
	v28 =	vld [tilespmem:s30+$0x4190]  }
0x21e: {  	v10 =	vld [tilespmem:s30+$0x4210]  }
0x21f: {  	v6 =	vadd.f32 v9, v6;
	v9 =	vld [tilespmem:s30+$0x4310];
	[tilespmem:s28+$0xFFFFFFB0] =	vst v62  }
0x220: {  	v4 =	vadd.f32 v16, v4;
	v16 =	vld [tilespmem:s30+$0x4030]  }
0x221: {  	v46 =	vadd.f32 v46, v45;
	v48 =	vadd.f32 v48, v47;
	v35 =	vld [tilespmem:s30+$0x40B0]  }
0x222: {  	v49 =	vadd.f32 v50, v49;
	v63 =	vadd.f32 v44, v43;
	v44 =	vld [tilespmem:s30+$0x4130]  }
0x223: {  	v52 =	vadd.f32 v52, v51;
	v61 =	vadd.f32 v20, v19;
	v47 =	vld [tilespmem:s30+$0x41B0]  }
0x224: {  	v19 =	vadd.f32 v49, v48;
	v50 =	vadd.f32 v46, v63;
	v63 =	vld [tilespmem:s30+$0x42B0]  }
0x225: {  	v54 =	vadd.f32 v54, v53;
	v21 =	vadd.f32 v22, v21;
	v45 =	vld [tilespmem:s30+$0x4330]  }
0x226: {  	v8 =	vadd.f32 v8, v59;
	v19 =	vadd.f32 v19, v50;
	v49 =	vld [tilespmem:s30+$0x43B0]  }
0x227: {  	v5 =	vadd.f32 v12, v5;
	v12 =	vadd.f32 v60, v15;
	v15 =	vld [tilespmem:s30+$0x4290]  }
0x228: {  	[tilespmem:s28+$0xFFFFFFC0] =	vst v19;
	v60 =	vadd.f32 v18, v17;
	v18 =	vadd.f32 v21, v61;
	v21 =	vld [tilespmem:s30+$0x4230]  }
0x229: {  	v11 =	vadd.f32 v23, v11;
	v7 =	vadd.f32 v26, v7;
	v50 =	vld [tilespmem:s30+$0x4040]  }
0x22a: {  	v48 =	vadd.f32 v25, v24;
	v61 =	vadd.f32 v54, v52;
	v52 =	vld [tilespmem:s30+$0x40C0]  }
0x22b: {  	v7 =	vadd.f32 v7, v11;
	v11 =	vld [tilespmem:s30+$0x41C0]  }
0x22c: {  	v8 =	vadd.f32 v48, v8;
	v54 =	vld [tilespmem:s30+$0x43C0]  }
0x22d: {  	[tilespmem:s28+$0xFFFFFFA0] =	vst v12;
	v12 =	vld [tilespmem:s30+$0x4390]  }
0x22e: {  	v7 =	vadd.f32 v7, v8;
	v8 =	vld [tilespmem:s30+$0x42C0]  }
0x22f: {  	v5 =	vadd.f32 v13, v5;
	v13 =	vld [tilespmem:s30+$0x40A0]  }
0x230: {  	v38 =	vld [tilespmem:s30+$0x41A0]  }
0x231: {  	v17 =	vld [tilespmem:s30+$0x4220]  }
0x232: {  	v20 =	vld [tilespmem:s30+$0x42A0]  }
0x233: {  	v39 =	vld [tilespmem:s30+$0x4320]  }
0x234: {  	v43 =	vld [tilespmem:s30+$0x43A0];
	v5 =	vadd.f32 v6, v5  }
0x235: {  	v6 =	vld [tilespmem:s30+$0x4020]  }
0x236: {  	[tilespmem:s28+$0xFFFFFF80] =	vst v5;
	v5 =	vld [tilespmem:s30+$0x4120]  }
0x237: {  	v56 =	vadd.f32 v56, v55;
	v27 =	vld [tilespmem:s30+$0x4000]  }
0x238: {  	v51 =	vadd.f32 v32, v29;
	v14 =	vadd.f32 v28, v14;
	v30 =	vld [tilespmem:s30+$0x4080]  }
0x239: {  	v4 =	vadd.f32 v60, v4;
	v60 =	vadd.f32 v58, v57;
	v31 =	vld [tilespmem:s30+$0x4100]  }
0x23a: {  	v33 =	vld [tilespmem:s30+$0x4180]  }
0x23b: {  	v14 =	vadd.f32 v14, v51;
	v62 =	vadd.f32 v60, v56;
	v34 =	vld [tilespmem:s30+$0x4200]  }
0x23c: {  	v4 =	vadd.f32 v18, v4;
	v18 =	vadd.f32 v49, v45;
	v37 =	vld [tilespmem:s30+$0x4280]  }
0x23d: {  	v10 =	vadd.f32 v15, v10;
	v40 =	vld [tilespmem:s30+$0x4300];
	v9 =	vadd.f32 v12, v9  }
0x23e: {  	[tilespmem:s28+$0xFFFFFFE0] =	vst v7;
	v7 =	vadd.f32 v52, v50;
	v46 =	vadd.f32 v62, v61;
	v41 =	vld [tilespmem:s30+$0x4380]  }
0x23f: {  	v12 =	vld [tilespmem:s30+$0x4140];
	v17 =	vadd.f32 v20, v17;
	v9 =	vadd.f32 v9, v10  }
0x240: {  	[tilespmem:s28+$0xFFFFFFD0] =	vst v46;
	v57 =	vadd.f32 v43, v39;
	v10 =	vld [tilespmem:s30+$0x4240];
	v6 =	vadd.f32 v13, v6  }
0x241: {  	v56 =	vld [tilespmem:s30+$0x4050];
	v9 =	vadd.f32 v9, v14;
	v5 =	vadd.f32 v38, v5  }
0x242: {  	v58 =	vld [tilespmem:s30+$0x40D0];
	v13 =	vadd.f32 v30, v27;
	v15 =	vadd.f32 v33, v31  }
0x243: {  	v59 =	vld [tilespmem:s30+$0x4150];
	v53 =	vadd.f32 v37, v34;
	v55 =	vadd.f32 v41, v40  }
0x244: {  	v14 =	vld [tilespmem:s30+$0x4340];
	v11 =	vadd.f32 v11, v12;
	v5 =	vadd.f32 v5, v6  }
0x245: {  	v60 =	vld [tilespmem:s30+$0x41D0];
	v6 =	vadd.f32 v57, v17;
	v13 =	vadd.f32 v15, v13  }
0x246: {  	v61 =	vld [tilespmem:s30+$0x4250];
	v15 =	vadd.f32 v55, v53;
	v8 =	vadd.f32 v8, v10  }
0x247: {  	v62 =	vld [tilespmem:s30+$0x42D0];
	v20 =	vadd.f32 v6, v5;
	v5 =	vadd.f32 v47, v44  }
0x248: {  	v12 =	vld [tilespmem:s30+$0x43D0];
	v6 =	vadd.f32 v63, v21;
	v13 =	vadd.f32 v15, v13  }
0x249: {  	v63 =	vld [tilespmem:s30+$0x4350];
	v15 =	vadd.f32 v35, v16;
	v10 =	vadd.f32 v54, v14  }
0x24a: {  	[tilespmem:s28+$0x70] =	vst v4;
	v4 =	vld [tilespmem:s30+$0x4160];
	v7 =	vadd.f32 v11, v7;
	v6 =	vadd.f32 v18, v6  }
0x24b: {  	v14 =	vld [tilespmem:s30+$0x4060];
	v5 =	vadd.f32 v5, v15;
	v8 =	vadd.f32 v10, v8  }
0x24c: {  	v11 =	vadd.f32 v58, v56;
	v16 =	vadd.f32 v62, v61;
	v15 =	vld [tilespmem:s30+$0x40E0]  }
0x24d: {  	[tilespmem:s28+$0x0] =	vst v13;
	v10 =	vadd.f32 v6, v5;
	v5 =	vld [tilespmem:s30+$0x41E0];
	v13 =	vadd.f32 v8, v7  }
0x24e: {  	[tilespmem:s28+$0x10] =	vst v9;
	v9 =	vld [tilespmem:s30+$0x42E0];
	v7 =	vadd.f32 v60, v59;
	v12 =	vadd.f32 v12, v63  }
0x24f: {  	[tilespmem:s28+$0x20] =	vst v20;
	v6 =	vld [tilespmem:s30+$0x4260]  }
0x250: {  	v8 =	vld [tilespmem:s30+$0x4360];
	[tilespmem:s28+$0x30] =	vst v10;
	v7 =	vadd.f32 v7, v11;
	v12 =	vadd.f32 v12, v16  }
0x251: {  	s25 =	sadd.s32 $0x1, s25;
	s29 =	simm.s32 $0x0;
	[tilespmem:s28+$0x40] =	vst v13;
	v10 =	vld [tilespmem:s30+$0x43E0];
	s30 =	simm.s32 $0xA400;
	v11 =	vadd.f32 v15, v14  }
.LBB2_7:
0x252: {  	v13 =	vld [tilespmem:s30+$0x70];
	v7 =	vadd.f32 v12, v7;
	v4 =	vadd.f32 v5, v4  }
0x253: {  	v5 =	vld [tilespmem:s30+$0xF0]  }
0x254: {  	v12 =	vld [tilespmem:s30+$0x170];
	[tilespmem:s28+$0x50] =	vst v7;
	v6 =	vadd.f32 v9, v6;
	v7 =	vadd.f32 v4, v11  }
0x255: {  	v9 =	vld [tilespmem:s30+$0x1F0]  }
0x256: {  	v11 =	vld [tilespmem:s30+$0x270];
	v4 =	vadd.f32 v10, v8  }
0x257: {  	v8 =	vld [tilespmem:s30+$0x2F0]  }
0x258: {  	v10 =	vld [tilespmem:s30+$0x370];
	v6 =	vadd.f32 v4, v6  }
0x259: {  	v14 =	vld [tilespmem:s30+$0x3F0]  }
0x25a: {  	v4 =	vld [tilespmem:s30+$0x80];
	v6 =	vadd.f32 v6, v7  }
0x25b: {  	v7 =	vld [tilespmem:s30+$0x100]  }
0x25c: {  	v15 =	vld [tilespmem:s30+$0x180];
	[tilespmem:s28+$0x60] =	vst v6  }
0x25d: {  	v5 =	vadd.f32 v5, v13;
	v9 =	vadd.f32 v9, v12;
	v6 =	vld [tilespmem:s30+$0x200]  }
0x25e: {  	v8 =	vadd.f32 v8, v11;
	v12 =	vld [tilespmem:s30+$0x280];
	v10 =	vadd.f32 v14, v10  }
0x25f: {  	v11 =	vld [tilespmem:s30+$0x300]  }
0x260: {  	s29 =	sadd.s32 $0x8, s29;
	v9 =	vadd.f32 v9, v5;
	v13 =	vld [tilespmem:s30+$0x380];
	v8 =	vadd.f32 v10, v8  }
0x261: {  	p1 =	slt.u32 s29, $0x78;
	v5 =	vadd.f32 v15, v7;
	v7 =	vld [tilespmem:s30+$0x10]  }
0x262: {  	v10 =	vld [tilespmem:s30+$0x90];
	v8 =	vadd.f32 v8, v9  }
0x263: {  	s28 =	sadd.s32 $0x100, s28;
	v6 =	vadd.f32 v12, v6;
	v9 =	vld [tilespmem:s30+$0x110]  }
0x264: {  	v12 =	vld [tilespmem:s30+$0x190];
	[tilespmem:s28+$0xFFFFFFF0] =	vst v8  }
0x265: {  	v8 =	vadd.f32 v13, v11;
	v11 =	vld [tilespmem:s30+$0x4070]  }
0x266: {  	v13 =	vld [tilespmem:s30+$0x40F0]  }
0x267: {  	v6 =	vadd.f32 v8, v6;
	v7 =	vadd.f32 v10, v7;
	v8 =	vld [tilespmem:s30+$0x4170]  }
0x268: {  	v10 =	vld [tilespmem:s30+$0x41F0]  }
0x269: {  	v9 =	vadd.f32 v12, v9;
	v12 =	vld [tilespmem:s30+$0x4270]  }
0x26a: {  	v14 =	vld [tilespmem:s30+$0x42F0]  }
0x26b: {  	v7 =	vadd.f32 v9, v7;
	v9 =	vld [tilespmem:s30+$0x4370]  }
0x26c: {  	v15 =	vld [tilespmem:s30+$0x43F0]  }
0x26d: {  	v16 =	vld [tilespmem:s30+$0x210]  }
0x26e: {  	v17 =	vld [tilespmem:s30+$0x290]  }
0x26f: {  	v18 =	vld [tilespmem:s30+$0x310]  }
0x270: {  	v11 =	vadd.f32 v13, v11;
	v8 =	vadd.f32 v10, v8;
	v19 =	vld [tilespmem:s30+$0x390]  }
0x271: {  	v12 =	vadd.f32 v14, v12;
	v10 =	vld [tilespmem:s30+$0x20];
	v9 =	vadd.f32 v15, v9  }
0x272: {  	v13 =	vld [tilespmem:s30+$0xA0]  }
0x273: {  	v8 =	vadd.f32 v8, v11;
	v14 =	vld [tilespmem:s30+$0x120];
	v9 =	vadd.f32 v9, v12  }
0x274: {  	v11 =	vadd.f32 v17, v16;
	v12 =	vld [tilespmem:s30+$0x1A0]  }
0x275: {  	v15 =	vadd.f32 v19, v18;
	v16 =	vld [tilespmem:s30+$0x220];
	v8 =	vadd.f32 v9, v8  }
0x276: {  	v9 =	vld [tilespmem:s30+$0x2A0]  }
0x277: {  	v11 =	vadd.f32 v15, v11;
	v15 =	vld [tilespmem:s30+$0x320];
	v10 =	vadd.f32 v13, v10;
	[tilespmem:s28+$0x70] =	vst v8  }
0x278: {  	v8 =	vld [tilespmem:s30+$0x3A0]  }
0x279: {  	v7 =	vadd.f32 v11, v7;
	v11 =	vadd.f32 v12, v14;
	v12 =	vld [tilespmem:s30+$0x30]  }
0x27a: {  	v13 =	vld [tilespmem:s30+$0xB0]  }
0x27b: {  	[tilespmem:s28+$0xFFFFFF90] =	vst v7;
	v7 =	vadd.f32 v9, v16;
	v9 =	vadd.f32 v11, v10;
	v10 =	vld [tilespmem:s30+$0x130]  }
0x27c: {  	v11 =	vld [tilespmem:s30+$0x1B0]  }
0x27d: {  	v8 =	vadd.f32 v8, v15;
	v14 =	vld [tilespmem:s30+$0x230]  }
0x27e: {  	v15 =	vld [tilespmem:s30+$0x2B0]  }
0x27f: {  	v7 =	vadd.f32 v8, v7;
	v8 =	vld [tilespmem:s30+$0x330];
	v12 =	vadd.f32 v13, v12  }
0x280: {  	v13 =	vld [tilespmem:s30+$0x3B0]  }
0x281: {  	v7 =	vadd.f32 v7, v9;
	v9 =	vadd.f32 v11, v10;
	v10 =	vld [tilespmem:s30+$0x40]  }
0x282: {  	v11 =	vld [tilespmem:s30+$0xC0]  }
0x283: {  	[tilespmem:s28+$0xFFFFFFA0] =	vst v7;
	v7 =	vadd.f32 v15, v14;
	v9 =	vadd.f32 v9, v12;
	v12 =	vld [tilespmem:s30+$0x140]  }
0x284: {  	v14 =	vld [tilespmem:s30+$0x1C0]  }
0x285: {  	v8 =	vadd.f32 v13, v8;
	v13 =	vld [tilespmem:s30+$0x240]  }
0x286: {  	v15 =	vld [tilespmem:s30+$0x2C0]  }
0x287: {  	v7 =	vadd.f32 v8, v7;
	v8 =	vld [tilespmem:s30+$0x340];
	v10 =	vadd.f32 v11, v10  }
0x288: {  	v11 =	vld [tilespmem:s30+$0x3C0]  }
0x289: {  	v7 =	vadd.f32 v7, v9;
	v9 =	vadd.f32 v14, v12;
	v12 =	vld [tilespmem:s30+$0x50]  }
0x28a: {  	v14 =	vld [tilespmem:s30+$0xD0]  }
0x28b: {  	[tilespmem:s28+$0xFFFFFFB0] =	vst v7;
	v7 =	vadd.f32 v15, v13;
	v9 =	vadd.f32 v9, v10;
	v10 =	vld [tilespmem:s30+$0x150]  }
0x28c: {  	v13 =	vld [tilespmem:s30+$0x1D0]  }
0x28d: {  	v8 =	vadd.f32 v11, v8;
	v11 =	vld [tilespmem:s30+$0x250]  }
0x28e: {  	v15 =	vld [tilespmem:s30+$0x2D0]  }
0x28f: {  	v7 =	vadd.f32 v8, v7;
	v8 =	vld [tilespmem:s30+$0x350];
	v12 =	vadd.f32 v14, v12  }
0x290: {  	v14 =	vld [tilespmem:s30+$0x3D0]  }
0x291: {  	v7 =	vadd.f32 v7, v9;
	v9 =	vadd.f32 v13, v10;
	v10 =	vld [tilespmem:s30+$0x60]  }
0x292: {  	v13 =	vld [tilespmem:s30+$0xE0]  }
0x293: {  	[tilespmem:s28+$0xFFFFFFC0] =	vst v7;
	v7 =	vadd.f32 v15, v11;
	v9 =	vadd.f32 v9, v12;
	v11 =	vld [tilespmem:s30+$0x160]  }
0x294: {  	v12 =	vld [tilespmem:s30+$0x1E0]  }
0x295: {  	v8 =	vadd.f32 v14, v8;
	v14 =	vld [tilespmem:s30+$0x260]  }
0x296: {  	v15 =	vld [tilespmem:s30+$0x2E0]  }
0x297: {  	v7 =	vadd.f32 v8, v7;
	v8 =	vld [tilespmem:s30+$0x360];
	v10 =	vadd.f32 v13, v10  }
0x298: {  	v13 =	vld [tilespmem:s30+$0x3E0]  }
0x299: {  	v16 =	vld [tilespmem:s30+$0x0];
	v7 =	vadd.f32 v7, v9;
	v9 =	vadd.f32 v12, v11  }
0x29a: {  	v11 =	vld [tilespmem:s30+$0x4010]  }
0x29b: {  	v12 =	vld [tilespmem:s30+$0x4090];
	[tilespmem:s28+$0xFFFFFFD0] =	vst v7;
	v7 =	vadd.f32 v15, v14;
	v9 =	vadd.f32 v9, v10  }
0x29c: {  	v10 =	vld [tilespmem:s30+$0x4110]  }
0x29d: {  	v14 =	vld [tilespmem:s30+$0x4190];
	v8 =	vadd.f32 v13, v8  }
0x29e: {  	v4 =	vadd.f32 v4, v16;
	v13 =	vld [tilespmem:s30+$0x4210]  }
0x29f: {  	v15 =	vld [tilespmem:s30+$0x4290];
	v7 =	vadd.f32 v8, v7  }
0x2a0: {  	v4 =	vadd.f32 v5, v4;
	v5 =	vld [tilespmem:s30+$0x4310];
	v8 =	vadd.f32 v12, v11  }
0x2a1: {  	v11 =	vld [tilespmem:s30+$0x4390];
	v7 =	vadd.f32 v7, v9  }
0x2a2: {  	v4 =	vadd.f32 v6, v4;
	v6 =	vadd.f32 v14, v10;
	v9 =	vld [tilespmem:s30+$0x4020]  }
0x2a3: {  	v10 =	vld [tilespmem:s30+$0x40A0];
	[tilespmem:s28+$0xFFFFFFE0] =	vst v7  }
0x2a4: {  	[tilespmem:s28+$0xFFFFFF80] =	vst v4;
	v4 =	vadd.f32 v15, v13;
	v6 =	vadd.f32 v6, v8;
	v7 =	vld [tilespmem:s30+$0x4120]  }
0x2a5: {  	v8 =	vld [tilespmem:s30+$0x4000]  }
0x2a6: {  	v12 =	vld [tilespmem:s30+$0x4080];
	v5 =	vadd.f32 v11, v5  }
0x2a7: {  	v11 =	vld [tilespmem:s30+$0x4100]  }
0x2a8: {  	v13 =	vld [tilespmem:s30+$0x4180];
	v4 =	vadd.f32 v5, v4;
	v5 =	vadd.f32 v10, v9  }
0x2a9: {  	v9 =	vld [tilespmem:s30+$0x4200]  }
0x2aa: {  	v10 =	vld [tilespmem:s30+$0x4280];
	v4 =	vadd.f32 v4, v6  }
0x2ab: {  	v6 =	vld [tilespmem:s30+$0x4300];
	v8 =	vadd.f32 v12, v8  }
0x2ac: {  	v12 =	vld [tilespmem:s30+$0x4380];
	[tilespmem:s28+$0x10] =	vst v4  }
0x2ad: {  	v4 =	vadd.f32 v13, v11;
	v11 =	vld [tilespmem:s30+$0x41A0]  }
0x2ae: {  	v13 =	vld [tilespmem:s30+$0x4220]  }
0x2af: {  	v9 =	vadd.f32 v10, v9;
	v4 =	vadd.f32 v4, v8;
	v8 =	vld [tilespmem:s30+$0x42A0]  }
0x2b0: {  	v10 =	vld [tilespmem:s30+$0x4320]  }
0x2b1: {  	v6 =	vadd.f32 v12, v6;
	v12 =	vld [tilespmem:s30+$0x43A0]  }
0x2b2: {  	v7 =	vadd.f32 v11, v7;
	v11 =	vld [tilespmem:s30+$0x4030]  }
0x2b3: {  	v6 =	vadd.f32 v6, v9;
	v9 =	vld [tilespmem:s30+$0x40B0]  }
0x2b4: {  	v8 =	vadd.f32 v8, v13;
	v5 =	vadd.f32 v7, v5;
	v7 =	vld [tilespmem:s30+$0x4130]  }
0x2b5: {  	v4 =	vadd.f32 v6, v4;
	v6 =	vld [tilespmem:s30+$0x41B0]  }
0x2b6: {  	v10 =	vadd.f32 v12, v10;
	v12 =	vld [tilespmem:s30+$0x4230]  }
0x2b7: {  	[tilespmem:s28+$0x0] =	vst v4;
	v4 =	vld [tilespmem:s30+$0x42B0]  }
0x2b8: {  	v8 =	vadd.f32 v10, v8;
	v10 =	vld [tilespmem:s30+$0x4330];
	v9 =	vadd.f32 v9, v11  }
0x2b9: {  	v11 =	vld [tilespmem:s30+$0x43B0]  }
0x2ba: {  	v5 =	vadd.f32 v8, v5;
	v6 =	vadd.f32 v6, v7;
	v7 =	vld [tilespmem:s30+$0x4040]  }
0x2bb: {  	v8 =	vld [tilespmem:s30+$0x40C0]  }
0x2bc: {  	[tilespmem:s28+$0x20] =	vst v5;
	v4 =	vadd.f32 v4, v12;
	v5 =	vadd.f32 v6, v9;
	v6 =	vld [tilespmem:s30+$0x4140]  }
0x2bd: {  	v9 =	vld [tilespmem:s30+$0x41C0]  }
0x2be: {  	v10 =	vadd.f32 v11, v10;
	v11 =	vld [tilespmem:s30+$0x4240]  }
0x2bf: {  	v12 =	vld [tilespmem:s30+$0x42C0]  }
0x2c0: {  	v4 =	vadd.f32 v10, v4;
	v10 =	vld [tilespmem:s30+$0x4340];
	v7 =	vadd.f32 v8, v7  }
0x2c1: {  	v8 =	vld [tilespmem:s30+$0x43C0]  }
0x2c2: {  	v4 =	vadd.f32 v4, v5;
	v5 =	vadd.f32 v9, v6;
	v6 =	vld [tilespmem:s30+$0x4050]  }
0x2c3: {  	v9 =	vld [tilespmem:s30+$0x40D0]  }
0x2c4: {  	[tilespmem:s28+$0x30] =	vst v4;
	v4 =	vadd.f32 v12, v11;
	v5 =	vadd.f32 v5, v7;
	v7 =	vld [tilespmem:s30+$0x4150]  }
0x2c5: {  	v11 =	vld [tilespmem:s30+$0x41D0]  }
0x2c6: {  	v8 =	vadd.f32 v8, v10;
	v10 =	vld [tilespmem:s30+$0x4250]  }
0x2c7: {  	v12 =	vld [tilespmem:s30+$0x42D0]  }
0x2c8: {  	v4 =	vadd.f32 v8, v4;
	v8 =	vld [tilespmem:s30+$0x4350];
	v6 =	vadd.f32 v9, v6  }
0x2c9: {  	v9 =	vld [tilespmem:s30+$0x43D0]  }
0x2ca: {  	v4 =	vadd.f32 v4, v5;
	v5 =	vadd.f32 v11, v7;
	v11 =	vld [tilespmem:s30+$0x4060]  }
0x2cb: {  	v13 =	vld [tilespmem:s30+$0x40E0]  }
0x2cc: {  	[tilespmem:s28+$0x40] =	vst v4;
	v10 =	vadd.f32 v12, v10;
	v7 =	vadd.f32 v5, v6;
	v4 =	vld [tilespmem:s30+$0x4160]  }
.Ltmp2:
0x2cd: {  	v5 =	vld [tilespmem:s30+$0x41E0];
	(pc) =	sbr.rel @p1 .LBB2_7-.Ltmp2, $4  }
0x2ce: {  	v8 =	vadd.f32 v9, v8;
	v6 =	vld [tilespmem:s30+$0x4260]  }
0x2cf: {  	v9 =	vld [tilespmem:s30+$0x42E0]  }
0x2d0: {  	v12 =	vadd.f32 v8, v10;
	v8 =	vld [tilespmem:s30+$0x4360];
	v11 =	vadd.f32 v13, v11  }
0x2d1: {  	v10 =	vld [tilespmem:s30+$0x43E0];
	s30 =	sadd.s32 $0x400, s30  }
0x2d2: {  	_ =	sdelay $0x2  }
0x2d3: {  	v4 =	vadd.f32 v5, v4  }
0x2d4: {  	v5 =	vadd.f32 v9, v6;
	v62 =	vadd.f32 v10, v8;
	_ =	sdelay $0x1  }
0x2d5: {  	p1 =	sne.s32 s22, $0x14;
	v4 =	vadd.f32 v4, v11;
	v5 =	vadd.f32 v62, v5  }
.Ltmp3:
0x2d6: {  	v63 =	vadd.f32 v12, v7;
	s29 =	sshll.u32 s25, $0x9;
	s30 =	sshll.u32 s25, $0x5;
	(pc) =	sbr.rel @p1 .LBB2_10-.Ltmp3, $4  }
0x2d7: {  	s29 =	sadd.s32 s12, s29;
	s25 =	sand.u32 $0x60, s30;
	v4 =	vadd.f32 v5, v4  }
0x2d8: {  	[tilespmem:s28+$0x50] =	vst v63;
	s29 =	sand.u32 $0x1FF800, s29;
	s25 =	sadd.s32 s3, s25  }
0x2d9: {  	s30 =	simm.s32 $0x1B000;
	s25 =	sadd.s32 s29, s25;
	[tilespmem:s28+$0x60] =	vst v4  }
0x2da: {  	[hbm4b:s25+s15] =	stream.strided.scatter [tilespmem:s30], [sflag:$0x5], $0x1000, s16, s15, $0x38;
	[tilespmem:$0x1D000] =	vst v63  }
.Ltmp4:
0x2db: {  	(pc) =	sbr.rel .LBB2_11-.Ltmp4, $4  }
0x2dc: {  	_ = 	snop  }
0x2dd: {  	_ =	swait.ge [sflag:s20], $0x8000  }
0x2de: {  	[sflag:s20] =	ssyncset.done $0x0  }
0x2df: {  	[sflag:s20] =	ssyncadd.s32 $0xFFFF8000  }
.LBB2_10:
0x2e0: {  	v4 =	vld [tilespmem:s26+$0x200];
	_ =	sdelay $0x4  }
0x2e1: {  	v5 =	vshll.u32 v4, $0x4  }
0x2e2: {  	v4 =	vand.u32 $0x7, v4;
	v5 =	vand.u32 $0xFFFFFF80, v5  }
0x2e3: {  	v4 =	vor.u32 v4, v5  }
0x2e4: {  	v5 =	vperm.xlane v4, v0;
	_ =	sdelay $0x1  }
0x2e5: {  	v5 =	vadd.s32 v2, v5;
	_ =	sdelay $0x3  }
0x2e6: {  	s25 =	simm.s32 $0xA000  }
0x2e7: {  	[tilespmem:s25], [sflag:$0x2] =	stream.indirect_vreg.gather [hbm4b:s2+s4], $0x80, v5, vm0, $0xb8;
	[tilespmem:$0x1D000] =	vst v63  }
0x2e8: {  	s28 =	simm.s32 $0xA800  }
0x2e9: {  	[tilespmem:s28], [sflag:$0x2] =	stream.indirect_vreg.gather [hbm4b:s6+s4], $0x80, v5, vm0, $0xb8;
	[tilespmem:$0x1D000] =	vst v63  }
0x2ea: {  	s29 =	simm.s32 $0xB000  }
0x2eb: {  	[tilespmem:s29], [sflag:$0x2] =	stream.indirect_vreg.gather [hbm4b:s7+s4], $0x80, v5, vm0, $0xb8;
	[tilespmem:$0x1D000] =	vst v63  }
0x2ec: {  	s30 =	simm.s32 $0xB800  }
0x2ed: {  	[tilespmem:s30], [sflag:$0x2] =	stream.indirect_vreg.gather [hbm4b:s8+s4], $0x80, v5, vm0, $0xb8;
	[tilespmem:$0x1D000] =	vst v63  }
0x2ee: {  	s26 =	simm.s32 $0xC000  }
0x2ef: {  	[tilespmem:s26], [sflag:$0x2] =	stream.indirect_vreg.gather [hbm4b:s9+s4], $0x80, v5, vm0, $0xb8;
	[tilespmem:$0x1D000] =	vst v63  }
0x2f0: {  	v4 =	vperm.xlane v4, v3;
	s28 =	simm.s32 $0xC800  }
0x2f1: {  	[tilespmem:s28], [sflag:$0x2] =	stream.indirect_vreg.gather [hbm4b:s10+s4], $0x80, v5, vm0, $0xb8;
	[tilespmem:$0x1D000] =	vst v63  }
0x2f2: {  	v4 =	vadd.s32 v2, v4;
	s29 =	simm.s32 $0xD000  }
0x2f3: {  	[tilespmem:s29], [sflag:$0x2] =	stream.indirect_vreg.gather [hbm4b:s11+s4], $0x80, v5, vm0, $0xb8;
	[tilespmem:$0x1D000] =	vst v63  }
0x2f4: {  	s30 =	simm.s32 $0xD800  }
0x2f5: {  	[tilespmem:s30], [sflag:$0x2] =	stream.indirect_vreg.gather [hbm4b:s13+s4], $0x80, v5, vm0, $0xb8;
	[tilespmem:$0x1D000] =	vst v63  }
0x2f6: {  	s26 =	simm.s32 $0xE000  }
0x2f7: {  	[tilespmem:s26], [sflag:$0x2] =	stream.indirect_vreg.gather [hbm4b:s2+s4], $0x80, v4, vm0, $0xb8;
	[tilespmem:$0x1D000] =	vst v63  }
0x2f8: {  	s28 =	simm.s32 $0xE800  }
0x2f9: {  	[tilespmem:s28], [sflag:$0x2] =	stream.indirect_vreg.gather [hbm4b:s6+s4], $0x80, v4, vm0, $0xb8;
	[tilespmem:$0x1D000] =	vst v63  }
0x2fa: {  	s29 =	simm.s32 $0xF000  }
0x2fb: {  	[tilespmem:s29], [sflag:$0x2] =	stream.indirect_vreg.gather [hbm4b:s7+s4], $0x80, v4, vm0, $0xb8;
	[tilespmem:$0x1D000] =	vst v63  }
0x2fc: {  	s30 =	simm.s32 $0xF800  }
0x2fd: {  	[tilespmem:s30], [sflag:$0x2] =	stream.indirect_vreg.gather [hbm4b:s8+s4], $0x80, v4, vm0, $0xb8;
	[tilespmem:$0x1D000] =	vst v63  }
0x2fe: {  	s26 =	simm.s32 $0x10000  }
0x2ff: {  	[tilespmem:s26], [sflag:$0x2] =	stream.indirect_vreg.gather [hbm4b:s9+s4], $0x80, v4, vm0, $0xb8;
	[tilespmem:$0x1D000] =	vst v63  }
0x300: {  	s28 =	simm.s32 $0x10800  }
0x301: {  	[tilespmem:s28], [sflag:$0x2] =	stream.indirect_vreg.gather [hbm4b:s10+s4], $0x80, v4, vm0, $0xb8;
	[tilespmem:$0x1D000] =	vst v63  }
0x302: {  	s29 =	simm.s32 $0x11000  }
0x303: {  	[tilespmem:s29], [sflag:$0x2] =	stream.indirect_vreg.gather [hbm4b:s11+s4], $0x80, v4, vm0, $0xb8;
	[tilespmem:$0x1D000] =	vst v63  }
.Ltmp5:
0x304: {  	s30 =	simm.s32 $0x11800;
	(pc) =	sbr.rel @p0 .LBB2_12-.Ltmp5, $4  }
0x305: {  	[tilespmem:s30], [sflag:$0x2] =	stream.indirect_vreg.gather [hbm4b:s13+s4], $0x80, v4, vm0, $0xb8;
	[tilespmem:$0x1D000] =	vst v63  }
0x306: {  	_ =	swait.ge [sflag:s20], $0x8000  }
0x307: {  	[sflag:s20] =	ssyncset.done $0x0  }
0x308: {  	[sflag:s20] =	ssyncadd.s32 $0xFFFF8000  }
.LBB2_11:
0x309: {  	_ =	swait.ge [sflag:s21], $0x1000  }
0x30a: {  	[sflag:s21] =	ssyncset.done $0x0  }
0x30b: {  	[sflag:s21] =	ssyncadd.s32 $0xFFFFF000  }
.LBB2_12:
0x30c: {  	s28 =	simm.s32 $0x12000  }
0x30d: {  	v4 =	vld [tilespmem:s28+$0x70]  }
0x30e: {  	v5 =	vld [tilespmem:s28+$0xF0]  }
0x30f: {  	v6 =	vld [tilespmem:s28+$0x170]  }
0x310: {  	v7 =	vld [tilespmem:s28+$0x1F0]  }
0x311: {  	v8 =	vld [tilespmem:s28+$0x270]  }
0x312: {  	v9 =	vld [tilespmem:s28+$0x2F0]  }
0x313: {  	v10 =	vld [tilespmem:s28+$0x370]  }
0x314: {  	v11 =	vld [tilespmem:s28+$0x3F0]  }
0x315: {  	v12 =	vld [tilespmem:s28+$0x80]  }
0x316: {  	v13 =	vld [tilespmem:s28+$0x100]  }
0x317: {  	v14 =	vld [tilespmem:s28+$0x180]  }
0x318: {  	v15 =	vld [tilespmem:s28+$0x200]  }
0x319: {  	v23 =	vld [tilespmem:s28+$0x210]  }
0x31a: {  	v24 =	vld [tilespmem:s28+$0x290]  }
0x31b: {  	v25 =	vld [tilespmem:s28+$0x310]  }
0x31c: {  	v26 =	vld [tilespmem:s28+$0x390]  }
0x31d: {  	v27 =	vld [tilespmem:s28+$0x20]  }
0x31e: {  	v28 =	vld [tilespmem:s28+$0xA0]  }
0x31f: {  	v29 =	vld [tilespmem:s28+$0x120]  }
0x320: {  	v30 =	vld [tilespmem:s28+$0x1A0]  }
0x321: {  	v31 =	vld [tilespmem:s28+$0x220]  }
0x322: {  	v32 =	vld [tilespmem:s28+$0x2A0]  }
0x323: {  	v33 =	vld [tilespmem:s28+$0x320]  }
0x324: {  	v34 =	vld [tilespmem:s28+$0x3A0]  }
0x325: {  	v35 =	vld [tilespmem:s28+$0x30]  }
0x326: {  	v36 =	vld [tilespmem:s28+$0xB0]  }
0x327: {  	v37 =	vld [tilespmem:s28+$0x130]  }
0x328: {  	v38 =	vld [tilespmem:s28+$0x1B0]  }
0x329: {  	v39 =	vld [tilespmem:s28+$0x230]  }
0x32a: {  	v40 =	vld [tilespmem:s28+$0x2B0]  }
0x32b: {  	v41 =	vld [tilespmem:s28+$0x330]  }
0x32c: {  	v42 =	vld [tilespmem:s28+$0x3B0]  }
0x32d: {  	v43 =	vld [tilespmem:s28+$0x40]  }
0x32e: {  	v44 =	vld [tilespmem:s28+$0xC0]  }
0x32f: {  	v45 =	vld [tilespmem:s28+$0x140]  }
0x330: {  	v46 =	vld [tilespmem:s28+$0x1C0]  }
0x331: {  	v47 =	vld [tilespmem:s28+$0x240]  }
0x332: {  	v48 =	vld [tilespmem:s28+$0x2C0]  }
0x333: {  	v49 =	vld [tilespmem:s28+$0x340]  }
0x334: {  	v50 =	vld [tilespmem:s28+$0x3C0]  }
0x335: {  	v51 =	vld [tilespmem:s28+$0x50]  }
0x336: {  	v52 =	vld [tilespmem:s28+$0xD0]  }
0x337: {  	v53 =	vld [tilespmem:s28+$0x150]  }
0x338: {  	v54 =	vld [tilespmem:s28+$0x1D0]  }
0x339: {  	v55 =	vld [tilespmem:s28+$0x250]  }
0x33a: {  	v56 =	vld [tilespmem:s28+$0x2D0]  }
0x33b: {  	v57 =	vld [tilespmem:s28+$0x350]  }
0x33c: {  	v58 =	vld [tilespmem:s28+$0x3D0]  }
0x33d: {  	v59 =	vld [tilespmem:s28+$0x60]  }
0x33e: {  	v4 =	vadd.f32 v5, v4;
	v5 =	vadd.f32 v7, v6;
	v6 =	vld [tilespmem:s28+$0x280]  }
0x33f: {  	v7 =	vadd.f32 v9, v8;
	v9 =	vld [tilespmem:s28+$0x300]  }
0x340: {  	v8 =	vadd.f32 v11, v10;
	v10 =	vld [tilespmem:s28+$0x380]  }
0x341: {  	v11 =	vld [tilespmem:s28+$0x190];
	v60 =	vadd.f32 v26, v25  }
0x342: {  	v25 =	vld [tilespmem:s28+$0x1E0];
	v4 =	vadd.f32 v5, v4;
	v5 =	vadd.f32 v8, v7  }
0x343: {  	v26 =	vld [tilespmem:s28+$0x3E0]  }
0x344: {  	v7 =	vld [tilespmem:s28+$0x10];
	v4 =	vadd.f32 v5, v4  }
0x345: {  	s25 =	simm.s32 $0x1C080;
	v8 =	vld [tilespmem:s28+$0x90]  }
0x346: {  	v5 =	vld [tilespmem:s28+$0x110];
	[tilespmem:s25+$0xFFFFFFF0] =	vst v4  }
0x347: {  	v4 =	vld [tilespmem:s28+$0x4070]  }
0x348: {  	v16 =	vld [tilespmem:s28+$0x40F0]  }
0x349: {  	v17 =	vld [tilespmem:s28+$0x4170]  }
0x34a: {  	v18 =	vld [tilespmem:s28+$0x41F0]  }
0x34b: {  	v19 =	vld [tilespmem:s28+$0x4270]  }
0x34c: {  	v27 =	vadd.f32 v28, v27;
	v20 =	vld [tilespmem:s28+$0x42F0]  }
0x34d: {  	v61 =	vadd.f32 v30, v29;
	v21 =	vld [tilespmem:s28+$0x4370];
	v7 =	vadd.f32 v8, v7  }
0x34e: {  	v22 =	vld [tilespmem:s28+$0x43F0];
	v5 =	vadd.f32 v11, v5;
	v11 =	vadd.f32 v24, v23  }
0x34f: {  	v62 =	vadd.f32 v32, v31;
	v63 =	vadd.f32 v34, v33;
	v8 =	vld [tilespmem:s28+$0xE0]  }
0x350: {  	v24 =	vld [tilespmem:s28+$0x160];
	v5 =	vadd.f32 v5, v7;
	v7 =	vadd.f32 v60, v11  }
0x351: {  	v35 =	vadd.f32 v36, v35;
	v6 =	vadd.f32 v6, v15;
	v23 =	vld [tilespmem:s28+$0x2E0]  }
0x352: {  	v15 =	vadd.f32 v61, v27;
	v11 =	vld [tilespmem:s28+$0x260];
	v5 =	vadd.f32 v7, v5  }
0x353: {  	v61 =	vadd.f32 v38, v37;
	v60 =	vadd.f32 v63, v62;
	v7 =	vld [tilespmem:s28+$0x360]  }
0x354: {  	v62 =	vadd.f32 v40, v39;
	v63 =	vadd.f32 v42, v41;
	[tilespmem:s25+$0xFFFFFF90] =	vst v5;
	v5 =	vld [tilespmem:s28+$0x0]  }
0x355: {  	v29 =	vld [tilespmem:s28+$0x4010]  }
0x356: {  	v35 =	vadd.f32 v61, v35;
	v42 =	vadd.f32 v63, v62;
	v32 =	vld [tilespmem:s28+$0x4090]  }
0x357: {  	v13 =	vadd.f32 v14, v13;
	v14 =	vld [tilespmem:s28+$0x4110]  }
0x358: {  	v9 =	vadd.f32 v10, v9;
	v62 =	vadd.f32 v42, v35;
	v28 =	vld [tilespmem:s28+$0x4190]  }
0x359: {  	v10 =	vld [tilespmem:s28+$0x4210]  }
0x35a: {  	v6 =	vadd.f32 v9, v6;
	v9 =	vld [tilespmem:s28+$0x4310];
	[tilespmem:s25+$0xFFFFFFB0] =	vst v62  }
0x35b: {  	v4 =	vadd.f32 v16, v4;
	v16 =	vld [tilespmem:s28+$0x4030]  }
0x35c: {  	v46 =	vadd.f32 v46, v45;
	v48 =	vadd.f32 v48, v47;
	v35 =	vld [tilespmem:s28+$0x40B0]  }
0x35d: {  	v49 =	vadd.f32 v50, v49;
	v63 =	vadd.f32 v44, v43;
	v44 =	vld [tilespmem:s28+$0x4130]  }
0x35e: {  	v52 =	vadd.f32 v52, v51;
	v61 =	vadd.f32 v20, v19;
	v47 =	vld [tilespmem:s28+$0x41B0]  }
0x35f: {  	v19 =	vadd.f32 v49, v48;
	v50 =	vadd.f32 v46, v63;
	v63 =	vld [tilespmem:s28+$0x42B0]  }
0x360: {  	v54 =	vadd.f32 v54, v53;
	v21 =	vadd.f32 v22, v21;
	v45 =	vld [tilespmem:s28+$0x4330]  }
0x361: {  	v8 =	vadd.f32 v8, v59;
	v19 =	vadd.f32 v19, v50;
	v49 =	vld [tilespmem:s28+$0x43B0]  }
0x362: {  	v5 =	vadd.f32 v12, v5;
	v12 =	vadd.f32 v60, v15;
	v15 =	vld [tilespmem:s28+$0x4290]  }
0x363: {  	[tilespmem:s25+$0xFFFFFFC0] =	vst v19;
	v60 =	vadd.f32 v18, v17;
	v18 =	vadd.f32 v21, v61;
	v21 =	vld [tilespmem:s28+$0x4230]  }
0x364: {  	v11 =	vadd.f32 v23, v11;
	v7 =	vadd.f32 v26, v7;
	v50 =	vld [tilespmem:s28+$0x4040]  }
0x365: {  	v48 =	vadd.f32 v25, v24;
	v61 =	vadd.f32 v54, v52;
	v52 =	vld [tilespmem:s28+$0x40C0]  }
0x366: {  	v7 =	vadd.f32 v7, v11;
	v11 =	vld [tilespmem:s28+$0x41C0]  }
0x367: {  	v8 =	vadd.f32 v48, v8;
	v54 =	vld [tilespmem:s28+$0x43C0]  }
0x368: {  	[tilespmem:s25+$0xFFFFFFA0] =	vst v12;
	v12 =	vld [tilespmem:s28+$0x4390]  }
0x369: {  	v7 =	vadd.f32 v7, v8;
	v8 =	vld [tilespmem:s28+$0x42C0]  }
0x36a: {  	v5 =	vadd.f32 v13, v5;
	v13 =	vld [tilespmem:s28+$0x40A0]  }
0x36b: {  	v38 =	vld [tilespmem:s28+$0x41A0]  }
0x36c: {  	v17 =	vld [tilespmem:s28+$0x4220]  }
0x36d: {  	v20 =	vld [tilespmem:s28+$0x42A0]  }
0x36e: {  	v39 =	vld [tilespmem:s28+$0x4320]  }
0x36f: {  	v43 =	vld [tilespmem:s28+$0x43A0];
	v5 =	vadd.f32 v6, v5  }
0x370: {  	v6 =	vld [tilespmem:s28+$0x4020]  }
0x371: {  	[tilespmem:s25+$0xFFFFFF80] =	vst v5;
	v5 =	vld [tilespmem:s28+$0x4120]  }
0x372: {  	v56 =	vadd.f32 v56, v55;
	v27 =	vld [tilespmem:s28+$0x4000]  }
0x373: {  	v51 =	vadd.f32 v32, v29;
	v14 =	vadd.f32 v28, v14;
	v30 =	vld [tilespmem:s28+$0x4080]  }
0x374: {  	v4 =	vadd.f32 v60, v4;
	v60 =	vadd.f32 v58, v57;
	v31 =	vld [tilespmem:s28+$0x4100]  }
0x375: {  	v33 =	vld [tilespmem:s28+$0x4180]  }
0x376: {  	v14 =	vadd.f32 v14, v51;
	v62 =	vadd.f32 v60, v56;
	v34 =	vld [tilespmem:s28+$0x4200]  }
0x377: {  	v4 =	vadd.f32 v18, v4;
	v18 =	vadd.f32 v49, v45;
	v37 =	vld [tilespmem:s28+$0x4280]  }
0x378: {  	v10 =	vadd.f32 v15, v10;
	v40 =	vld [tilespmem:s28+$0x4300];
	v9 =	vadd.f32 v12, v9  }
0x379: {  	[tilespmem:s25+$0xFFFFFFE0] =	vst v7;
	v7 =	vadd.f32 v52, v50;
	v46 =	vadd.f32 v62, v61;
	v41 =	vld [tilespmem:s28+$0x4380]  }
0x37a: {  	v12 =	vld [tilespmem:s28+$0x4140];
	v17 =	vadd.f32 v20, v17;
	v9 =	vadd.f32 v9, v10  }
0x37b: {  	[tilespmem:s25+$0xFFFFFFD0] =	vst v46;
	v57 =	vadd.f32 v43, v39;
	v10 =	vld [tilespmem:s28+$0x4240];
	v6 =	vadd.f32 v13, v6  }
0x37c: {  	v56 =	vld [tilespmem:s28+$0x4050];
	v9 =	vadd.f32 v9, v14;
	v5 =	vadd.f32 v38, v5  }
0x37d: {  	v58 =	vld [tilespmem:s28+$0x40D0];
	v13 =	vadd.f32 v30, v27;
	v15 =	vadd.f32 v33, v31  }
0x37e: {  	v59 =	vld [tilespmem:s28+$0x4150];
	v53 =	vadd.f32 v37, v34;
	v55 =	vadd.f32 v41, v40  }
0x37f: {  	v14 =	vld [tilespmem:s28+$0x4340];
	v11 =	vadd.f32 v11, v12;
	v5 =	vadd.f32 v5, v6  }
0x380: {  	v60 =	vld [tilespmem:s28+$0x41D0];
	v6 =	vadd.f32 v57, v17;
	v13 =	vadd.f32 v15, v13  }
0x381: {  	v61 =	vld [tilespmem:s28+$0x4250];
	v15 =	vadd.f32 v55, v53;
	v8 =	vadd.f32 v8, v10  }
0x382: {  	v62 =	vld [tilespmem:s28+$0x42D0];
	v20 =	vadd.f32 v6, v5;
	v5 =	vadd.f32 v47, v44  }
0x383: {  	v12 =	vld [tilespmem:s28+$0x43D0];
	v6 =	vadd.f32 v63, v21;
	v13 =	vadd.f32 v15, v13  }
0x384: {  	v63 =	vld [tilespmem:s28+$0x4350];
	v15 =	vadd.f32 v35, v16;
	v10 =	vadd.f32 v54, v14  }
0x385: {  	[tilespmem:s25+$0x70] =	vst v4;
	v4 =	vld [tilespmem:s28+$0x4160];
	v7 =	vadd.f32 v11, v7;
	v6 =	vadd.f32 v18, v6  }
0x386: {  	v14 =	vld [tilespmem:s28+$0x4060];
	v5 =	vadd.f32 v5, v15;
	v8 =	vadd.f32 v10, v8  }
0x387: {  	v11 =	vadd.f32 v58, v56;
	v16 =	vadd.f32 v62, v61;
	v15 =	vld [tilespmem:s28+$0x40E0]  }
0x388: {  	[tilespmem:s25+$0x0] =	vst v13;
	v10 =	vadd.f32 v6, v5;
	v5 =	vld [tilespmem:s28+$0x41E0];
	v13 =	vadd.f32 v8, v7  }
0x389: {  	[tilespmem:s25+$0x10] =	vst v9;
	v9 =	vld [tilespmem:s28+$0x42E0];
	v7 =	vadd.f32 v60, v59;
	v12 =	vadd.f32 v12, v63  }
0x38a: {  	[tilespmem:s25+$0x20] =	vst v20;
	v6 =	vld [tilespmem:s28+$0x4260]  }
0x38b: {  	v8 =	vld [tilespmem:s28+$0x4360];
	[tilespmem:s25+$0x30] =	vst v10;
	v7 =	vadd.f32 v7, v11;
	v12 =	vadd.f32 v12, v16  }
0x38c: {  	s26 =	simm.s32 $0x0;
	[tilespmem:s25+$0x40] =	vst v13;
	v10 =	vld [tilespmem:s28+$0x43E0];
	s28 =	simm.s32 $0x12400;
	v11 =	vadd.f32 v15, v14  }
.LBB2_13:
0x38d: {  	v13 =	vld [tilespmem:s28+$0x70];
	v7 =	vadd.f32 v12, v7;
	v4 =	vadd.f32 v5, v4  }
0x38e: {  	v5 =	vld [tilespmem:s28+$0xF0]  }
0x38f: {  	v12 =	vld [tilespmem:s28+$0x170];
	[tilespmem:s25+$0x50] =	vst v7;
	v6 =	vadd.f32 v9, v6;
	v7 =	vadd.f32 v4, v11  }
0x390: {  	v9 =	vld [tilespmem:s28+$0x1F0]  }
0x391: {  	v11 =	vld [tilespmem:s28+$0x270];
	v4 =	vadd.f32 v10, v8  }
0x392: {  	v8 =	vld [tilespmem:s28+$0x2F0]  }
0x393: {  	v10 =	vld [tilespmem:s28+$0x370];
	v6 =	vadd.f32 v4, v6  }
0x394: {  	v14 =	vld [tilespmem:s28+$0x3F0]  }
0x395: {  	v4 =	vld [tilespmem:s28+$0x80];
	v6 =	vadd.f32 v6, v7  }
0x396: {  	v7 =	vld [tilespmem:s28+$0x100]  }
0x397: {  	v15 =	vld [tilespmem:s28+$0x180];
	[tilespmem:s25+$0x60] =	vst v6  }
0x398: {  	v5 =	vadd.f32 v5, v13;
	v9 =	vadd.f32 v9, v12;
	v6 =	vld [tilespmem:s28+$0x200]  }
0x399: {  	v8 =	vadd.f32 v8, v11;
	v12 =	vld [tilespmem:s28+$0x280];
	v10 =	vadd.f32 v14, v10  }
0x39a: {  	v11 =	vld [tilespmem:s28+$0x300]  }
0x39b: {  	s26 =	sadd.s32 $0x8, s26;
	v9 =	vadd.f32 v9, v5;
	v13 =	vld [tilespmem:s28+$0x380];
	v8 =	vadd.f32 v10, v8  }
0x39c: {  	p0 =	slt.u32 s26, $0x78;
	v5 =	vadd.f32 v15, v7;
	v7 =	vld [tilespmem:s28+$0x10]  }
0x39d: {  	v10 =	vld [tilespmem:s28+$0x90];
	v8 =	vadd.f32 v8, v9  }
0x39e: {  	s25 =	sadd.s32 $0x100, s25;
	v6 =	vadd.f32 v12, v6;
	v9 =	vld [tilespmem:s28+$0x110]  }
0x39f: {  	v12 =	vld [tilespmem:s28+$0x190];
	[tilespmem:s25+$0xFFFFFFF0] =	vst v8  }
0x3a0: {  	v8 =	vadd.f32 v13, v11;
	v11 =	vld [tilespmem:s28+$0x4070]  }
0x3a1: {  	v13 =	vld [tilespmem:s28+$0x40F0]  }
0x3a2: {  	v6 =	vadd.f32 v8, v6;
	v7 =	vadd.f32 v10, v7;
	v8 =	vld [tilespmem:s28+$0x4170]  }
0x3a3: {  	v10 =	vld [tilespmem:s28+$0x41F0]  }
0x3a4: {  	v9 =	vadd.f32 v12, v9;
	v12 =	vld [tilespmem:s28+$0x4270]  }
0x3a5: {  	v14 =	vld [tilespmem:s28+$0x42F0]  }
0x3a6: {  	v7 =	vadd.f32 v9, v7;
	v9 =	vld [tilespmem:s28+$0x4370]  }
0x3a7: {  	v15 =	vld [tilespmem:s28+$0x43F0]  }
0x3a8: {  	v16 =	vld [tilespmem:s28+$0x210]  }
0x3a9: {  	v17 =	vld [tilespmem:s28+$0x290]  }
0x3aa: {  	v18 =	vld [tilespmem:s28+$0x310]  }
0x3ab: {  	v11 =	vadd.f32 v13, v11;
	v8 =	vadd.f32 v10, v8;
	v19 =	vld [tilespmem:s28+$0x390]  }
0x3ac: {  	v12 =	vadd.f32 v14, v12;
	v10 =	vld [tilespmem:s28+$0x20];
	v9 =	vadd.f32 v15, v9  }
0x3ad: {  	v13 =	vld [tilespmem:s28+$0xA0]  }
0x3ae: {  	v8 =	vadd.f32 v8, v11;
	v14 =	vld [tilespmem:s28+$0x120];
	v9 =	vadd.f32 v9, v12  }
0x3af: {  	v11 =	vadd.f32 v17, v16;
	v12 =	vld [tilespmem:s28+$0x1A0]  }
0x3b0: {  	v15 =	vadd.f32 v19, v18;
	v16 =	vld [tilespmem:s28+$0x220];
	v8 =	vadd.f32 v9, v8  }
0x3b1: {  	v9 =	vld [tilespmem:s28+$0x2A0]  }
0x3b2: {  	v11 =	vadd.f32 v15, v11;
	v15 =	vld [tilespmem:s28+$0x320];
	v10 =	vadd.f32 v13, v10;
	[tilespmem:s25+$0x70] =	vst v8  }
0x3b3: {  	v8 =	vld [tilespmem:s28+$0x3A0]  }
0x3b4: {  	v7 =	vadd.f32 v11, v7;
	v11 =	vadd.f32 v12, v14;
	v12 =	vld [tilespmem:s28+$0x30]  }
0x3b5: {  	v13 =	vld [tilespmem:s28+$0xB0]  }
0x3b6: {  	[tilespmem:s25+$0xFFFFFF90] =	vst v7;
	v7 =	vadd.f32 v9, v16;
	v9 =	vadd.f32 v11, v10;
	v10 =	vld [tilespmem:s28+$0x130]  }
0x3b7: {  	v11 =	vld [tilespmem:s28+$0x1B0]  }
0x3b8: {  	v8 =	vadd.f32 v8, v15;
	v14 =	vld [tilespmem:s28+$0x230]  }
0x3b9: {  	v15 =	vld [tilespmem:s28+$0x2B0]  }
0x3ba: {  	v7 =	vadd.f32 v8, v7;
	v8 =	vld [tilespmem:s28+$0x330];
	v12 =	vadd.f32 v13, v12  }
0x3bb: {  	v13 =	vld [tilespmem:s28+$0x3B0]  }
0x3bc: {  	v7 =	vadd.f32 v7, v9;
	v9 =	vadd.f32 v11, v10;
	v10 =	vld [tilespmem:s28+$0x40]  }
0x3bd: {  	v11 =	vld [tilespmem:s28+$0xC0]  }
0x3be: {  	[tilespmem:s25+$0xFFFFFFA0] =	vst v7;
	v7 =	vadd.f32 v15, v14;
	v9 =	vadd.f32 v9, v12;
	v12 =	vld [tilespmem:s28+$0x140]  }
0x3bf: {  	v14 =	vld [tilespmem:s28+$0x1C0]  }
0x3c0: {  	v8 =	vadd.f32 v13, v8;
	v13 =	vld [tilespmem:s28+$0x240]  }
0x3c1: {  	v15 =	vld [tilespmem:s28+$0x2C0]  }
0x3c2: {  	v7 =	vadd.f32 v8, v7;
	v8 =	vld [tilespmem:s28+$0x340];
	v10 =	vadd.f32 v11, v10  }
0x3c3: {  	v11 =	vld [tilespmem:s28+$0x3C0]  }
0x3c4: {  	v7 =	vadd.f32 v7, v9;
	v9 =	vadd.f32 v14, v12;
	v12 =	vld [tilespmem:s28+$0x50]  }
0x3c5: {  	v14 =	vld [tilespmem:s28+$0xD0]  }
0x3c6: {  	[tilespmem:s25+$0xFFFFFFB0] =	vst v7;
	v7 =	vadd.f32 v15, v13;
	v9 =	vadd.f32 v9, v10;
	v10 =	vld [tilespmem:s28+$0x150]  }
0x3c7: {  	v13 =	vld [tilespmem:s28+$0x1D0]  }
0x3c8: {  	v8 =	vadd.f32 v11, v8;
	v11 =	vld [tilespmem:s28+$0x250]  }
0x3c9: {  	v15 =	vld [tilespmem:s28+$0x2D0]  }
0x3ca: {  	v7 =	vadd.f32 v8, v7;
	v8 =	vld [tilespmem:s28+$0x350];
	v12 =	vadd.f32 v14, v12  }
0x3cb: {  	v14 =	vld [tilespmem:s28+$0x3D0]  }
0x3cc: {  	v7 =	vadd.f32 v7, v9;
	v9 =	vadd.f32 v13, v10;
	v10 =	vld [tilespmem:s28+$0x60]  }
0x3cd: {  	v13 =	vld [tilespmem:s28+$0xE0]  }
0x3ce: {  	[tilespmem:s25+$0xFFFFFFC0] =	vst v7;
	v7 =	vadd.f32 v15, v11;
	v9 =	vadd.f32 v9, v12;
	v11 =	vld [tilespmem:s28+$0x160]  }
0x3cf: {  	v12 =	vld [tilespmem:s28+$0x1E0]  }
0x3d0: {  	v8 =	vadd.f32 v14, v8;
	v14 =	vld [tilespmem:s28+$0x260]  }
0x3d1: {  	v15 =	vld [tilespmem:s28+$0x2E0]  }
0x3d2: {  	v7 =	vadd.f32 v8, v7;
	v8 =	vld [tilespmem:s28+$0x360];
	v10 =	vadd.f32 v13, v10  }
0x3d3: {  	v13 =	vld [tilespmem:s28+$0x3E0]  }
0x3d4: {  	v16 =	vld [tilespmem:s28+$0x0];
	v7 =	vadd.f32 v7, v9;
	v9 =	vadd.f32 v12, v11  }
0x3d5: {  	v11 =	vld [tilespmem:s28+$0x4010]  }
0x3d6: {  	v12 =	vld [tilespmem:s28+$0x4090];
	[tilespmem:s25+$0xFFFFFFD0] =	vst v7;
	v7 =	vadd.f32 v15, v14;
	v9 =	vadd.f32 v9, v10  }
0x3d7: {  	v10 =	vld [tilespmem:s28+$0x4110]  }
0x3d8: {  	v14 =	vld [tilespmem:s28+$0x4190];
	v8 =	vadd.f32 v13, v8  }
0x3d9: {  	v4 =	vadd.f32 v4, v16;
	v13 =	vld [tilespmem:s28+$0x4210]  }
0x3da: {  	v15 =	vld [tilespmem:s28+$0x4290];
	v7 =	vadd.f32 v8, v7  }
0x3db: {  	v4 =	vadd.f32 v5, v4;
	v5 =	vld [tilespmem:s28+$0x4310];
	v8 =	vadd.f32 v12, v11  }
0x3dc: {  	v11 =	vld [tilespmem:s28+$0x4390];
	v7 =	vadd.f32 v7, v9  }
0x3dd: {  	v4 =	vadd.f32 v6, v4;
	v6 =	vadd.f32 v14, v10;
	v9 =	vld [tilespmem:s28+$0x4020]  }
0x3de: {  	v10 =	vld [tilespmem:s28+$0x40A0];
	[tilespmem:s25+$0xFFFFFFE0] =	vst v7  }
0x3df: {  	[tilespmem:s25+$0xFFFFFF80] =	vst v4;
	v4 =	vadd.f32 v15, v13;
	v6 =	vadd.f32 v6, v8;
	v7 =	vld [tilespmem:s28+$0x4120]  }
0x3e0: {  	v8 =	vld [tilespmem:s28+$0x4000]  }
0x3e1: {  	v12 =	vld [tilespmem:s28+$0x4080];
	v5 =	vadd.f32 v11, v5  }
0x3e2: {  	v11 =	vld [tilespmem:s28+$0x4100]  }
0x3e3: {  	v13 =	vld [tilespmem:s28+$0x4180];
	v4 =	vadd.f32 v5, v4;
	v5 =	vadd.f32 v10, v9  }
0x3e4: {  	v9 =	vld [tilespmem:s28+$0x4200]  }
0x3e5: {  	v10 =	vld [tilespmem:s28+$0x4280];
	v4 =	vadd.f32 v4, v6  }
0x3e6: {  	v6 =	vld [tilespmem:s28+$0x4300];
	v8 =	vadd.f32 v12, v8  }
0x3e7: {  	v12 =	vld [tilespmem:s28+$0x4380];
	[tilespmem:s25+$0x10] =	vst v4  }
0x3e8: {  	v4 =	vadd.f32 v13, v11;
	v11 =	vld [tilespmem:s28+$0x41A0]  }
0x3e9: {  	v13 =	vld [tilespmem:s28+$0x4220]  }
0x3ea: {  	v9 =	vadd.f32 v10, v9;
	v4 =	vadd.f32 v4, v8;
	v8 =	vld [tilespmem:s28+$0x42A0]  }
0x3eb: {  	v10 =	vld [tilespmem:s28+$0x4320]  }
0x3ec: {  	v6 =	vadd.f32 v12, v6;
	v12 =	vld [tilespmem:s28+$0x43A0]  }
0x3ed: {  	v7 =	vadd.f32 v11, v7;
	v11 =	vld [tilespmem:s28+$0x4030]  }
0x3ee: {  	v6 =	vadd.f32 v6, v9;
	v9 =	vld [tilespmem:s28+$0x40B0]  }
0x3ef: {  	v8 =	vadd.f32 v8, v13;
	v5 =	vadd.f32 v7, v5;
	v7 =	vld [tilespmem:s28+$0x4130]  }
0x3f0: {  	v4 =	vadd.f32 v6, v4;
	v6 =	vld [tilespmem:s28+$0x41B0]  }
0x3f1: {  	v10 =	vadd.f32 v12, v10;
	v12 =	vld [tilespmem:s28+$0x4230]  }
0x3f2: {  	[tilespmem:s25+$0x0] =	vst v4;
	v4 =	vld [tilespmem:s28+$0x42B0]  }
0x3f3: {  	v8 =	vadd.f32 v10, v8;
	v10 =	vld [tilespmem:s28+$0x4330];
	v9 =	vadd.f32 v9, v11  }
0x3f4: {  	v11 =	vld [tilespmem:s28+$0x43B0]  }
0x3f5: {  	v5 =	vadd.f32 v8, v5;
	v6 =	vadd.f32 v6, v7;
	v7 =	vld [tilespmem:s28+$0x4040]  }
0x3f6: {  	v8 =	vld [tilespmem:s28+$0x40C0]  }
0x3f7: {  	[tilespmem:s25+$0x20] =	vst v5;
	v4 =	vadd.f32 v4, v12;
	v5 =	vadd.f32 v6, v9;
	v6 =	vld [tilespmem:s28+$0x4140]  }
0x3f8: {  	v9 =	vld [tilespmem:s28+$0x41C0]  }
0x3f9: {  	v10 =	vadd.f32 v11, v10;
	v11 =	vld [tilespmem:s28+$0x4240]  }
0x3fa: {  	v12 =	vld [tilespmem:s28+$0x42C0]  }
0x3fb: {  	v4 =	vadd.f32 v10, v4;
	v10 =	vld [tilespmem:s28+$0x4340];
	v7 =	vadd.f32 v8, v7  }
0x3fc: {  	v8 =	vld [tilespmem:s28+$0x43C0]  }
0x3fd: {  	v4 =	vadd.f32 v4, v5;
	v5 =	vadd.f32 v9, v6;
	v6 =	vld [tilespmem:s28+$0x4050]  }
0x3fe: {  	v9 =	vld [tilespmem:s28+$0x40D0]  }
0x3ff: {  	[tilespmem:s25+$0x30] =	vst v4;
	v4 =	vadd.f32 v12, v11;
	v5 =	vadd.f32 v5, v7;
	v7 =	vld [tilespmem:s28+$0x4150]  }
0x400: {  	v11 =	vld [tilespmem:s28+$0x41D0]  }
0x401: {  	v8 =	vadd.f32 v8, v10;
	v10 =	vld [tilespmem:s28+$0x4250]  }
0x402: {  	v12 =	vld [tilespmem:s28+$0x42D0]  }
0x403: {  	v4 =	vadd.f32 v8, v4;
	v8 =	vld [tilespmem:s28+$0x4350];
	v6 =	vadd.f32 v9, v6  }
0x404: {  	v9 =	vld [tilespmem:s28+$0x43D0]  }
0x405: {  	v4 =	vadd.f32 v4, v5;
	v5 =	vadd.f32 v11, v7;
	v11 =	vld [tilespmem:s28+$0x4060]  }
0x406: {  	v13 =	vld [tilespmem:s28+$0x40E0]  }
0x407: {  	[tilespmem:s25+$0x40] =	vst v4;
	v10 =	vadd.f32 v12, v10;
	v7 =	vadd.f32 v5, v6;
	v4 =	vld [tilespmem:s28+$0x4160]  }
.Ltmp6:
0x408: {  	v5 =	vld [tilespmem:s28+$0x41E0];
	(pc) =	sbr.rel @p0 .LBB2_13-.Ltmp6, $4  }
0x409: {  	v8 =	vadd.f32 v9, v8;
	v6 =	vld [tilespmem:s28+$0x4260]  }
0x40a: {  	v9 =	vld [tilespmem:s28+$0x42E0]  }
0x40b: {  	v12 =	vadd.f32 v8, v10;
	v8 =	vld [tilespmem:s28+$0x4360];
	v11 =	vadd.f32 v13, v11  }
0x40c: {  	v10 =	vld [tilespmem:s28+$0x43E0];
	s28 =	sadd.s32 $0x400, s28  }
0x40d: {  	_ =	sdelay $0x2  }
0x40e: {  	v4 =	vadd.f32 v5, v4  }
0x40f: {  	v5 =	vadd.f32 v9, v6;
	v62 =	vadd.f32 v10, v8  }
0x410: {  	s22 =	sadd.s32 $0x1, s22  }
0x411: {  	p0 =	sne.s32 s22, $0x15;
	v4 =	vadd.f32 v4, v11;
	v5 =	vadd.f32 v62, v5  }
.Ltmp7:
0x412: {  	v63 =	vadd.f32 v12, v7;
	s24 =	sshll.u32 s24, $0x5;
	(pc) =	sbr.rel @p0 .LBB2_4-.Ltmp7, $4  }
0x413: {  	s23 =	sadd.s32 s12, s23;
	s24 =	sand.u32 $0x60, s24;
	v4 =	vadd.f32 v5, v4  }
0x414: {  	s23 =	sand.u32 $0x1FF800, s23;
	[tilespmem:s25+$0x50] =	vst v63;
	s24 =	sadd.s32 s3, s24  }
0x415: {  	s30 =	simm.s32 $0x1C000;
	s23 =	sadd.s32 s23, s24;
	[tilespmem:s25+$0x60] =	vst v4  }
0x416: {  	[hbm4b:s23+s15] =	stream.strided.scatter [tilespmem:s30], [sflag:$0x6], $0x1000, s16, s15, $0x38;
	[tilespmem:$0x1D000] =	vst v63  }
0x417: {  	_ =	swait.ge [sflag:s17], $0x8000  }
0x418: {  	[sflag:s17] =	ssyncset.done $0x0  }
0x419: {  	s25 =	simm.s32 $0x4;
	[sflag:s17] =	ssyncadd.s32 $0xFFFF8000  }
0x41a: {  	_ =	swait.ge [sflag:s25], $0x1000  }
0x41b: {  	[sflag:s25] =	ssyncset.done $0x0  }
0x41c: {  	s24 =	simm.s32 $0x2000;
	[sflag:s25] =	ssyncadd.s32 $0xFFFFF000  }
0x41d: {  	v4 =	vld [tilespmem:s24+$0x70]  }
0x41e: {  	v5 =	vld [tilespmem:s24+$0xF0]  }
0x41f: {  	v6 =	vld [tilespmem:s24+$0x170]  }
0x420: {  	v7 =	vld [tilespmem:s24+$0x1F0]  }
0x421: {  	v8 =	vld [tilespmem:s24+$0x270]  }
0x422: {  	v9 =	vld [tilespmem:s24+$0x2F0]  }
0x423: {  	v10 =	vld [tilespmem:s24+$0x370]  }
0x424: {  	v11 =	vld [tilespmem:s24+$0x3F0]  }
0x425: {  	v12 =	vld [tilespmem:s24+$0x80]  }
0x426: {  	v13 =	vld [tilespmem:s24+$0x100]  }
0x427: {  	v14 =	vld [tilespmem:s24+$0x180]  }
0x428: {  	v15 =	vld [tilespmem:s24+$0x200]  }
0x429: {  	v23 =	vld [tilespmem:s24+$0x210]  }
0x42a: {  	v24 =	vld [tilespmem:s24+$0x290]  }
0x42b: {  	v25 =	vld [tilespmem:s24+$0x310]  }
0x42c: {  	v26 =	vld [tilespmem:s24+$0x390]  }
0x42d: {  	v27 =	vld [tilespmem:s24+$0x20]  }
0x42e: {  	v28 =	vld [tilespmem:s24+$0xA0]  }
0x42f: {  	v29 =	vld [tilespmem:s24+$0x120]  }
0x430: {  	v30 =	vld [tilespmem:s24+$0x1A0]  }
0x431: {  	v31 =	vld [tilespmem:s24+$0x220]  }
0x432: {  	v32 =	vld [tilespmem:s24+$0x2A0]  }
0x433: {  	v33 =	vld [tilespmem:s24+$0x320]  }
0x434: {  	v34 =	vld [tilespmem:s24+$0x3A0]  }
0x435: {  	v35 =	vld [tilespmem:s24+$0x30]  }
0x436: {  	v36 =	vld [tilespmem:s24+$0xB0]  }
0x437: {  	v37 =	vld [tilespmem:s24+$0x130]  }
0x438: {  	v38 =	vld [tilespmem:s24+$0x1B0]  }
0x439: {  	v39 =	vld [tilespmem:s24+$0x230]  }
0x43a: {  	v40 =	vld [tilespmem:s24+$0x2B0]  }
0x43b: {  	v41 =	vld [tilespmem:s24+$0x330]  }
0x43c: {  	v42 =	vld [tilespmem:s24+$0x3B0]  }
0x43d: {  	v43 =	vld [tilespmem:s24+$0x40]  }
0x43e: {  	v44 =	vld [tilespmem:s24+$0xC0]  }
0x43f: {  	v45 =	vld [tilespmem:s24+$0x140]  }
0x440: {  	v46 =	vld [tilespmem:s24+$0x1C0]  }
0x441: {  	v47 =	vld [tilespmem:s24+$0x240]  }
0x442: {  	v48 =	vld [tilespmem:s24+$0x2C0]  }
0x443: {  	v49 =	vld [tilespmem:s24+$0x340]  }
0x444: {  	v50 =	vld [tilespmem:s24+$0x3C0]  }
0x445: {  	v51 =	vld [tilespmem:s24+$0x50]  }
0x446: {  	v52 =	vld [tilespmem:s24+$0xD0]  }
0x447: {  	v53 =	vld [tilespmem:s24+$0x150]  }
0x448: {  	v54 =	vld [tilespmem:s24+$0x1D0]  }
0x449: {  	v55 =	vld [tilespmem:s24+$0x250]  }
0x44a: {  	v56 =	vld [tilespmem:s24+$0x2D0]  }
0x44b: {  	v57 =	vld [tilespmem:s24+$0x350]  }
0x44c: {  	v58 =	vld [tilespmem:s24+$0x3D0]  }
0x44d: {  	v59 =	vld [tilespmem:s24+$0x60]  }
0x44e: {  	v4 =	vadd.f32 v5, v4;
	v5 =	vadd.f32 v7, v6;
	v6 =	vld [tilespmem:s24+$0x280]  }
0x44f: {  	v7 =	vadd.f32 v9, v8;
	v9 =	vld [tilespmem:s24+$0x300]  }
0x450: {  	v8 =	vadd.f32 v11, v10;
	v10 =	vld [tilespmem:s24+$0x380]  }
0x451: {  	v11 =	vld [tilespmem:s24+$0x190];
	v60 =	vadd.f32 v26, v25  }
0x452: {  	v25 =	vld [tilespmem:s24+$0x1E0];
	v4 =	vadd.f32 v5, v4;
	v5 =	vadd.f32 v8, v7  }
0x453: {  	v26 =	vld [tilespmem:s24+$0x3E0]  }
0x454: {  	v7 =	vld [tilespmem:s24+$0x10];
	v4 =	vadd.f32 v5, v4  }
0x455: {  	s22 =	simm.s32 $0x1A080;
	v8 =	vld [tilespmem:s24+$0x90]  }
0x456: {  	v5 =	vld [tilespmem:s24+$0x110];
	[tilespmem:s22+$0xFFFFFFF0] =	vst v4  }
0x457: {  	v4 =	vld [tilespmem:s24+$0x4070]  }
0x458: {  	v16 =	vld [tilespmem:s24+$0x40F0]  }
0x459: {  	v17 =	vld [tilespmem:s24+$0x4170]  }
0x45a: {  	v18 =	vld [tilespmem:s24+$0x41F0]  }
0x45b: {  	v19 =	vld [tilespmem:s24+$0x4270]  }
0x45c: {  	v27 =	vadd.f32 v28, v27;
	v20 =	vld [tilespmem:s24+$0x42F0]  }
0x45d: {  	v61 =	vadd.f32 v30, v29;
	v21 =	vld [tilespmem:s24+$0x4370];
	v7 =	vadd.f32 v8, v7  }
0x45e: {  	v22 =	vld [tilespmem:s24+$0x43F0];
	v5 =	vadd.f32 v11, v5;
	v11 =	vadd.f32 v24, v23  }
0x45f: {  	v62 =	vadd.f32 v32, v31;
	v63 =	vadd.f32 v34, v33;
	v8 =	vld [tilespmem:s24+$0xE0]  }
0x460: {  	v24 =	vld [tilespmem:s24+$0x160];
	v5 =	vadd.f32 v5, v7;
	v7 =	vadd.f32 v60, v11  }
0x461: {  	v35 =	vadd.f32 v36, v35;
	v6 =	vadd.f32 v6, v15;
	v23 =	vld [tilespmem:s24+$0x2E0]  }
0x462: {  	v15 =	vadd.f32 v61, v27;
	v11 =	vld [tilespmem:s24+$0x260];
	v5 =	vadd.f32 v7, v5  }
0x463: {  	v61 =	vadd.f32 v38, v37;
	v60 =	vadd.f32 v63, v62;
	v7 =	vld [tilespmem:s24+$0x360]  }
0x464: {  	v62 =	vadd.f32 v40, v39;
	v63 =	vadd.f32 v42, v41;
	[tilespmem:s22+$0xFFFFFF90] =	vst v5;
	v5 =	vld [tilespmem:s24+$0x0]  }
0x465: {  	v29 =	vld [tilespmem:s24+$0x4010]  }
0x466: {  	v35 =	vadd.f32 v61, v35;
	v42 =	vadd.f32 v63, v62;
	v32 =	vld [tilespmem:s24+$0x4090]  }
0x467: {  	v13 =	vadd.f32 v14, v13;
	v14 =	vld [tilespmem:s24+$0x4110]  }
0x468: {  	v9 =	vadd.f32 v10, v9;
	v62 =	vadd.f32 v42, v35;
	v28 =	vld [tilespmem:s24+$0x4190]  }
0x469: {  	v10 =	vld [tilespmem:s24+$0x4210]  }
0x46a: {  	v6 =	vadd.f32 v9, v6;
	v9 =	vld [tilespmem:s24+$0x4310];
	[tilespmem:s22+$0xFFFFFFB0] =	vst v62  }
0x46b: {  	v4 =	vadd.f32 v16, v4;
	v16 =	vld [tilespmem:s24+$0x4030]  }
0x46c: {  	v46 =	vadd.f32 v46, v45;
	v48 =	vadd.f32 v48, v47;
	v35 =	vld [tilespmem:s24+$0x40B0]  }
0x46d: {  	v49 =	vadd.f32 v50, v49;
	v63 =	vadd.f32 v44, v43;
	v44 =	vld [tilespmem:s24+$0x4130]  }
0x46e: {  	v52 =	vadd.f32 v52, v51;
	v61 =	vadd.f32 v20, v19;
	v47 =	vld [tilespmem:s24+$0x41B0]  }
0x46f: {  	v19 =	vadd.f32 v49, v48;
	v50 =	vadd.f32 v46, v63;
	v63 =	vld [tilespmem:s24+$0x42B0]  }
0x470: {  	v54 =	vadd.f32 v54, v53;
	v21 =	vadd.f32 v22, v21;
	v45 =	vld [tilespmem:s24+$0x4330]  }
0x471: {  	v8 =	vadd.f32 v8, v59;
	v19 =	vadd.f32 v19, v50;
	v49 =	vld [tilespmem:s24+$0x43B0]  }
0x472: {  	v5 =	vadd.f32 v12, v5;
	v12 =	vadd.f32 v60, v15;
	v15 =	vld [tilespmem:s24+$0x4290]  }
0x473: {  	[tilespmem:s22+$0xFFFFFFC0] =	vst v19;
	v60 =	vadd.f32 v18, v17;
	v18 =	vadd.f32 v21, v61;
	v21 =	vld [tilespmem:s24+$0x4230]  }
0x474: {  	v11 =	vadd.f32 v23, v11;
	v7 =	vadd.f32 v26, v7;
	v50 =	vld [tilespmem:s24+$0x4040]  }
0x475: {  	v48 =	vadd.f32 v25, v24;
	v61 =	vadd.f32 v54, v52;
	v52 =	vld [tilespmem:s24+$0x40C0]  }
0x476: {  	v7 =	vadd.f32 v7, v11;
	v11 =	vld [tilespmem:s24+$0x41C0]  }
0x477: {  	v8 =	vadd.f32 v48, v8;
	v54 =	vld [tilespmem:s24+$0x43C0]  }
0x478: {  	[tilespmem:s22+$0xFFFFFFA0] =	vst v12;
	v12 =	vld [tilespmem:s24+$0x4390]  }
0x479: {  	v7 =	vadd.f32 v7, v8;
	v8 =	vld [tilespmem:s24+$0x42C0]  }
0x47a: {  	v5 =	vadd.f32 v13, v5;
	v13 =	vld [tilespmem:s24+$0x40A0]  }
0x47b: {  	v38 =	vld [tilespmem:s24+$0x41A0]  }
0x47c: {  	v17 =	vld [tilespmem:s24+$0x4220]  }
0x47d: {  	v20 =	vld [tilespmem:s24+$0x42A0]  }
0x47e: {  	v39 =	vld [tilespmem:s24+$0x4320]  }
0x47f: {  	v43 =	vld [tilespmem:s24+$0x43A0];
	v5 =	vadd.f32 v6, v5  }
0x480: {  	v6 =	vld [tilespmem:s24+$0x4020]  }
0x481: {  	[tilespmem:s22+$0xFFFFFF80] =	vst v5;
	v5 =	vld [tilespmem:s24+$0x4120]  }
0x482: {  	v56 =	vadd.f32 v56, v55;
	v27 =	vld [tilespmem:s24+$0x4000]  }
0x483: {  	v51 =	vadd.f32 v32, v29;
	v14 =	vadd.f32 v28, v14;
	v30 =	vld [tilespmem:s24+$0x4080]  }
0x484: {  	v4 =	vadd.f32 v60, v4;
	v60 =	vadd.f32 v58, v57;
	v31 =	vld [tilespmem:s24+$0x4100]  }
0x485: {  	v33 =	vld [tilespmem:s24+$0x4180]  }
0x486: {  	v14 =	vadd.f32 v14, v51;
	v62 =	vadd.f32 v60, v56;
	v34 =	vld [tilespmem:s24+$0x4200]  }
0x487: {  	v4 =	vadd.f32 v18, v4;
	v18 =	vadd.f32 v49, v45;
	v37 =	vld [tilespmem:s24+$0x4280]  }
0x488: {  	v10 =	vadd.f32 v15, v10;
	v40 =	vld [tilespmem:s24+$0x4300];
	v9 =	vadd.f32 v12, v9  }
0x489: {  	[tilespmem:s22+$0xFFFFFFE0] =	vst v7;
	v7 =	vadd.f32 v52, v50;
	v46 =	vadd.f32 v62, v61;
	v41 =	vld [tilespmem:s24+$0x4380]  }
0x48a: {  	v12 =	vld [tilespmem:s24+$0x4140];
	v17 =	vadd.f32 v20, v17;
	v9 =	vadd.f32 v9, v10  }
0x48b: {  	[tilespmem:s22+$0xFFFFFFD0] =	vst v46;
	v57 =	vadd.f32 v43, v39;
	v10 =	vld [tilespmem:s24+$0x4240];
	v6 =	vadd.f32 v13, v6  }
0x48c: {  	v56 =	vld [tilespmem:s24+$0x4050];
	v9 =	vadd.f32 v9, v14;
	v5 =	vadd.f32 v38, v5  }
0x48d: {  	v58 =	vld [tilespmem:s24+$0x40D0];
	v13 =	vadd.f32 v30, v27;
	v15 =	vadd.f32 v33, v31  }
0x48e: {  	v59 =	vld [tilespmem:s24+$0x4150];
	v53 =	vadd.f32 v37, v34;
	v55 =	vadd.f32 v41, v40  }
0x48f: {  	v14 =	vld [tilespmem:s24+$0x4340];
	v11 =	vadd.f32 v11, v12;
	v5 =	vadd.f32 v5, v6  }
0x490: {  	v60 =	vld [tilespmem:s24+$0x41D0];
	v6 =	vadd.f32 v57, v17;
	v13 =	vadd.f32 v15, v13  }
0x491: {  	v61 =	vld [tilespmem:s24+$0x4250];
	v15 =	vadd.f32 v55, v53;
	v8 =	vadd.f32 v8, v10  }
0x492: {  	v62 =	vld [tilespmem:s24+$0x42D0];
	v20 =	vadd.f32 v6, v5;
	v5 =	vadd.f32 v47, v44  }
0x493: {  	v12 =	vld [tilespmem:s24+$0x43D0];
	v6 =	vadd.f32 v63, v21;
	v13 =	vadd.f32 v15, v13  }
0x494: {  	v63 =	vld [tilespmem:s24+$0x4350];
	v15 =	vadd.f32 v35, v16;
	v10 =	vadd.f32 v54, v14  }
0x495: {  	[tilespmem:s22+$0x70] =	vst v4;
	v4 =	vld [tilespmem:s24+$0x4160];
	v7 =	vadd.f32 v11, v7;
	v6 =	vadd.f32 v18, v6  }
0x496: {  	v14 =	vld [tilespmem:s24+$0x4060];
	v5 =	vadd.f32 v5, v15;
	v8 =	vadd.f32 v10, v8  }
0x497: {  	v11 =	vadd.f32 v58, v56;
	v16 =	vadd.f32 v62, v61;
	v15 =	vld [tilespmem:s24+$0x40E0]  }
0x498: {  	[tilespmem:s22+$0x0] =	vst v13;
	v10 =	vadd.f32 v6, v5;
	v5 =	vld [tilespmem:s24+$0x41E0];
	v13 =	vadd.f32 v8, v7  }
0x499: {  	[tilespmem:s22+$0x10] =	vst v9;
	v9 =	vld [tilespmem:s24+$0x42E0];
	v7 =	vadd.f32 v60, v59;
	v12 =	vadd.f32 v12, v63  }
0x49a: {  	[tilespmem:s22+$0x20] =	vst v20;
	v6 =	vld [tilespmem:s24+$0x4260]  }
0x49b: {  	v8 =	vld [tilespmem:s24+$0x4360];
	[tilespmem:s22+$0x30] =	vst v10;
	v7 =	vadd.f32 v7, v11;
	v12 =	vadd.f32 v12, v16  }
0x49c: {  	s23 =	simm.s32 $0x0;
	[tilespmem:s22+$0x40] =	vst v13;
	v10 =	vld [tilespmem:s24+$0x43E0];
	s24 =	simm.s32 $0x2400;
	v11 =	vadd.f32 v15, v14  }
.LBB2_16:
0x49d: {  	v13 =	vld [tilespmem:s24+$0x70];
	v7 =	vadd.f32 v12, v7;
	v4 =	vadd.f32 v5, v4  }
0x49e: {  	v5 =	vld [tilespmem:s24+$0xF0]  }
0x49f: {  	v12 =	vld [tilespmem:s24+$0x170];
	[tilespmem:s22+$0x50] =	vst v7;
	v6 =	vadd.f32 v9, v6;
	v7 =	vadd.f32 v4, v11  }
0x4a0: {  	v9 =	vld [tilespmem:s24+$0x1F0]  }
0x4a1: {  	v11 =	vld [tilespmem:s24+$0x270];
	v4 =	vadd.f32 v10, v8  }
0x4a2: {  	v8 =	vld [tilespmem:s24+$0x2F0]  }
0x4a3: {  	v10 =	vld [tilespmem:s24+$0x370];
	v6 =	vadd.f32 v4, v6  }
0x4a4: {  	v14 =	vld [tilespmem:s24+$0x3F0]  }
0x4a5: {  	v4 =	vld [tilespmem:s24+$0x80];
	v6 =	vadd.f32 v6, v7  }
0x4a6: {  	v7 =	vld [tilespmem:s24+$0x100]  }
0x4a7: {  	v15 =	vld [tilespmem:s24+$0x180];
	[tilespmem:s22+$0x60] =	vst v6  }
0x4a8: {  	v5 =	vadd.f32 v5, v13;
	v9 =	vadd.f32 v9, v12;
	v6 =	vld [tilespmem:s24+$0x200]  }
0x4a9: {  	v8 =	vadd.f32 v8, v11;
	v12 =	vld [tilespmem:s24+$0x280];
	v10 =	vadd.f32 v14, v10  }
0x4aa: {  	v11 =	vld [tilespmem:s24+$0x300]  }
0x4ab: {  	s23 =	sadd.s32 $0x8, s23;
	v9 =	vadd.f32 v9, v5;
	v13 =	vld [tilespmem:s24+$0x380];
	v8 =	vadd.f32 v10, v8  }
0x4ac: {  	p0 =	slt.u32 s23, $0x78;
	v5 =	vadd.f32 v15, v7;
	v7 =	vld [tilespmem:s24+$0x10]  }
0x4ad: {  	v10 =	vld [tilespmem:s24+$0x90];
	v8 =	vadd.f32 v8, v9  }
0x4ae: {  	s22 =	sadd.s32 $0x100, s22;
	v6 =	vadd.f32 v12, v6;
	v9 =	vld [tilespmem:s24+$0x110]  }
0x4af: {  	v12 =	vld [tilespmem:s24+$0x190];
	[tilespmem:s22+$0xFFFFFFF0] =	vst v8  }
0x4b0: {  	v8 =	vadd.f32 v13, v11;
	v11 =	vld [tilespmem:s24+$0x4070]  }
0x4b1: {  	v13 =	vld [tilespmem:s24+$0x40F0]  }
0x4b2: {  	v6 =	vadd.f32 v8, v6;
	v7 =	vadd.f32 v10, v7;
	v8 =	vld [tilespmem:s24+$0x4170]  }
0x4b3: {  	v10 =	vld [tilespmem:s24+$0x41F0]  }
0x4b4: {  	v9 =	vadd.f32 v12, v9;
	v12 =	vld [tilespmem:s24+$0x4270]  }
0x4b5: {  	v14 =	vld [tilespmem:s24+$0x42F0]  }
0x4b6: {  	v7 =	vadd.f32 v9, v7;
	v9 =	vld [tilespmem:s24+$0x4370]  }
0x4b7: {  	v15 =	vld [tilespmem:s24+$0x43F0]  }
0x4b8: {  	v16 =	vld [tilespmem:s24+$0x210]  }
0x4b9: {  	v17 =	vld [tilespmem:s24+$0x290]  }
0x4ba: {  	v18 =	vld [tilespmem:s24+$0x310]  }
0x4bb: {  	v11 =	vadd.f32 v13, v11;
	v8 =	vadd.f32 v10, v8;
	v19 =	vld [tilespmem:s24+$0x390]  }
0x4bc: {  	v12 =	vadd.f32 v14, v12;
	v10 =	vld [tilespmem:s24+$0x20];
	v9 =	vadd.f32 v15, v9  }
0x4bd: {  	v13 =	vld [tilespmem:s24+$0xA0]  }
0x4be: {  	v8 =	vadd.f32 v8, v11;
	v14 =	vld [tilespmem:s24+$0x120];
	v9 =	vadd.f32 v9, v12  }
0x4bf: {  	v11 =	vadd.f32 v17, v16;
	v12 =	vld [tilespmem:s24+$0x1A0]  }
0x4c0: {  	v15 =	vadd.f32 v19, v18;
	v16 =	vld [tilespmem:s24+$0x220];
	v8 =	vadd.f32 v9, v8  }
0x4c1: {  	v9 =	vld [tilespmem:s24+$0x2A0]  }
0x4c2: {  	v11 =	vadd.f32 v15, v11;
	v15 =	vld [tilespmem:s24+$0x320];
	v10 =	vadd.f32 v13, v10;
	[tilespmem:s22+$0x70] =	vst v8  }
0x4c3: {  	v8 =	vld [tilespmem:s24+$0x3A0]  }
0x4c4: {  	v7 =	vadd.f32 v11, v7;
	v11 =	vadd.f32 v12, v14;
	v12 =	vld [tilespmem:s24+$0x30]  }
0x4c5: {  	v13 =	vld [tilespmem:s24+$0xB0]  }
0x4c6: {  	[tilespmem:s22+$0xFFFFFF90] =	vst v7;
	v7 =	vadd.f32 v9, v16;
	v9 =	vadd.f32 v11, v10;
	v10 =	vld [tilespmem:s24+$0x130]  }
0x4c7: {  	v11 =	vld [tilespmem:s24+$0x1B0]  }
0x4c8: {  	v8 =	vadd.f32 v8, v15;
	v14 =	vld [tilespmem:s24+$0x230]  }
0x4c9: {  	v15 =	vld [tilespmem:s24+$0x2B0]  }
0x4ca: {  	v7 =	vadd.f32 v8, v7;
	v8 =	vld [tilespmem:s24+$0x330];
	v12 =	vadd.f32 v13, v12  }
0x4cb: {  	v13 =	vld [tilespmem:s24+$0x3B0]  }
0x4cc: {  	v7 =	vadd.f32 v7, v9;
	v9 =	vadd.f32 v11, v10;
	v10 =	vld [tilespmem:s24+$0x40]  }
0x4cd: {  	v11 =	vld [tilespmem:s24+$0xC0]  }
0x4ce: {  	[tilespmem:s22+$0xFFFFFFA0] =	vst v7;
	v7 =	vadd.f32 v15, v14;
	v9 =	vadd.f32 v9, v12;
	v12 =	vld [tilespmem:s24+$0x140]  }
0x4cf: {  	v14 =	vld [tilespmem:s24+$0x1C0]  }
0x4d0: {  	v8 =	vadd.f32 v13, v8;
	v13 =	vld [tilespmem:s24+$0x240]  }
0x4d1: {  	v15 =	vld [tilespmem:s24+$0x2C0]  }
0x4d2: {  	v7 =	vadd.f32 v8, v7;
	v8 =	vld [tilespmem:s24+$0x340];
	v10 =	vadd.f32 v11, v10  }
0x4d3: {  	v11 =	vld [tilespmem:s24+$0x3C0]  }
0x4d4: {  	v7 =	vadd.f32 v7, v9;
	v9 =	vadd.f32 v14, v12;
	v12 =	vld [tilespmem:s24+$0x50]  }
0x4d5: {  	v14 =	vld [tilespmem:s24+$0xD0]  }
0x4d6: {  	[tilespmem:s22+$0xFFFFFFB0] =	vst v7;
	v7 =	vadd.f32 v15, v13;
	v9 =	vadd.f32 v9, v10;
	v10 =	vld [tilespmem:s24+$0x150]  }
0x4d7: {  	v13 =	vld [tilespmem:s24+$0x1D0]  }
0x4d8: {  	v8 =	vadd.f32 v11, v8;
	v11 =	vld [tilespmem:s24+$0x250]  }
0x4d9: {  	v15 =	vld [tilespmem:s24+$0x2D0]  }
0x4da: {  	v7 =	vadd.f32 v8, v7;
	v8 =	vld [tilespmem:s24+$0x350];
	v12 =	vadd.f32 v14, v12  }
0x4db: {  	v14 =	vld [tilespmem:s24+$0x3D0]  }
0x4dc: {  	v7 =	vadd.f32 v7, v9;
	v9 =	vadd.f32 v13, v10;
	v10 =	vld [tilespmem:s24+$0x60]  }
0x4dd: {  	v13 =	vld [tilespmem:s24+$0xE0]  }
0x4de: {  	[tilespmem:s22+$0xFFFFFFC0] =	vst v7;
	v7 =	vadd.f32 v15, v11;
	v9 =	vadd.f32 v9, v12;
	v11 =	vld [tilespmem:s24+$0x160]  }
0x4df: {  	v12 =	vld [tilespmem:s24+$0x1E0]  }
0x4e0: {  	v8 =	vadd.f32 v14, v8;
	v14 =	vld [tilespmem:s24+$0x260]  }
0x4e1: {  	v15 =	vld [tilespmem:s24+$0x2E0]  }
0x4e2: {  	v7 =	vadd.f32 v8, v7;
	v8 =	vld [tilespmem:s24+$0x360];
	v10 =	vadd.f32 v13, v10  }
0x4e3: {  	v13 =	vld [tilespmem:s24+$0x3E0]  }
0x4e4: {  	v16 =	vld [tilespmem:s24+$0x0];
	v7 =	vadd.f32 v7, v9;
	v9 =	vadd.f32 v12, v11  }
0x4e5: {  	v11 =	vld [tilespmem:s24+$0x4010]  }
0x4e6: {  	v12 =	vld [tilespmem:s24+$0x4090];
	[tilespmem:s22+$0xFFFFFFD0] =	vst v7;
	v7 =	vadd.f32 v15, v14;
	v9 =	vadd.f32 v9, v10  }
0x4e7: {  	v10 =	vld [tilespmem:s24+$0x4110]  }
0x4e8: {  	v14 =	vld [tilespmem:s24+$0x4190];
	v8 =	vadd.f32 v13, v8  }
0x4e9: {  	v4 =	vadd.f32 v4, v16;
	v13 =	vld [tilespmem:s24+$0x4210]  }
0x4ea: {  	v15 =	vld [tilespmem:s24+$0x4290];
	v7 =	vadd.f32 v8, v7  }
0x4eb: {  	v4 =	vadd.f32 v5, v4;
	v5 =	vld [tilespmem:s24+$0x4310];
	v8 =	vadd.f32 v12, v11  }
0x4ec: {  	v11 =	vld [tilespmem:s24+$0x4390];
	v7 =	vadd.f32 v7, v9  }
0x4ed: {  	v4 =	vadd.f32 v6, v4;
	v6 =	vadd.f32 v14, v10;
	v9 =	vld [tilespmem:s24+$0x4020]  }
0x4ee: {  	v10 =	vld [tilespmem:s24+$0x40A0];
	[tilespmem:s22+$0xFFFFFFE0] =	vst v7  }
0x4ef: {  	[tilespmem:s22+$0xFFFFFF80] =	vst v4;
	v4 =	vadd.f32 v15, v13;
	v6 =	vadd.f32 v6, v8;
	v7 =	vld [tilespmem:s24+$0x4120]  }
0x4f0: {  	v8 =	vld [tilespmem:s24+$0x4000]  }
0x4f1: {  	v12 =	vld [tilespmem:s24+$0x4080];
	v5 =	vadd.f32 v11, v5  }
0x4f2: {  	v11 =	vld [tilespmem:s24+$0x4100]  }
0x4f3: {  	v13 =	vld [tilespmem:s24+$0x4180];
	v4 =	vadd.f32 v5, v4;
	v5 =	vadd.f32 v10, v9  }
0x4f4: {  	v9 =	vld [tilespmem:s24+$0x4200]  }
0x4f5: {  	v10 =	vld [tilespmem:s24+$0x4280];
	v4 =	vadd.f32 v4, v6  }
0x4f6: {  	v6 =	vld [tilespmem:s24+$0x4300];
	v8 =	vadd.f32 v12, v8  }
0x4f7: {  	v12 =	vld [tilespmem:s24+$0x4380];
	[tilespmem:s22+$0x10] =	vst v4  }
0x4f8: {  	v4 =	vadd.f32 v13, v11;
	v11 =	vld [tilespmem:s24+$0x41A0]  }
0x4f9: {  	v13 =	vld [tilespmem:s24+$0x4220]  }
0x4fa: {  	v9 =	vadd.f32 v10, v9;
	v4 =	vadd.f32 v4, v8;
	v8 =	vld [tilespmem:s24+$0x42A0]  }
0x4fb: {  	v10 =	vld [tilespmem:s24+$0x4320]  }
0x4fc: {  	v6 =	vadd.f32 v12, v6;
	v12 =	vld [tilespmem:s24+$0x43A0]  }
0x4fd: {  	v7 =	vadd.f32 v11, v7;
	v11 =	vld [tilespmem:s24+$0x4030]  }
0x4fe: {  	v6 =	vadd.f32 v6, v9;
	v9 =	vld [tilespmem:s24+$0x40B0]  }
0x4ff: {  	v8 =	vadd.f32 v8, v13;
	v5 =	vadd.f32 v7, v5;
	v7 =	vld [tilespmem:s24+$0x4130]  }
0x500: {  	v4 =	vadd.f32 v6, v4;
	v6 =	vld [tilespmem:s24+$0x41B0]  }
0x501: {  	v10 =	vadd.f32 v12, v10;
	v12 =	vld [tilespmem:s24+$0x4230]  }
0x502: {  	[tilespmem:s22+$0x0] =	vst v4;
	v4 =	vld [tilespmem:s24+$0x42B0]  }
0x503: {  	v8 =	vadd.f32 v10, v8;
	v10 =	vld [tilespmem:s24+$0x4330];
	v9 =	vadd.f32 v9, v11  }
0x504: {  	v11 =	vld [tilespmem:s24+$0x43B0]  }
0x505: {  	v5 =	vadd.f32 v8, v5;
	v6 =	vadd.f32 v6, v7;
	v7 =	vld [tilespmem:s24+$0x4040]  }
0x506: {  	v8 =	vld [tilespmem:s24+$0x40C0]  }
0x507: {  	[tilespmem:s22+$0x20] =	vst v5;
	v4 =	vadd.f32 v4, v12;
	v5 =	vadd.f32 v6, v9;
	v6 =	vld [tilespmem:s24+$0x4140]  }
0x508: {  	v9 =	vld [tilespmem:s24+$0x41C0]  }
0x509: {  	v10 =	vadd.f32 v11, v10;
	v11 =	vld [tilespmem:s24+$0x4240]  }
0x50a: {  	v12 =	vld [tilespmem:s24+$0x42C0]  }
0x50b: {  	v4 =	vadd.f32 v10, v4;
	v10 =	vld [tilespmem:s24+$0x4340];
	v7 =	vadd.f32 v8, v7  }
0x50c: {  	v8 =	vld [tilespmem:s24+$0x43C0]  }
0x50d: {  	v4 =	vadd.f32 v4, v5;
	v5 =	vadd.f32 v9, v6;
	v6 =	vld [tilespmem:s24+$0x4050]  }
0x50e: {  	v9 =	vld [tilespmem:s24+$0x40D0]  }
0x50f: {  	[tilespmem:s22+$0x30] =	vst v4;
	v4 =	vadd.f32 v12, v11;
	v5 =	vadd.f32 v5, v7;
	v7 =	vld [tilespmem:s24+$0x4150]  }
0x510: {  	v11 =	vld [tilespmem:s24+$0x41D0]  }
0x511: {  	v8 =	vadd.f32 v8, v10;
	v10 =	vld [tilespmem:s24+$0x4250]  }
0x512: {  	v12 =	vld [tilespmem:s24+$0x42D0]  }
0x513: {  	v4 =	vadd.f32 v8, v4;
	v8 =	vld [tilespmem:s24+$0x4350];
	v6 =	vadd.f32 v9, v6  }
0x514: {  	v9 =	vld [tilespmem:s24+$0x43D0]  }
0x515: {  	v4 =	vadd.f32 v4, v5;
	v5 =	vadd.f32 v11, v7;
	v11 =	vld [tilespmem:s24+$0x4060]  }
0x516: {  	v13 =	vld [tilespmem:s24+$0x40E0]  }
0x517: {  	[tilespmem:s22+$0x40] =	vst v4;
	v10 =	vadd.f32 v12, v10;
	v7 =	vadd.f32 v5, v6;
	v4 =	vld [tilespmem:s24+$0x4160]  }
.Ltmp8:
0x518: {  	v5 =	vld [tilespmem:s24+$0x41E0];
	(pc) =	sbr.rel @p0 .LBB2_16-.Ltmp8, $4  }
0x519: {  	v8 =	vadd.f32 v9, v8;
	v6 =	vld [tilespmem:s24+$0x4260]  }
0x51a: {  	v9 =	vld [tilespmem:s24+$0x42E0]  }
0x51b: {  	v12 =	vadd.f32 v8, v10;
	v8 =	vld [tilespmem:s24+$0x4360];
	v11 =	vadd.f32 v13, v11  }
0x51c: {  	v10 =	vld [tilespmem:s24+$0x43E0];
	s24 =	sadd.s32 $0x400, s24  }
0x51d: {  	_ =	sdelay $0x2  }
0x51e: {  	v4 =	vadd.f32 v5, v4  }
0x51f: {  	v5 =	vadd.f32 v9, v6;
	v62 =	vadd.f32 v10, v8;
	_ =	sdelay $0x1  }
0x520: {  	v4 =	vadd.f32 v4, v11;
	v5 =	vadd.f32 v62, v5  }
0x521: {  	v63 =	vadd.f32 v12, v7  }
0x522: {  	v4 =	vadd.f32 v5, v4  }
0x523: {  	[tilespmem:s22+$0x50] =	vst v63  }
0x524: {  	[tilespmem:s22+$0x60] =	vst v4  }
0x525: {  	s29 =	simm.s32 $0x5;
	s22 =	rddreg [dreg:$0x5]  }
0x526: {  	[hbm4b:s22+s15] =	stream.strided.scatter [tilespmem:s18], [sflag:$0x4], $0x1000, s16, s15, $0x38;
	[tilespmem:$0x1D000] =	vst v63  }
0x527: {  	_ =	swait.ge [sflag:s29], $0x1000  }
0x528: {  	[sflag:s29] =	ssyncset.done $0x0  }
0x529: {  	[sflag:s29] =	ssyncadd.s32 $0xFFFFF000  }
0x52a: {  	_ =	swait.ge [sflag:s21], $0x1000  }
0x52b: {  	[sflag:s21] =	ssyncset.done $0x0  }
0x52c: {  	[sflag:s21] =	ssyncadd.s32 $0xFFFFF000  }
0x52d: {  	_ =	swait.ge [sflag:s25], $0x1000  }
0x52e: {  	s23 =	rddreg [dreg:$0x7]  }
0x52f: {  	s30 =	rddreg [dreg:$0x6];
	s23 =	sadd.s32 $0x1, s23  }
0x530: {  	p0 =	sne.s32 s23, s30  }
.Ltmp9:
0x531: {  	_ = 	snop;
	(pc) =	sbr.rel @p0 .LBB2_1-.Ltmp9, $3  }
0x532: {  	_ =	sdelay $0x1  }
0x533: {  	[sflag:s25] =	ssyncset.done $0x0  }
0x534: {  	[sflag:s25] =	ssyncadd.s32 $0xFFFFF000  }
0x535: {  	_ =	sfence.sel $0x180000  }
0x536: {  	[bflag:$0x0] =	sbarrier.arrive $0xFFFF  }
0x537: {  	_ =	strace $0x90000047  }
0x538: {  	s0 =	stileid.u32;
	[bflag:$0x2] =	sbarrier.arrive $0xFFFF  }
0x539: {  	p0 =	sne.s32 s0, $0x0;
	s0 =	rddreg [dreg:$0x3]  }
0x53a: {  	s0 =	sadd.s32 @!p0 $0x100000, s0  }
0x53b: {  	[sflag:s0] =	ssyncadd.tile.s32 @!p0 $0x1;
	_ =	shalt  }
.Lfunc_end2:
_tile_overlayer_lowered:
.L_overlay_start_2:
0x53c: {  	(tag) =	ssettag $0x2  }
0x53d: {  	s0 =	rddreg [dreg:$0x0];
	s2 =	stileid.u32  }
0x53e: {  	s1 =	rddreg [dreg:$0x1];
	p0 =	sne.s32 s2, $0x0  }
0x53f: {  	s3 =	rddreg [dreg:$0x2];
	[bflag:$0x3] =	sbarrier.arrive $0xFFFF;
	s2 =	simm.s32 @!p0 $0x1C07  }
0x540: {  	[timem:s3], [sflag:s2] =	dma.local @!p0 [hbm:s0], s1  }
0x541: {  	s0 =	simm.s32 @!p0 $0x7  }
0x542: {  	_ =	swait.ge @!p0 [sflag:s0], s1  }
0x543: {  	s1 =	ssub.s32 @!p0 $0x0, s1;
	[sflag:s0] =	ssyncset.done @!p0 $0x0  }
0x544: {  	[sflag:s0] =	ssyncadd.s32 @!p0 s1  }
0x545: {  	[bflag:$0x3] =	sbarrier.arrive $0xFFFF  }
0x546: {  	_ =	shalt  }

</sc_bundles>
